<compile_context>
chip_gen: v7x
topology: tpu7x:2x2x1
jax: 0.10.2.dev20260603
libtpu: 0.0.44.dev20260713+nightly
codegen_flags: <defaults>
</compile_context>

<pallas_src>
import functools

import jax
import jax.numpy as jnp
from jax import lax
from jax.experimental import pallas as pl
from jax.experimental.pallas import tpu as pltpu
from jax.experimental.pallas import tpu_sc as plsc

_N = 10000
_E = 160000
_F = 128
_NB = 8
_SHD = 9
_NSPEC = 10
_INV_SQRT_AVG = 0.25

_NC = 2
_NS = 16
_NW = _NC * _NS
_EPW = _E // _NW
_CH = 40
_NCHUNK = _EPW // _CH
_EA = 102400
_NPAD = 10240
_NPT = _NPAD // _NS

def _make_gather_body(epw, nchunk):
    def body_fn(nf_hbm, snd3_hbm, out_hbm, idx_v, rows_v, sem0, sem1, sem2,
                sem3):
        c = lax.axis_index("c")
        s = lax.axis_index("s")
        wid = c * _NS + s
        base0 = wid * epw
        pltpu.sync_copy(snd3_hbm.at[wid], idx_v)
        sems = (sem0, sem1, sem2, sem3)

        def start(i, b):
            pltpu.async_copy(nf_hbm.at[idx_v.at[i]], rows_v.at[b], sems[b])

        def wait(i, b):
            pltpu.make_async_copy(nf_hbm.at[idx_v.at[i]], rows_v.at[b],
                                  sems[b]).wait()

        def out(i, b):
            pltpu.sync_copy(rows_v.at[b],
                            out_hbm.at[pl.ds(base0 + i * _CH, _CH), :])

        for b in range(3):
            start(b, b)

        def quad(j, _):
            for b in range(4):
                i = j * 4 + b
                wait(i, b)

                @pl.when(i + 3 < nchunk)
                def _():
                    start(i + 3, (b + 3) % 4)

                out(i, b)
            return ()

        lax.fori_loop(0, nchunk // 4, quad, (), unroll=False)
        for i in range((nchunk // 4) * 4, nchunk):
            wait(i, i % 4)
            out(i, i % 4)

    return body_fn


def _make_scatter_body(epw, nchunk):
    def body_fn(m_hbm, rcv3_hbm, zeros_hbm, out_hbm, acc_sh, idx_v, rows_v,
                sem0, sem1, sem2, sem3):
        c = lax.axis_index("c")
        s = lax.axis_index("s")
        wid = c * _NS + s
        base0 = wid * epw
        nbase = s * _NPT
        pltpu.sync_copy(zeros_hbm, acc_sh.at[pl.ds(nbase, _NPT), :])
        pltpu.sync_copy(rcv3_hbm.at[wid], idx_v)
        plsc.subcore_barrier()
        sems = (sem0, sem1, sem2, sem3)

        def start(i, b):
            pltpu.async_copy(m_hbm.at[pl.ds(base0 + i * _CH, _CH), :],
                             rows_v.at[b], sems[b])

        def wait(i, b):
            pltpu.make_async_copy(m_hbm.at[pl.ds(base0 + i * _CH, _CH), :],
                                  rows_v.at[b], sems[b]).wait()

        for b in range(3):
            start(b, b)

        def quad(j, _):
            for b in range(4):
                i = j * 4 + b
                wait(i, b)

                @pl.when(i + 3 < nchunk)
                def _():
                    start(i + 3, (b + 3) % 4)

                pltpu.sync_copy(rows_v.at[b], acc_sh.at[idx_v.at[i]],
                                add=True)
            return ()

        lax.fori_loop(0, nchunk // 4, quad, (), unroll=False)
        for i in range((nchunk // 4) * 4, nchunk):
            wait(i, i % 4)
            pltpu.sync_copy(rows_v.at[i % 4], acc_sh.at[idx_v.at[i]],
                            add=True)
        plsc.subcore_barrier()
        pltpu.sync_copy(acc_sh.at[pl.ds(nbase, _NPT), :],
                        out_hbm.at[c, pl.ds(nbase, _NPT), :])

    return body_fn


@functools.lru_cache(maxsize=None)
def _sc_impls(esize):
    epw = esize // _NW
    nchunk = epw // _CH
    mesh = plsc.VectorSubcoreMesh(core_axis_name="c", subcore_axis_name="s",
                                  num_cores=_NC, num_subcores=_NS)
    gather = pl.kernel(
        _make_gather_body(epw, nchunk),
        out_type=jax.ShapeDtypeStruct((esize, _F), jnp.float32),
        mesh=mesh,
        scratch_types=[
            pltpu.VMEM((nchunk, _CH), jnp.int32),
            pltpu.VMEM((4, _CH, _F), jnp.float32),
            pltpu.SemaphoreType.DMA,
            pltpu.SemaphoreType.DMA,
            pltpu.SemaphoreType.DMA,
            pltpu.SemaphoreType.DMA,
        ],
    )
    scatter = pl.kernel(
        _make_scatter_body(epw, nchunk),
        out_type=jax.ShapeDtypeStruct((_NC, _NPAD, _F), jnp.float32),
        mesh=mesh,
        scratch_types=[
            pltpu.VMEM_SHARED((_NPAD, _F), jnp.float32),
            pltpu.VMEM((nchunk, _CH), jnp.int32),
            pltpu.VMEM((4, _CH, _F), jnp.float32),
            pltpu.SemaphoreType.DMA,
            pltpu.SemaphoreType.DMA,
            pltpu.SemaphoreType.DMA,
            pltpu.SemaphoreType.DMA,
        ],
    )
    return gather, scatter


_CHK = 3200


def _tc_coef_body(vt_ref, radt_ref, wr1t_ref, br1t_ref, wr2t_ref, br2t_ref,
                  ct_ref):
    v = vt_ref[...]
    rsq = jnp.sum(v * v, axis=0, keepdims=True)
    inv = 1.0 / (jnp.sqrt(rsq) + 1e-8)
    x = v[0:1, :] * inv
    y = v[1:2, :] * inv
    z = v[2:3, :] * inv
    rh = jnp.dot(wr1t_ref[...], radt_ref[...],
                 preferred_element_type=jnp.float32) + br1t_ref[...]
    rh = rh * (1.0 / (1.0 + jnp.exp(-rh)))
    rw = jnp.dot(wr2t_ref[...], rh,
                 preferred_element_type=jnp.float32) + br2t_ref[...]
    yt = jnp.concatenate([jnp.ones_like(x), x, y, z,
                          x * y, y * z, 3.0 * z * z - 1.0, x * z,
                          x * x - y * y], axis=0)
    ct_ref[...] = (yt * rw).astype(jnp.bfloat16)


def _tc_coef(vt, radt, wr1t, br1t, wr2t, br2t):
    grid = (_E // _CHK,)
    return pl.pallas_call(
        _tc_coef_body,
        grid=grid,
        in_specs=[
            pl.BlockSpec((3, _CHK), lambda i: (0, i)),
            pl.BlockSpec((_NB, _CHK), lambda i: (0, i)),
            pl.BlockSpec((64, _NB), lambda i: (0, 0)),
            pl.BlockSpec((64, 1), lambda i: (0, 0)),
            pl.BlockSpec((_SHD, 64), lambda i: (0, 0)),
            pl.BlockSpec((_SHD, 1), lambda i: (0, 0)),
        ],
        out_specs=pl.BlockSpec((_SHD, _CHK), lambda i: (0, i)),
        out_shape=jax.ShapeDtypeStruct((_SHD, _E), jnp.bfloat16),
    )(vt, radt, wr1t, br1t, wr2t, br2t)


_TE = 3200


def _tc_edge_body(ct_ref, h_ref, bsel_ref, wlin_ref, m_ref):
    h_bf = h_ref[...].astype(jnp.bfloat16)
    pmat = lax.dot_general(
        ct_ref[...], bsel_ref[...],
        dimension_numbers=(((0,), (0,)), ((), ())),
        preferred_element_type=jnp.float32).astype(jnp.bfloat16)
    xedge = jnp.concatenate(
        [pmat[:, lm * _F:(lm + 1) * _F] * h_bf for lm in range(_SHD)], axis=1)
    m_ref[...] = jnp.dot(xedge, wlin_ref[...],
                         preferred_element_type=jnp.float32)


def _tc_edge(ct, h_send, bsel, wlin, esize, blk0):
    grid = (esize // _TE,)
    return pl.pallas_call(
        _tc_edge_body,
        grid=grid,
        in_specs=[
            pl.BlockSpec((_SHD, _TE), lambda i: (0, i + blk0)),
            pl.BlockSpec((_TE, _F), lambda i: (i, 0)),
            pl.BlockSpec((_SHD, _SHD * _F), lambda i: (0, 0)),
            pl.BlockSpec((_SHD * _F, _F), lambda i: (0, 0)),
        ],
        out_specs=pl.BlockSpec((_TE, _F), lambda i: (i, 0)),
        out_shape=jax.ShapeDtypeStruct((esize, _F), jnp.float32),
    )(ct, h_send, bsel, wlin)


_TN = 1000


def _tc_node_body(p0_ref, p1_ref, p2_ref, p3_ref, nf_ref, spec_ref,
                  wskip_ref, wprod_ref, wpl_ref, wread_ref, out1_ref,
                  feats_ref):
    f = ((p0_ref[...] + p1_ref[...]) + (p2_ref[...] + p3_ref[...])) \
        * _INV_SQRT_AVG
    spec = spec_ref[...]
    nf = nf_ref[...]
    parts = [jnp.where(spec == s, nf, 0.0) for s in range(_NSPEC)]
    xcat = jnp.concatenate(parts, axis=1)
    sc = jnp.dot(xcat, wskip_ref[...], preferred_element_type=jnp.float32)
    iota = lax.broadcasted_iota(jnp.int32, (1, _NSPEC), 1)
    onehot = (spec == iota).astype(jnp.float32)
    w = jnp.dot(onehot, wprod_ref[...], preferred_element_type=jnp.float32)
    w0, w1, w2 = w[:, :_F], w[:, _F:2 * _F], w[:, 2 * _F:3 * _F]
    pb = (w0 + w1 * f + w2 * (f * f)) * f
    feats = jnp.dot(pb, wpl_ref[...], preferred_element_type=jnp.float32) + sc
    feats_ref[...] = feats
    out1_ref[...] = jnp.dot(feats, wread_ref[...],
                            preferred_element_type=jnp.float32)


def _tc_node(p0, p1, p2, p3, node_feats, spec2, wskip_flat, wprod2, wpl,
             wread):
    grid = (_N // _TN,)
    return pl.pallas_call(
        _tc_node_body,
        grid=grid,
        in_specs=[
            pl.BlockSpec((_TN, _F), lambda i: (i, 0)),
            pl.BlockSpec((_TN, _F), lambda i: (i, 0)),
            pl.BlockSpec((_TN, _F), lambda i: (i, 0)),
            pl.BlockSpec((_TN, _F), lambda i: (i, 0)),
            pl.BlockSpec((_TN, _F), lambda i: (i, 0)),
            pl.BlockSpec((_TN, 1), lambda i: (i, 0)),
            pl.BlockSpec((_NSPEC * _F, _F), lambda i: (0, 0)),
            pl.BlockSpec((_NSPEC, 3 * _F), lambda i: (0, 0)),
            pl.BlockSpec((_F, _F), lambda i: (0, 0)),
            pl.BlockSpec((_F, 1), lambda i: (0, 0)),
        ],
        out_specs=[
            pl.BlockSpec((_TN, 1), lambda i: (i, 0)),
            pl.BlockSpec((_TN, _F), lambda i: (i, 0)),
        ],
        out_shape=[
            jax.ShapeDtypeStruct((_N, 1), jnp.float32),
            jax.ShapeDtypeStruct((_N, _F), jnp.float32),
        ],
    )(p0, p1, p2, p3, node_feats, spec2, wskip_flat, wprod2, wpl, wread)


def kernel(vectors, node_feats, node_specie, radial_embedding, senders,
           receivers, W_skip, Wr1, br1, Wr2, br2, W_lin, w_prod, W_prodlin,
           W_read):
    ea, eb = _EA, _E - _EA
    snd = senders.astype(jnp.int32)
    rcv = receivers.astype(jnp.int32)
    snd3a = snd[:ea].reshape(_NW, ea // _NW // _CH, _CH)
    snd3b = snd[ea:].reshape(_NW, eb // _NW // _CH, _CH)
    rcv3a = rcv[:ea].reshape(_NW, ea // _NW // _CH, _CH)
    rcv3b = rcv[ea:].reshape(_NW, eb // _NW // _CH, _CH)
    wlin_bf = W_lin.astype(jnp.bfloat16)
    bsel = jnp.repeat(jnp.eye(_SHD, dtype=jnp.bfloat16), _F, axis=1)
    zeros_tile = jnp.zeros((_NPT, _F), jnp.float32)

    gather_a, scatter_a = _sc_impls(ea)
    gather_b, scatter_b = _sc_impls(eb)
    ct = _tc_coef(vectors.T, radial_embedding.T, Wr1.T,
                  br1.reshape(64, 1), Wr2.T, br2.reshape(_SHD, 1))
    h_a = gather_a(node_feats, snd3a)
    h_b = gather_b(node_feats, snd3b)
    m_a = _tc_edge(ct, h_a, bsel, wlin_bf, ea, 0)
    partials_a = scatter_a(m_a, rcv3a, zeros_tile)
    m_b = _tc_edge(ct, h_b, bsel, wlin_bf, eb, ea // _TE)
    partials_b = scatter_b(m_b, rcv3b, zeros_tile)

    spec2 = node_specie.astype(jnp.int32).reshape(_N, 1)
    wskip_flat = W_skip.reshape(_NSPEC * _F, _F)
    wprod2 = w_prod.reshape(_NSPEC, 3 * _F)
    node_outputs, feats = _tc_node(partials_a[0, :_N], partials_a[1, :_N],
                                   partials_b[0, :_N], partials_b[1, :_N],
                                   node_feats, spec2,
                                   wskip_flat, wprod2, W_prodlin, W_read)
    return node_outputs, feats

# --- scband reference (transcript-rebuilt; emitter-appended) ---
"""Pipeline reference for scband-macelayer-17935783428301 (READ-ONLY COPY).

The authoritative reference and input builder live on the scoring server;
editing this copy changes nothing except your own understanding.
"""

import jax, jax.numpy as jnp
import numpy as np

N = 10000
E = 160000
F = 128
NB = 8
SHD = 9  # (max_ell+1)^2 with max_ell=2
NSPEC = 10
CORR = 3
AVG = 16.0


def _sph(v):
    # real spherical harmonics up to l=2 (unnormalized constants, simplified)
    r = jnp.sqrt(jnp.sum(v * v, axis=-1, keepdims=True)) + 1e-8
    u = v / r
    x, y, z = u[:, 0], u[:, 1], u[:, 2]
    return jnp.stack([
        jnp.ones_like(x),          # l=0
        x, y, z,                   # l=1
        x * y, y * z, 3.0 * z * z - 1.0, x * z, x * x - y * y,  # l=2
    ], axis=-1)


def setup_inputs(seed: int = 0) -> dict:
    key = jax.random.key(seed)
    ks = jax.random.split(key, 16)
    vectors = jax.random.normal(ks[0], (E, 3), dtype=jnp.float32)
    node_feats = jax.random.normal(ks[1], (N, F), dtype=jnp.float32)
    node_specie = jax.random.randint(ks[2], (N,), 0, NSPEC)
    radial_embedding = jax.random.normal(ks[3], (E, NB), dtype=jnp.float32)
    senders = jax.random.randint(ks[4], (E,), 0, N)
    receivers = jax.random.randint(ks[5], (E,), 0, N)

    def s(k, shp, fan):
        return (jax.random.normal(k, shp, dtype=jnp.float32) / np.sqrt(fan)).astype(jnp.float32)

    W_skip = s(ks[6], (NSPEC, F, F), F)           # species-indexed skip linear
    Wr1 = s(ks[7], (NB, 64), NB)
    br1 = jnp.zeros((64,), jnp.float32)
    Wr2 = s(ks[8], (64, SHD), 64)
    br2 = jnp.zeros((SHD,), jnp.float32)
    W_lin = s(ks[9], (SHD * F, F), SHD * F)        # post-aggregation linear
    w_prod = s(ks[10], (NSPEC, CORR, F), 1)        # symmetric product-basis weights
    W_prodlin = s(ks[11], (F, F), F)
    W_read = s(ks[12], (F, 1), F)                  # linear readout (0e output)
    return dict(vectors=vectors, node_feats=node_feats, node_specie=node_specie,
                radial_embedding=radial_embedding, senders=senders, receivers=receivers,
                W_skip=W_skip, Wr1=Wr1, br1=br1, Wr2=Wr2, br2=br2, W_lin=W_lin,
                w_prod=w_prod, W_prodlin=W_prodlin, W_read=W_read)


def reference(vectors, node_feats, node_specie, radial_embedding, senders, receivers,
              W_skip, Wr1, br1, Wr2, br2, W_lin, w_prod, W_prodlin, W_read):
    # self-connection (skip_tp): species-indexed linear
    sc = jnp.einsum('nf,nfg->ng', node_feats, W_skip[node_specie])

    # InteractionBlock: sh(vectors) x gathered node feats, weighted by radial MLP
    Y = _sph(vectors)                                   # [E, SHD]
    Rh = jax.nn.silu(radial_embedding @ Wr1 + br1)
    Rw = Rh @ Wr2 + br2                                 # [E, SHD]
    h_send = jnp.take(node_feats, senders, axis=0)      # gather [E, F]
    cols = []
    for lm in range(SHD):
        coeff = (Y[:, lm] * Rw[:, lm])[:, None]
        cols.append(jax.ops.segment_sum(h_send * coeff, receivers, num_segments=N))
    A = jnp.concatenate(cols, axis=-1)                  # [N, SHD*F]
    feats = (A @ W_lin) / jnp.sqrt(AVG)                 # epsilon is None -> / sqrt(avg_num_neighbors)

    # EquivariantProductBasisBlock: species-indexed symmetric contractions up to correlation=3
    w = w_prod[node_specie]                             # [N, CORR, F]
    pb = jnp.zeros_like(feats)
    p = feats
    for nu in range(CORR):
        pb = pb + w[:, nu, :] * p
        p = p * feats
    feats = pb @ W_prodlin

    feats = feats + sc                                  # residual (first=False)
    node_outputs = feats @ W_read                       # LinearReadoutBlock (last=False)
    return node_outputs, feats

if __name__ == "__main__":
    import jax
    _d = setup_inputs()
    print(jax.jit(kernel)(*tuple(_d.values())))

</pallas_src>

<mosaic_0001>
#map = affine_map<(d0, d1) -> (0, 0)>
#map1 = affine_map<(d0, d1) -> (0, 0, 0)>
module attributes {stable_mosaic.version = 14 : i64} {
  func.func @body_fn(%arg0: i32, %arg1: i32, %arg2: memref<10000x128xf32, #tpu.memory_space<hbm>>, %arg3: memref<32x80x40xi32, #tpu.memory_space<hbm>>, %arg4: memref<102400x128xf32, #tpu.memory_space<hbm>>, %arg5: memref<80x40xi32, #tpu.memory_space<vmem>>, %arg6: memref<4x40x128xf32, #tpu.memory_space<vmem>>, %arg7: memref<!tpu.dma_semaphore, #tpu.memory_space<semaphore_mem>>, %arg8: memref<!tpu.dma_semaphore, #tpu.memory_space<semaphore_mem>>, %arg9: memref<!tpu.dma_semaphore, #tpu.memory_space<semaphore_mem>>, %arg10: memref<!tpu.dma_semaphore, #tpu.memory_space<semaphore_mem>>) attributes {dimension_semantics = [#tpu.dimension_semantics<core_parallel>, #tpu.dimension_semantics<subcore_parallel>], iteration_bounds = array<i64: 2, 16>, scalar_prefetch = 0 : i64, scratch_operands = 6 : i64, tpu.core_type = #tpu.core_type<sc_vector_subcore>, window_params = [{transform_indices = #map}, {transform_indices = #map1}, {transform_indices = #map}]} {
    %mul3A = arith.constant 16 : i32
    %mul3A_0 = arith.muli %arg0, %mul3A : i32
    %add3A = arith.addi %mul3A_0, %arg1 : i32
    %mul3A_1 = arith.constant 3200 : i32
    %mul3A_2 = arith.muli %add3A, %mul3A_1 : i32
    "tpu.region"() ({
      %run_scoped3A = tpu.sem_alloc : memref<!tpu.dma_semaphore, #tpu.memory_space<semaphore_mem>>
      %dma_start3A_42 = arith.constant 0 : i32
      %dma_start3A_43 = arith.constant 0 : i32
      %dma_start3A_44 = tpu.memref_slice %arg3[%add3A, %dma_start3A_42, %dma_start3A_43] : memref<32x80x40xi32, #tpu.memory_space<hbm>> -> memref<1x80x40xi32, #tpu.memory_space<hbm>>
      %dma_start3A_45 = tpu.memref_squeeze %dma_start3A_44 : memref<1x80x40xi32, #tpu.memory_space<hbm>> -> memref<80x40xi32, #tpu.memory_space<hbm>>
      %dma_start3A_46 = arith.constant 0 : i32
      %dma_start3A_47 = arith.constant 0 : i32
      %dma_start3A_48 = tpu.memref_slice %arg3[%add3A, %dma_start3A_46, %dma_start3A_47] : memref<32x80x40xi32, #tpu.memory_space<hbm>> -> memref<1x80x40xi32, #tpu.memory_space<hbm>>
      %dma_start3A_49 = tpu.memref_squeeze %dma_start3A_48 : memref<1x80x40xi32, #tpu.memory_space<hbm>> -> memref<80x40xi32, #tpu.memory_space<hbm>>
      tpu.enqueue_dma source(%dma_start3A_49 : memref<80x40xi32, #tpu.memory_space<hbm>>) target(%arg5 : memref<80x40xi32, #tpu.memory_space<vmem>>) target_semaphore(%run_scoped3A : memref<!tpu.dma_semaphore, #tpu.memory_space<semaphore_mem>>)
      %dma_wait3A = arith.constant 0 : i32
      %dma_wait3A_50 = arith.constant 0 : i32
      %dma_wait3A_51 = tpu.memref_slice %arg3[%add3A, %dma_wait3A, %dma_wait3A_50] : memref<32x80x40xi32, #tpu.memory_space<hbm>> -> memref<1x80x40xi32, #tpu.memory_space<hbm>>
      %dma_wait3A_52 = tpu.memref_squeeze %dma_wait3A_51 : memref<1x80x40xi32, #tpu.memory_space<hbm>> -> memref<80x40xi32, #tpu.memory_space<hbm>>
      %dma_wait3A_53 = arith.constant 0 : i32
      %dma_wait3A_54 = arith.constant 0 : i32
      %dma_wait3A_55 = tpu.memref_slice %arg3[%add3A, %dma_wait3A_53, %dma_wait3A_54] : memref<32x80x40xi32, #tpu.memory_space<hbm>> -> memref<1x80x40xi32, #tpu.memory_space<hbm>>
      %dma_wait3A_56 = tpu.memref_squeeze %dma_wait3A_55 : memref<1x80x40xi32, #tpu.memory_space<hbm>> -> memref<80x40xi32, #tpu.memory_space<hbm>>
      tpu.wait_dma2 semaphore(%run_scoped3A : memref<!tpu.dma_semaphore, #tpu.memory_space<semaphore_mem>>) src(%dma_wait3A_56 : memref<80x40xi32, #tpu.memory_space<hbm>>) dst(%arg5 : memref<80x40xi32, #tpu.memory_space<vmem>>)
      tpu.yield
    }) : () -> ()
    %dma_start3A = arith.constant 0 : i32
    %dma_start3A_3 = arith.constant 0 : i32
    %dma_start3A_4 = arith.constant 0 : i32
    %dma_start3A_5 = arith.constant 0 : i32
    %dma_start3A_6 = tpu.memref_slice %arg6[%dma_start3A_3, %dma_start3A_4, %dma_start3A_5] : memref<4x40x128xf32, #tpu.memory_space<vmem>> -> memref<1x40x128xf32, #tpu.memory_space<vmem>>
    %dma_start3A_7 = tpu.memref_squeeze %dma_start3A_6 : memref<1x40x128xf32, #tpu.memory_space<vmem>> -> memref<40x128xf32, #tpu.memory_space<vmem>>
    %dma_start3A_8 = arith.constant 0 : i32
    %dma_start3A_9 = tpu.memref_slice %arg5[%dma_start3A, %dma_start3A_8] : memref<80x40xi32, #tpu.memory_space<vmem>> -> memref<1x40xi32, #tpu.memory_space<vmem>>
    %dma_start3A_10 = tpu.memref_squeeze %dma_start3A_9 : memref<1x40xi32, #tpu.memory_space<vmem>> -> memref<40xi32, #tpu.memory_space<vmem>>
    %dma_start3A_11 = arith.constant 0 : i32
    %dma_start3A_12 = arith.constant 0 : i32
    %dma_start3A_13 = tpu.memref_slice %arg2[%dma_start3A_11, %dma_start3A_12] : memref<10000x128xf32, #tpu.memory_space<hbm>> -> memref<10000x128xf32, #tpu.memory_space<hbm>>
    tpu.enqueue_indirect_dma source(%dma_start3A_13 : memref<10000x128xf32, #tpu.memory_space<hbm>>) target(%dma_start3A_7 : memref<40x128xf32, #tpu.memory_space<vmem>>) offsets(%dma_start3A_10 : memref<40xi32, #tpu.memory_space<vmem>>) semaphore(%arg7 : memref<!tpu.dma_semaphore, #tpu.memory_space<semaphore_mem>>)
    %dma_start3A_14 = arith.constant 1 : i32
    %dma_start3A_15 = arith.constant 1 : i32
    %dma_start3A_16 = arith.constant 0 : i32
    %dma_start3A_17 = arith.constant 0 : i32
    %dma_start3A_18 = tpu.memref_slice %arg6[%dma_start3A_15, %dma_start3A_16, %dma_start3A_17] : memref<4x40x128xf32, #tpu.memory_space<vmem>> -> memref<1x40x128xf32, #tpu.memory_space<vmem>>
    %dma_start3A_19 = tpu.memref_squeeze %dma_start3A_18 : memref<1x40x128xf32, #tpu.memory_space<vmem>> -> memref<40x128xf32, #tpu.memory_space<vmem>>
    %dma_start3A_20 = arith.constant 0 : i32
    %dma_start3A_21 = tpu.memref_slice %arg5[%dma_start3A_14, %dma_start3A_20] : memref<80x40xi32, #tpu.memory_space<vmem>> -> memref<1x40xi32, #tpu.memory_space<vmem>>
    %dma_start3A_22 = tpu.memref_squeeze %dma_start3A_21 : memref<1x40xi32, #tpu.memory_space<vmem>> -> memref<40xi32, #tpu.memory_space<vmem>>
    %dma_start3A_23 = arith.constant 0 : i32
    %dma_start3A_24 = arith.constant 0 : i32
    %dma_start3A_25 = tpu.memref_slice %arg2[%dma_start3A_23, %dma_start3A_24] : memref<10000x128xf32, #tpu.memory_space<hbm>> -> memref<10000x128xf32, #tpu.memory_space<hbm>>
    tpu.enqueue_indirect_dma source(%dma_start3A_25 : memref<10000x128xf32, #tpu.memory_space<hbm>>) target(%dma_start3A_19 : memref<40x128xf32, #tpu.memory_space<vmem>>) offsets(%dma_start3A_22 : memref<40xi32, #tpu.memory_space<vmem>>) semaphore(%arg8 : memref<!tpu.dma_semaphore, #tpu.memory_space<semaphore_mem>>)
    %dma_start3A_26 = arith.constant 2 : i32
    %dma_start3A_27 = arith.constant 2 : i32
    %dma_start3A_28 = arith.constant 0 : i32
    %dma_start3A_29 = arith.constant 0 : i32
    %dma_start3A_30 = tpu.memref_slice %arg6[%dma_start3A_27, %dma_start3A_28, %dma_start3A_29] : memref<4x40x128xf32, #tpu.memory_space<vmem>> -> memref<1x40x128xf32, #tpu.memory_space<vmem>>
    %dma_start3A_31 = tpu.memref_squeeze %dma_start3A_30 : memref<1x40x128xf32, #tpu.memory_space<vmem>> -> memref<40x128xf32, #tpu.memory_space<vmem>>
    %dma_start3A_32 = arith.constant 0 : i32
    %dma_start3A_33 = tpu.memref_slice %arg5[%dma_start3A_26, %dma_start3A_32] : memref<80x40xi32, #tpu.memory_space<vmem>> -> memref<1x40xi32, #tpu.memory_space<vmem>>
    %dma_start3A_34 = tpu.memref_squeeze %dma_start3A_33 : memref<1x40xi32, #tpu.memory_space<vmem>> -> memref<40xi32, #tpu.memory_space<vmem>>
    %dma_start3A_35 = arith.constant 0 : i32
    %dma_start3A_36 = arith.constant 0 : i32
    %dma_start3A_37 = tpu.memref_slice %arg2[%dma_start3A_35, %dma_start3A_36] : memref<10000x128xf32, #tpu.memory_space<hbm>> -> memref<10000x128xf32, #tpu.memory_space<hbm>>
    tpu.enqueue_indirect_dma source(%dma_start3A_37 : memref<10000x128xf32, #tpu.memory_space<hbm>>) target(%dma_start3A_31 : memref<40x128xf32, #tpu.memory_space<vmem>>) offsets(%dma_start3A_34 : memref<40xi32, #tpu.memory_space<vmem>>) semaphore(%arg9 : memref<!tpu.dma_semaphore, #tpu.memory_space<semaphore_mem>>)
    %scan3A = arith.constant 0 : i32
    %scan3A_38 = arith.constant 20 : i32
    %scan3A_39 = arith.addi %scan3A, %scan3A_38 : i32
    %scan3A_40 = arith.constant 1 : i32
    scf.for %scan3A_42 = %scan3A to %scan3A_39 step %scan3A_40  : i32 {
      %mul3A_43 = arith.constant 4 : i32
      %mul3A_44 = arith.muli %scan3A_42, %mul3A_43 : i32
      %add3A_45 = arith.constant 0 : i32
      %add3A_46 = arith.addi %mul3A_44, %add3A_45 : i32
      %dma_wait3A = arith.constant 0 : i32
      %dma_wait3A_47 = arith.constant 0 : i32
      %dma_wait3A_48 = arith.constant 0 : i32
      %dma_wait3A_49 = tpu.memref_slice %arg6[%dma_wait3A, %dma_wait3A_47, %dma_wait3A_48] : memref<4x40x128xf32, #tpu.memory_space<vmem>> -> memref<1x40x128xf32, #tpu.memory_space<vmem>>
      %dma_wait3A_50 = tpu.memref_squeeze %dma_wait3A_49 : memref<1x40x128xf32, #tpu.memory_space<vmem>> -> memref<40x128xf32, #tpu.memory_space<vmem>>
      %dma_wait3A_51 = arith.constant 0 : i32
      %dma_wait3A_52 = tpu.memref_slice %arg5[%add3A_46, %dma_wait3A_51] : memref<80x40xi32, #tpu.memory_space<vmem>> -> memref<1x40xi32, #tpu.memory_space<vmem>>
      %dma_wait3A_53 = tpu.memref_squeeze %dma_wait3A_52 : memref<1x40xi32, #tpu.memory_space<vmem>> -> memref<40xi32, #tpu.memory_space<vmem>>
      %dma_wait3A_54 = arith.constant 0 : i32
      %dma_wait3A_55 = arith.constant 0 : i32
      %dma_wait3A_56 = tpu.memref_slice %arg2[%dma_wait3A_54, %dma_wait3A_55] : memref<10000x128xf32, #tpu.memory_space<hbm>> -> memref<10000x128xf32, #tpu.memory_space<hbm>>
      tpu.wait_indirect_dma semaphore(%arg7 : memref<!tpu.dma_semaphore, #tpu.memory_space<semaphore_mem>>) src(%dma_wait3A_56 : memref<10000x128xf32, #tpu.memory_space<hbm>>) dst(%dma_wait3A_50 : memref<40x128xf32, #tpu.memory_space<vmem>>)
      %add3A_57 = arith.constant 3 : i32
      %add3A_58 = arith.addi %add3A_46, %add3A_57 : i32
      %lt3A = arith.constant 80 : i32
      %lt3A_59 = arith.cmpi slt, %add3A_58, %lt3A : i32
      %convert_element_type3A = arith.extui %lt3A_59 : i1 to i32
      %cond3A = arith.constant 0 : i32
      %cond3A_60 = arith.cmpi ne, %convert_element_type3A, %cond3A : i32
      scf.if %cond3A_60 {
        %add3A_142 = arith.constant 3 : i32
        %add3A_143 = arith.addi %add3A_46, %add3A_142 : i32
        %dma_start3A_144 = arith.constant 3 : i32
        %dma_start3A_145 = arith.constant 0 : i32
        %dma_start3A_146 = arith.constant 0 : i32
        %dma_start3A_147 = tpu.memref_slice %arg6[%dma_start3A_144, %dma_start3A_145, %dma_start3A_146] : memref<4x40x128xf32, #tpu.memory_space<vmem>> -> memref<1x40x128xf32, #tpu.memory_space<vmem>>
        %dma_start3A_148 = tpu.memref_squeeze %dma_start3A_147 : memref<1x40x128xf32, #tpu.memory_space<vmem>> -> memref<40x128xf32, #tpu.memory_space<vmem>>
        %dma_start3A_149 = arith.constant 0 : i32
        %dma_start3A_150 = tpu.memref_slice %arg5[%add3A_143, %dma_start3A_149] : memref<80x40xi32, #tpu.memory_space<vmem>> -> memref<1x40xi32, #tpu.memory_space<vmem>>
        %dma_start3A_151 = tpu.memref_squeeze %dma_start3A_150 : memref<1x40xi32, #tpu.memory_space<vmem>> -> memref<40xi32, #tpu.memory_space<vmem>>
        %dma_start3A_152 = arith.constant 0 : i32
        %dma_start3A_153 = arith.constant 0 : i32
        %dma_start3A_154 = tpu.memref_slice %arg2[%dma_start3A_152, %dma_start3A_153] : memref<10000x128xf32, #tpu.memory_space<hbm>> -> memref<10000x128xf32, #tpu.memory_space<hbm>>
        tpu.enqueue_indirect_dma source(%dma_start3A_154 : memref<10000x128xf32, #tpu.memory_space<hbm>>) target(%dma_start3A_148 : memref<40x128xf32, #tpu.memory_space<vmem>>) offsets(%dma_start3A_151 : memref<40xi32, #tpu.memory_space<vmem>>) semaphore(%arg10 : memref<!tpu.dma_semaphore, #tpu.memory_space<semaphore_mem>>)
      } else {
      }
      %mul3A_61 = arith.constant 40 : i32
      %mul3A_62 = arith.muli %add3A_46, %mul3A_61 : i32
      %add3A_63 = arith.addi %mul3A_2, %mul3A_62 : i32
      %run_scoped3A = arith.constant 0 : i32
      "tpu.region"() ({
        %run_scoped3A_142 = tpu.sem_alloc : memref<!tpu.dma_semaphore, #tpu.memory_space<semaphore_mem>>
        %dma_start3A_143 = arith.constant 0 : i32
        %dma_start3A_144 = arith.constant 0 : i32
        %dma_start3A_145 = tpu.memref_slice %arg6[%run_scoped3A, %dma_start3A_143, %dma_start3A_144] : memref<4x40x128xf32, #tpu.memory_space<vmem>> -> memref<1x40x128xf32, #tpu.memory_space<vmem>>
        %dma_start3A_146 = tpu.memref_squeeze %dma_start3A_145 : memref<1x40x128xf32, #tpu.memory_space<vmem>> -> memref<40x128xf32, #tpu.memory_space<vmem>>
        %dma_start3A_147 = arith.constant 0 : i32
        %dma_start3A_148 = tpu.memref_slice %arg4[%add3A_63, %dma_start3A_147] : memref<102400x128xf32, #tpu.memory_space<hbm>> -> memref<40x128xf32, #tpu.memory_space<hbm>>
        %dma_start3A_149 = arith.constant 0 : i32
        %dma_start3A_150 = tpu.memref_slice %arg4[%add3A_63, %dma_start3A_149] : memref<102400x128xf32, #tpu.memory_space<hbm>> -> memref<40x128xf32, #tpu.memory_space<hbm>>
        %dma_start3A_151 = arith.constant 0 : i32
        %dma_start3A_152 = arith.constant 0 : i32
        %dma_start3A_153 = tpu.memref_slice %arg6[%run_scoped3A, %dma_start3A_151, %dma_start3A_152] : memref<4x40x128xf32, #tpu.memory_space<vmem>> -> memref<1x40x128xf32, #tpu.memory_space<vmem>>
        %dma_start3A_154 = tpu.memref_squeeze %dma_start3A_153 : memref<1x40x128xf32, #tpu.memory_space<vmem>> -> memref<40x128xf32, #tpu.memory_space<vmem>>
        tpu.enqueue_dma source(%dma_start3A_154 : memref<40x128xf32, #tpu.memory_space<vmem>>) target(%dma_start3A_150 : memref<40x128xf32, #tpu.memory_space<hbm>>) target_semaphore(%run_scoped3A_142 : memref<!tpu.dma_semaphore, #tpu.memory_space<semaphore_mem>>)
        %dma_wait3A_155 = arith.constant 0 : i32
        %dma_wait3A_156 = arith.constant 0 : i32
        %dma_wait3A_157 = tpu.memref_slice %arg6[%run_scoped3A, %dma_wait3A_155, %dma_wait3A_156] : memref<4x40x128xf32, #tpu.memory_space<vmem>> -> memref<1x40x128xf32, #tpu.memory_space<vmem>>
        %dma_wait3A_158 = tpu.memref_squeeze %dma_wait3A_157 : memref<1x40x128xf32, #tpu.memory_space<vmem>> -> memref<40x128xf32, #tpu.memory_space<vmem>>
        %dma_wait3A_159 = arith.constant 0 : i32
        %dma_wait3A_160 = tpu.memref_slice %arg4[%add3A_63, %dma_wait3A_159] : memref<102400x128xf32, #tpu.memory_space<hbm>> -> memref<40x128xf32, #tpu.memory_space<hbm>>
        %dma_wait3A_161 = arith.constant 0 : i32
        %dma_wait3A_162 = tpu.memref_slice %arg4[%add3A_63, %dma_wait3A_161] : memref<102400x128xf32, #tpu.memory_space<hbm>> -> memref<40x128xf32, #tpu.memory_space<hbm>>
        %dma_wait3A_163 = arith.constant 0 : i32
        %dma_wait3A_164 = arith.constant 0 : i32
        %dma_wait3A_165 = tpu.memref_slice %arg6[%run_scoped3A, %dma_wait3A_163, %dma_wait3A_164] : memref<4x40x128xf32, #tpu.memory_space<vmem>> -> memref<1x40x128xf32, #tpu.memory_space<vmem>>
        %dma_wait3A_166 = tpu.memref_squeeze %dma_wait3A_165 : memref<1x40x128xf32, #tpu.memory_space<vmem>> -> memref<40x128xf32, #tpu.memory_space<vmem>>
        tpu.wait_dma2 semaphore(%run_scoped3A_142 : memref<!tpu.dma_semaphore, #tpu.memory_space<semaphore_mem>>) src(%dma_wait3A_166 : memref<40x128xf32, #tpu.memory_space<vmem>>) dst(%dma_wait3A_162 : memref<40x128xf32, #tpu.memory_space<hbm>>)
        tpu.yield
      }) : () -> ()
      %mul3A_64 = arith.constant 4 : i32
      %mul3A_65 = arith.muli %scan3A_42, %mul3A_64 : i32
      %add3A_66 = arith.constant 1 : i32
      %add3A_67 = arith.addi %mul3A_65, %add3A_66 : i32
      %dma_wait3A_68 = arith.constant 1 : i32
      %dma_wait3A_69 = arith.constant 0 : i32
      %dma_wait3A_70 = arith.constant 0 : i32
      %dma_wait3A_71 = tpu.memref_slice %arg6[%dma_wait3A_68, %dma_wait3A_69, %dma_wait3A_70] : memref<4x40x128xf32, #tpu.memory_space<vmem>> -> memref<1x40x128xf32, #tpu.memory_space<vmem>>
      %dma_wait3A_72 = tpu.memref_squeeze %dma_wait3A_71 : memref<1x40x128xf32, #tpu.memory_space<vmem>> -> memref<40x128xf32, #tpu.memory_space<vmem>>
      %dma_wait3A_73 = arith.constant 0 : i32
      %dma_wait3A_74 = tpu.memref_slice %arg5[%add3A_67, %dma_wait3A_73] : memref<80x40xi32, #tpu.memory_space<vmem>> -> memref<1x40xi32, #tpu.memory_space<vmem>>
      %dma_wait3A_75 = tpu.memref_squeeze %dma_wait3A_74 : memref<1x40xi32, #tpu.memory_space<vmem>> -> memref<40xi32, #tpu.memory_space<vmem>>
      %dma_wait3A_76 = arith.constant 0 : i32
      %dma_wait3A_77 = arith.constant 0 : i32
      %dma_wait3A_78 = tpu.memref_slice %arg2[%dma_wait3A_76, %dma_wait3A_77] : memref<10000x128xf32, #tpu.memory_space<hbm>> -> memref<10000x128xf32, #tpu.memory_space<hbm>>
      tpu.wait_indirect_dma semaphore(%arg8 : memref<!tpu.dma_semaphore, #tpu.memory_space<semaphore_mem>>) src(%dma_wait3A_78 : memref<10000x128xf32, #tpu.memory_space<hbm>>) dst(%dma_wait3A_72 : memref<40x128xf32, #tpu.memory_space<vmem>>)
      %add3A_79 = arith.constant 3 : i32
      %add3A_80 = arith.addi %add3A_67, %add3A_79 : i32
      %lt3A_81 = arith.constant 80 : i32
      %lt3A_82 = arith.cmpi slt, %add3A_80, %lt3A_81 : i32
      %convert_element_type3A_83 = arith.extui %lt3A_82 : i1 to i32
      %cond3A_84 = arith.constant 0 : i32
      %cond3A_85 = arith.cmpi ne, %convert_element_type3A_83, %cond3A_84 : i32
      scf.if %cond3A_85 {
        %add3A_142 = arith.constant 3 : i32
        %add3A_143 = arith.addi %add3A_67, %add3A_142 : i32
        %dma_start3A_144 = arith.constant 0 : i32
        %dma_start3A_145 = arith.constant 0 : i32
        %dma_start3A_146 = arith.constant 0 : i32
        %dma_start3A_147 = tpu.memref_slice %arg6[%dma_start3A_144, %dma_start3A_145, %dma_start3A_146] : memref<4x40x128xf32, #tpu.memory_space<vmem>> -> memref<1x40x128xf32, #tpu.memory_space<vmem>>
        %dma_start3A_148 = tpu.memref_squeeze %dma_start3A_147 : memref<1x40x128xf32, #tpu.memory_space<vmem>> -> memref<40x128xf32, #tpu.memory_space<vmem>>
        %dma_start3A_149 = arith.constant 0 : i32
        %dma_start3A_150 = tpu.memref_slice %arg5[%add3A_143, %dma_start3A_149] : memref<80x40xi32, #tpu.memory_space<vmem>> -> memref<1x40xi32, #tpu.memory_space<vmem>>
        %dma_start3A_151 = tpu.memref_squeeze %dma_start3A_150 : memref<1x40xi32, #tpu.memory_space<vmem>> -> memref<40xi32, #tpu.memory_space<vmem>>
        %dma_start3A_152 = arith.constant 0 : i32
        %dma_start3A_153 = arith.constant 0 : i32
        %dma_start3A_154 = tpu.memref_slice %arg2[%dma_start3A_152, %dma_start3A_153] : memref<10000x128xf32, #tpu.memory_space<hbm>> -> memref<10000x128xf32, #tpu.memory_space<hbm>>
        tpu.enqueue_indirect_dma source(%dma_start3A_154 : memref<10000x128xf32, #tpu.memory_space<hbm>>) target(%dma_start3A_148 : memref<40x128xf32, #tpu.memory_space<vmem>>) offsets(%dma_start3A_151 : memref<40xi32, #tpu.memory_space<vmem>>) semaphore(%arg7 : memref<!tpu.dma_semaphore, #tpu.memory_space<semaphore_mem>>)
      } else {
      }
      %mul3A_86 = arith.constant 40 : i32
      %mul3A_87 = arith.muli %add3A_67, %mul3A_86 : i32
      %add3A_88 = arith.addi %mul3A_2, %mul3A_87 : i32
      %run_scoped3A_89 = arith.constant 1 : i32
      "tpu.region"() ({
        %run_scoped3A_142 = tpu.sem_alloc : memref<!tpu.dma_semaphore, #tpu.memory_space<semaphore_mem>>
        %dma_start3A_143 = arith.constant 0 : i32
        %dma_start3A_144 = arith.constant 0 : i32
        %dma_start3A_145 = tpu.memref_slice %arg6[%run_scoped3A_89, %dma_start3A_143, %dma_start3A_144] : memref<4x40x128xf32, #tpu.memory_space<vmem>> -> memref<1x40x128xf32, #tpu.memory_space<vmem>>
        %dma_start3A_146 = tpu.memref_squeeze %dma_start3A_145 : memref<1x40x128xf32, #tpu.memory_space<vmem>> -> memref<40x128xf32, #tpu.memory_space<vmem>>
        %dma_start3A_147 = arith.constant 0 : i32
        %dma_start3A_148 = tpu.memref_slice %arg4[%add3A_88, %dma_start3A_147] : memref<102400x128xf32, #tpu.memory_space<hbm>> -> memref<40x128xf32, #tpu.memory_space<hbm>>
        %dma_start3A_149 = arith.constant 0 : i32
        %dma_start3A_150 = tpu.memref_slice %arg4[%add3A_88, %dma_start3A_149] : memref<102400x128xf32, #tpu.memory_space<hbm>> -> memref<40x128xf32, #tpu.memory_space<hbm>>
        %dma_start3A_151 = arith.constant 0 : i32
        %dma_start3A_152 = arith.constant 0 : i32
        %dma_start3A_153 = tpu.memref_slice %arg6[%run_scoped3A_89, %dma_start3A_151, %dma_start3A_152] : memref<4x40x128xf32, #tpu.memory_space<vmem>> -> memref<1x40x128xf32, #tpu.memory_space<vmem>>
        %dma_start3A_154 = tpu.memref_squeeze %dma_start3A_153 : memref<1x40x128xf32, #tpu.memory_space<vmem>> -> memref<40x128xf32, #tpu.memory_space<vmem>>
        tpu.enqueue_dma source(%dma_start3A_154 : memref<40x128xf32, #tpu.memory_space<vmem>>) target(%dma_start3A_150 : memref<40x128xf32, #tpu.memory_space<hbm>>) target_semaphore(%run_scoped3A_142 : memref<!tpu.dma_semaphore, #tpu.memory_space<semaphore_mem>>)
        %dma_wait3A_155 = arith.constant 0 : i32
        %dma_wait3A_156 = arith.constant 0 : i32
        %dma_wait3A_157 = tpu.memref_slice %arg6[%run_scoped3A_89, %dma_wait3A_155, %dma_wait3A_156] : memref<4x40x128xf32, #tpu.memory_space<vmem>> -> memref<1x40x128xf32, #tpu.memory_space<vmem>>
        %dma_wait3A_158 = tpu.memref_squeeze %dma_wait3A_157 : memref<1x40x128xf32, #tpu.memory_space<vmem>> -> memref<40x128xf32, #tpu.memory_space<vmem>>
        %dma_wait3A_159 = arith.constant 0 : i32
        %dma_wait3A_160 = tpu.memref_slice %arg4[%add3A_88, %dma_wait3A_159] : memref<102400x128xf32, #tpu.memory_space<hbm>> -> memref<40x128xf32, #tpu.memory_space<hbm>>
        %dma_wait3A_161 = arith.constant 0 : i32
        %dma_wait3A_162 = tpu.memref_slice %arg4[%add3A_88, %dma_wait3A_161] : memref<102400x128xf32, #tpu.memory_space<hbm>> -> memref<40x128xf32, #tpu.memory_space<hbm>>
        %dma_wait3A_163 = arith.constant 0 : i32
        %dma_wait3A_164 = arith.constant 0 : i32
        %dma_wait3A_165 = tpu.memref_slice %arg6[%run_scoped3A_89, %dma_wait3A_163, %dma_wait3A_164] : memref<4x40x128xf32, #tpu.memory_space<vmem>> -> memref<1x40x128xf32, #tpu.memory_space<vmem>>
        %dma_wait3A_166 = tpu.memref_squeeze %dma_wait3A_165 : memref<1x40x128xf32, #tpu.memory_space<vmem>> -> memref<40x128xf32, #tpu.memory_space<vmem>>
        tpu.wait_dma2 semaphore(%run_scoped3A_142 : memref<!tpu.dma_semaphore, #tpu.memory_space<semaphore_mem>>) src(%dma_wait3A_166 : memref<40x128xf32, #tpu.memory_space<vmem>>) dst(%dma_wait3A_162 : memref<40x128xf32, #tpu.memory_space<hbm>>)
        tpu.yield
      }) : () -> ()
      %mul3A_90 = arith.constant 4 : i32
      %mul3A_91 = arith.muli %scan3A_42, %mul3A_90 : i32
      %add3A_92 = arith.constant 2 : i32
      %add3A_93 = arith.addi %mul3A_91, %add3A_92 : i32
      %dma_wait3A_94 = arith.constant 2 : i32
      %dma_wait3A_95 = arith.constant 0 : i32
      %dma_wait3A_96 = arith.constant 0 : i32
      %dma_wait3A_97 = tpu.memref_slice %arg6[%dma_wait3A_94, %dma_wait3A_95, %dma_wait3A_96] : memref<4x40x128xf32, #tpu.memory_space<vmem>> -> memref<1x40x128xf32, #tpu.memory_space<vmem>>
      %dma_wait3A_98 = tpu.memref_squeeze %dma_wait3A_97 : memref<1x40x128xf32, #tpu.memory_space<vmem>> -> memref<40x128xf32, #tpu.memory_space<vmem>>
      %dma_wait3A_99 = arith.constant 0 : i32
      %dma_wait3A_100 = tpu.memref_slice %arg5[%add3A_93, %dma_wait3A_99] : memref<80x40xi32, #tpu.memory_space<vmem>> -> memref<1x40xi32, #tpu.memory_space<vmem>>
      %dma_wait3A_101 = tpu.memref_squeeze %dma_wait3A_100 : memref<1x40xi32, #tpu.memory_space<vmem>> -> memref<40xi32, #tpu.memory_space<vmem>>
      %dma_wait3A_102 = arith.constant 0 : i32
      %dma_wait3A_103 = arith.constant 0 : i32
      %dma_wait3A_104 = tpu.memref_slice %arg2[%dma_wait3A_102, %dma_wait3A_103] : memref<10000x128xf32, #tpu.memory_space<hbm>> -> memref<10000x128xf32, #tpu.memory_space<hbm>>
      tpu.wait_indirect_dma semaphore(%arg9 : memref<!tpu.dma_semaphore, #tpu.memory_space<semaphore_mem>>) src(%dma_wait3A_104 : memref<10000x128xf32, #tpu.memory_space<hbm>>) dst(%dma_wait3A_98 : memref<40x128xf32, #tpu.memory_space<vmem>>)
      %add3A_105 = arith.constant 3 : i32
      %add3A_106 = arith.addi %add3A_93, %add3A_105 : i32
      %lt3A_107 = arith.constant 80 : i32
      %lt3A_108 = arith.cmpi slt, %add3A_106, %lt3A_107 : i32
      %convert_element_type3A_109 = arith.extui %lt3A_108 : i1 to i32
      %cond3A_110 = arith.constant 0 : i32
      %cond3A_111 = arith.cmpi ne, %convert_element_type3A_109, %cond3A_110 : i32
      scf.if %cond3A_111 {
        %add3A_142 = arith.constant 3 : i32
        %add3A_143 = arith.addi %add3A_93, %add3A_142 : i32
        %dma_start3A_144 = arith.constant 1 : i32
        %dma_start3A_145 = arith.constant 0 : i32
        %dma_start3A_146 = arith.constant 0 : i32
        %dma_start3A_147 = tpu.memref_slice %arg6[%dma_start3A_144, %dma_start3A_145, %dma_start3A_146] : memref<4x40x128xf32, #tpu.memory_space<vmem>> -> memref<1x40x128xf32, #tpu.memory_space<vmem>>
        %dma_start3A_148 = tpu.memref_squeeze %dma_start3A_147 : memref<1x40x128xf32, #tpu.memory_space<vmem>> -> memref<40x128xf32, #tpu.memory_space<vmem>>
        %dma_start3A_149 = arith.constant 0 : i32
        %dma_start3A_150 = tpu.memref_slice %arg5[%add3A_143, %dma_start3A_149] : memref<80x40xi32, #tpu.memory_space<vmem>> -> memref<1x40xi32, #tpu.memory_space<vmem>>
        %dma_start3A_151 = tpu.memref_squeeze %dma_start3A_150 : memref<1x40xi32, #tpu.memory_space<vmem>> -> memref<40xi32, #tpu.memory_space<vmem>>
        %dma_start3A_152 = arith.constant 0 : i32
        %dma_start3A_153 = arith.constant 0 : i32
        %dma_start3A_154 = tpu.memref_slice %arg2[%dma_start3A_152, %dma_start3A_153] : memref<10000x128xf32, #tpu.memory_space<hbm>> -> memref<10000x128xf32, #tpu.memory_space<hbm>>
        tpu.enqueue_indirect_dma source(%dma_start3A_154 : memref<10000x128xf32, #tpu.memory_space<hbm>>) target(%dma_start3A_148 : memref<40x128xf32, #tpu.memory_space<vmem>>) offsets(%dma_start3A_151 : memref<40xi32, #tpu.memory_space<vmem>>) semaphore(%arg8 : memref<!tpu.dma_semaphore, #tpu.memory_space<semaphore_mem>>)
      } else {
      }
      %mul3A_112 = arith.constant 40 : i32
      %mul3A_113 = arith.muli %add3A_93, %mul3A_112 : i32
      %add3A_114 = arith.addi %mul3A_2, %mul3A_113 : i32
      %run_scoped3A_115 = arith.constant 2 : i32
      "tpu.region"() ({
        %run_scoped3A_142 = tpu.sem_alloc : memref<!tpu.dma_semaphore, #tpu.memory_space<semaphore_mem>>
        %dma_start3A_143 = arith.constant 0 : i32
        %dma_start3A_144 = arith.constant 0 : i32
        %dma_start3A_145 = tpu.memref_slice %arg6[%run_scoped3A_115, %dma_start3A_143, %dma_start3A_144] : memref<4x40x128xf32, #tpu.memory_space<vmem>> -> memref<1x40x128xf32, #tpu.memory_space<vmem>>
        %dma_start3A_146 = tpu.memref_squeeze %dma_start3A_145 : memref<1x40x128xf32, #tpu.memory_space<vmem>> -> memref<40x128xf32, #tpu.memory_space<vmem>>
        %dma_start3A_147 = arith.constant 0 : i32
        %dma_start3A_148 = tpu.memref_slice %arg4[%add3A_114, %dma_start3A_147] : memref<102400x128xf32, #tpu.memory_space<hbm>> -> memref<40x128xf32, #tpu.memory_space<hbm>>
        %dma_start3A_149 = arith.constant 0 : i32
        %dma_start3A_150 = tpu.memref_slice %arg4[%add3A_114, %dma_start3A_149] : memref<102400x128xf32, #tpu.memory_space<hbm>> -> memref<40x128xf32, #tpu.memory_space<hbm>>
        %dma_start3A_151 = arith.constant 0 : i32
        %dma_start3A_152 = arith.constant 0 : i32
        %dma_start3A_153 = tpu.memref_slice %arg6[%run_scoped3A_115, %dma_start3A_151, %dma_start3A_152] : memref<4x40x128xf32, #tpu.memory_space<vmem>> -> memref<1x40x128xf32, #tpu.memory_space<vmem>>
        %dma_start3A_154 = tpu.memref_squeeze %dma_start3A_153 : memref<1x40x128xf32, #tpu.memory_space<vmem>> -> memref<40x128xf32, #tpu.memory_space<vmem>>
        tpu.enqueue_dma source(%dma_start3A_154 : memref<40x128xf32, #tpu.memory_space<vmem>>) target(%dma_start3A_150 : memref<40x128xf32, #tpu.memory_space<hbm>>) target_semaphore(%run_scoped3A_142 : memref<!tpu.dma_semaphore, #tpu.memory_space<semaphore_mem>>)
        %dma_wait3A_155 = arith.constant 0 : i32
        %dma_wait3A_156 = arith.constant 0 : i32
        %dma_wait3A_157 = tpu.memref_slice %arg6[%run_scoped3A_115, %dma_wait3A_155, %dma_wait3A_156] : memref<4x40x128xf32, #tpu.memory_space<vmem>> -> memref<1x40x128xf32, #tpu.memory_space<vmem>>
        %dma_wait3A_158 = tpu.memref_squeeze %dma_wait3A_157 : memref<1x40x128xf32, #tpu.memory_space<vmem>> -> memref<40x128xf32, #tpu.memory_space<vmem>>
        %dma_wait3A_159 = arith.constant 0 : i32
        %dma_wait3A_160 = tpu.memref_slice %arg4[%add3A_114, %dma_wait3A_159] : memref<102400x128xf32, #tpu.memory_space<hbm>> -> memref<40x128xf32, #tpu.memory_space<hbm>>
        %dma_wait3A_161 = arith.constant 0 : i32
        %dma_wait3A_162 = tpu.memref_slice %arg4[%add3A_114, %dma_wait3A_161] : memref<102400x128xf32, #tpu.memory_space<hbm>> -> memref<40x128xf32, #tpu.memory_space<hbm>>
        %dma_wait3A_163 = arith.constant 0 : i32
        %dma_wait3A_164 = arith.constant 0 : i32
        %dma_wait3A_165 = tpu.memref_slice %arg6[%run_scoped3A_115, %dma_wait3A_163, %dma_wait3A_164] : memref<4x40x128xf32, #tpu.memory_space<vmem>> -> memref<1x40x128xf32, #tpu.memory_space<vmem>>
        %dma_wait3A_166 = tpu.memref_squeeze %dma_wait3A_165 : memref<1x40x128xf32, #tpu.memory_space<vmem>> -> memref<40x128xf32, #tpu.memory_space<vmem>>
        tpu.wait_dma2 semaphore(%run_scoped3A_142 : memref<!tpu.dma_semaphore, #tpu.memory_space<semaphore_mem>>) src(%dma_wait3A_166 : memref<40x128xf32, #tpu.memory_space<vmem>>) dst(%dma_wait3A_162 : memref<40x128xf32, #tpu.memory_space<hbm>>)
        tpu.yield
      }) : () -> ()
      %mul3A_116 = arith.constant 4 : i32
      %mul3A_117 = arith.muli %scan3A_42, %mul3A_116 : i32
      %add3A_118 = arith.constant 3 : i32
      %add3A_119 = arith.addi %mul3A_117, %add3A_118 : i32
      %dma_wait3A_120 = arith.constant 3 : i32
      %dma_wait3A_121 = arith.constant 0 : i32
      %dma_wait3A_122 = arith.constant 0 : i32
      %dma_wait3A_123 = tpu.memref_slice %arg6[%dma_wait3A_120, %dma_wait3A_121, %dma_wait3A_122] : memref<4x40x128xf32, #tpu.memory_space<vmem>> -> memref<1x40x128xf32, #tpu.memory_space<vmem>>
      %dma_wait3A_124 = tpu.memref_squeeze %dma_wait3A_123 : memref<1x40x128xf32, #tpu.memory_space<vmem>> -> memref<40x128xf32, #tpu.memory_space<vmem>>
      %dma_wait3A_125 = arith.constant 0 : i32
      %dma_wait3A_126 = tpu.memref_slice %arg5[%add3A_119, %dma_wait3A_125] : memref<80x40xi32, #tpu.memory_space<vmem>> -> memref<1x40xi32, #tpu.memory_space<vmem>>
      %dma_wait3A_127 = tpu.memref_squeeze %dma_wait3A_126 : memref<1x40xi32, #tpu.memory_space<vmem>> -> memref<40xi32, #tpu.memory_space<vmem>>
      %dma_wait3A_128 = arith.constant 0 : i32
      %dma_wait3A_129 = arith.constant 0 : i32
      %dma_wait3A_130 = tpu.memref_slice %arg2[%dma_wait3A_128, %dma_wait3A_129] : memref<10000x128xf32, #tpu.memory_space<hbm>> -> memref<10000x128xf32, #tpu.memory_space<hbm>>
      tpu.wait_indirect_dma semaphore(%arg10 : memref<!tpu.dma_semaphore, #tpu.memory_space<semaphore_mem>>) src(%dma_wait3A_130 : memref<10000x128xf32, #tpu.memory_space<hbm>>) dst(%dma_wait3A_124 : memref<40x128xf32, #tpu.memory_space<vmem>>)
      %add3A_131 = arith.constant 3 : i32
      %add3A_132 = arith.addi %add3A_119, %add3A_131 : i32
      %lt3A_133 = arith.constant 80 : i32
      %lt3A_134 = arith.cmpi slt, %add3A_132, %lt3A_133 : i32
      %convert_element_type3A_135 = arith.extui %lt3A_134 : i1 to i32
      %cond3A_136 = arith.constant 0 : i32
      %cond3A_137 = arith.cmpi ne, %convert_element_type3A_135, %cond3A_136 : i32
      scf.if %cond3A_137 {
        %add3A_142 = arith.constant 3 : i32
        %add3A_143 = arith.addi %add3A_119, %add3A_142 : i32
        %dma_start3A_144 = arith.constant 2 : i32
        %dma_start3A_145 = arith.constant 0 : i32
        %dma_start3A_146 = arith.constant 0 : i32
        %dma_start3A_147 = tpu.memref_slice %arg6[%dma_start3A_144, %dma_start3A_145, %dma_start3A_146] : memref<4x40x128xf32, #tpu.memory_space<vmem>> -> memref<1x40x128xf32, #tpu.memory_space<vmem>>
        %dma_start3A_148 = tpu.memref_squeeze %dma_start3A_147 : memref<1x40x128xf32, #tpu.memory_space<vmem>> -> memref<40x128xf32, #tpu.memory_space<vmem>>
        %dma_start3A_149 = arith.constant 0 : i32
        %dma_start3A_150 = tpu.memref_slice %arg5[%add3A_143, %dma_start3A_149] : memref<80x40xi32, #tpu.memory_space<vmem>> -> memref<1x40xi32, #tpu.memory_space<vmem>>
        %dma_start3A_151 = tpu.memref_squeeze %dma_start3A_150 : memref<1x40xi32, #tpu.memory_space<vmem>> -> memref<40xi32, #tpu.memory_space<vmem>>
        %dma_start3A_152 = arith.constant 0 : i32
        %dma_start3A_153 = arith.constant 0 : i32
        %dma_start3A_154 = tpu.memref_slice %arg2[%dma_start3A_152, %dma_start3A_153] : memref<10000x128xf32, #tpu.memory_space<hbm>> -> memref<10000x128xf32, #tpu.memory_space<hbm>>
        tpu.enqueue_indirect_dma source(%dma_start3A_154 : memref<10000x128xf32, #tpu.memory_space<hbm>>) target(%dma_start3A_148 : memref<40x128xf32, #tpu.memory_space<vmem>>) offsets(%dma_start3A_151 : memref<40xi32, #tpu.memory_space<vmem>>) semaphore(%arg9 : memref<!tpu.dma_semaphore, #tpu.memory_space<semaphore_mem>>)
      } else {
      }
      %mul3A_138 = arith.constant 40 : i32
      %mul3A_139 = arith.muli %add3A_119, %mul3A_138 : i32
      %add3A_140 = arith.addi %mul3A_2, %mul3A_139 : i32
      %run_scoped3A_141 = arith.constant 3 : i32
      "tpu.region"() ({
        %run_scoped3A_142 = tpu.sem_alloc : memref<!tpu.dma_semaphore, #tpu.memory_space<semaphore_mem>>
        %dma_start3A_143 = arith.constant 0 : i32
        %dma_start3A_144 = arith.constant 0 : i32
        %dma_start3A_145 = tpu.memref_slice %arg6[%run_scoped3A_141, %dma_start3A_143, %dma_start3A_144] : memref<4x40x128xf32, #tpu.memory_space<vmem>> -> memref<1x40x128xf32, #tpu.memory_space<vmem>>
        %dma_start3A_146 = tpu.memref_squeeze %dma_start3A_145 : memref<1x40x128xf32, #tpu.memory_space<vmem>> -> memref<40x128xf32, #tpu.memory_space<vmem>>
        %dma_start3A_147 = arith.constant 0 : i32
        %dma_start3A_148 = tpu.memref_slice %arg4[%add3A_140, %dma_start3A_147] : memref<102400x128xf32, #tpu.memory_space<hbm>> -> memref<40x128xf32, #tpu.memory_space<hbm>>
        %dma_start3A_149 = arith.constant 0 : i32
        %dma_start3A_150 = tpu.memref_slice %arg4[%add3A_140, %dma_start3A_149] : memref<102400x128xf32, #tpu.memory_space<hbm>> -> memref<40x128xf32, #tpu.memory_space<hbm>>
        %dma_start3A_151 = arith.constant 0 : i32
        %dma_start3A_152 = arith.constant 0 : i32
        %dma_start3A_153 = tpu.memref_slice %arg6[%run_scoped3A_141, %dma_start3A_151, %dma_start3A_152] : memref<4x40x128xf32, #tpu.memory_space<vmem>> -> memref<1x40x128xf32, #tpu.memory_space<vmem>>
        %dma_start3A_154 = tpu.memref_squeeze %dma_start3A_153 : memref<1x40x128xf32, #tpu.memory_space<vmem>> -> memref<40x128xf32, #tpu.memory_space<vmem>>
        tpu.enqueue_dma source(%dma_start3A_154 : memref<40x128xf32, #tpu.memory_space<vmem>>) target(%dma_start3A_150 : memref<40x128xf32, #tpu.memory_space<hbm>>) target_semaphore(%run_scoped3A_142 : memref<!tpu.dma_semaphore, #tpu.memory_space<semaphore_mem>>)
        %dma_wait3A_155 = arith.constant 0 : i32
        %dma_wait3A_156 = arith.constant 0 : i32
        %dma_wait3A_157 = tpu.memref_slice %arg6[%run_scoped3A_141, %dma_wait3A_155, %dma_wait3A_156] : memref<4x40x128xf32, #tpu.memory_space<vmem>> -> memref<1x40x128xf32, #tpu.memory_space<vmem>>
        %dma_wait3A_158 = tpu.memref_squeeze %dma_wait3A_157 : memref<1x40x128xf32, #tpu.memory_space<vmem>> -> memref<40x128xf32, #tpu.memory_space<vmem>>
        %dma_wait3A_159 = arith.constant 0 : i32
        %dma_wait3A_160 = tpu.memref_slice %arg4[%add3A_140, %dma_wait3A_159] : memref<102400x128xf32, #tpu.memory_space<hbm>> -> memref<40x128xf32, #tpu.memory_space<hbm>>
        %dma_wait3A_161 = arith.constant 0 : i32
        %dma_wait3A_162 = tpu.memref_slice %arg4[%add3A_140, %dma_wait3A_161] : memref<102400x128xf32, #tpu.memory_space<hbm>> -> memref<40x128xf32, #tpu.memory_space<hbm>>
        %dma_wait3A_163 = arith.constant 0 : i32
        %dma_wait3A_164 = arith.constant 0 : i32
        %dma_wait3A_165 = tpu.memref_slice %arg6[%run_scoped3A_141, %dma_wait3A_163, %dma_wait3A_164] : memref<4x40x128xf32, #tpu.memory_space<vmem>> -> memref<1x40x128xf32, #tpu.memory_space<vmem>>
        %dma_wait3A_166 = tpu.memref_squeeze %dma_wait3A_165 : memref<1x40x128xf32, #tpu.memory_space<vmem>> -> memref<40x128xf32, #tpu.memory_space<vmem>>
        tpu.wait_dma2 semaphore(%run_scoped3A_142 : memref<!tpu.dma_semaphore, #tpu.memory_space<semaphore_mem>>) src(%dma_wait3A_166 : memref<40x128xf32, #tpu.memory_space<vmem>>) dst(%dma_wait3A_162 : memref<40x128xf32, #tpu.memory_space<hbm>>)
        tpu.yield
      }) : () -> ()
    }
    %scan3A_41 = arith.constant 20 : i32
    return
  }
}

#map = affine_map<(d0, d1) -> (0, 0)>
#map1 = affine_map<(d0, d1) -> (0, 0, 0)>
module attributes {stable_mosaic.version = 14 : i64} {
  func.func @body_fn(%arg0: i32, %arg1: i32, %arg2: memref<10000x128xf32, #tpu.memory_space<hbm>>, %arg3: memref<32x45x40xi32, #tpu.memory_space<hbm>>, %arg4: memref<57600x128xf32, #tpu.memory_space<hbm>>, %arg5: memref<45x40xi32, #tpu.memory_space<vmem>>, %arg6: memref<4x40x128xf32, #tpu.memory_space<vmem>>, %arg7: memref<!tpu.dma_semaphore, #tpu.memory_space<semaphore_mem>>, %arg8: memref<!tpu.dma_semaphore, #tpu.memory_space<semaphore_mem>>, %arg9: memref<!tpu.dma_semaphore, #tpu.memory_space<semaphore_mem>>, %arg10: memref<!tpu.dma_semaphore, #tpu.memory_space<semaphore_mem>>) attributes {dimension_semantics = [#tpu.dimension_semantics<core_parallel>, #tpu.dimension_semantics<subcore_parallel>], iteration_bounds = array<i64: 2, 16>, scalar_prefetch = 0 : i64, scratch_operands = 6 : i64, tpu.core_type = #tpu.core_type<sc_vector_subcore>, window_params = [{transform_indices = #map}, {transform_indices = #map1}, {transform_indices = #map}]} {
    %mul3A = arith.constant 16 : i32
    %mul3A_0 = arith.muli %arg0, %mul3A : i32
    %add3A = arith.addi %mul3A_0, %arg1 : i32
    %mul3A_1 = arith.constant 1800 : i32
    %mul3A_2 = arith.muli %add3A, %mul3A_1 : i32
    "tpu.region"() ({
      %run_scoped3A_55 = tpu.sem_alloc : memref<!tpu.dma_semaphore, #tpu.memory_space<semaphore_mem>>
      %dma_start3A_56 = arith.constant 0 : i32
      %dma_start3A_57 = arith.constant 0 : i32
      %dma_start3A_58 = tpu.memref_slice %arg3[%add3A, %dma_start3A_56, %dma_start3A_57] : memref<32x45x40xi32, #tpu.memory_space<hbm>> -> memref<1x45x40xi32, #tpu.memory_space<hbm>>
      %dma_start3A_59 = tpu.memref_squeeze %dma_start3A_58 : memref<1x45x40xi32, #tpu.memory_space<hbm>> -> memref<45x40xi32, #tpu.memory_space<hbm>>
      %dma_start3A_60 = arith.constant 0 : i32
      %dma_start3A_61 = arith.constant 0 : i32
      %dma_start3A_62 = tpu.memref_slice %arg3[%add3A, %dma_start3A_60, %dma_start3A_61] : memref<32x45x40xi32, #tpu.memory_space<hbm>> -> memref<1x45x40xi32, #tpu.memory_space<hbm>>
      %dma_start3A_63 = tpu.memref_squeeze %dma_start3A_62 : memref<1x45x40xi32, #tpu.memory_space<hbm>> -> memref<45x40xi32, #tpu.memory_space<hbm>>
      tpu.enqueue_dma source(%dma_start3A_63 : memref<45x40xi32, #tpu.memory_space<hbm>>) target(%arg5 : memref<45x40xi32, #tpu.memory_space<vmem>>) target_semaphore(%run_scoped3A_55 : memref<!tpu.dma_semaphore, #tpu.memory_space<semaphore_mem>>)
      %dma_wait3A_64 = arith.constant 0 : i32
      %dma_wait3A_65 = arith.constant 0 : i32
      %dma_wait3A_66 = tpu.memref_slice %arg3[%add3A, %dma_wait3A_64, %dma_wait3A_65] : memref<32x45x40xi32, #tpu.memory_space<hbm>> -> memref<1x45x40xi32, #tpu.memory_space<hbm>>
      %dma_wait3A_67 = tpu.memref_squeeze %dma_wait3A_66 : memref<1x45x40xi32, #tpu.memory_space<hbm>> -> memref<45x40xi32, #tpu.memory_space<hbm>>
      %dma_wait3A_68 = arith.constant 0 : i32
      %dma_wait3A_69 = arith.constant 0 : i32
      %dma_wait3A_70 = tpu.memref_slice %arg3[%add3A, %dma_wait3A_68, %dma_wait3A_69] : memref<32x45x40xi32, #tpu.memory_space<hbm>> -> memref<1x45x40xi32, #tpu.memory_space<hbm>>
      %dma_wait3A_71 = tpu.memref_squeeze %dma_wait3A_70 : memref<1x45x40xi32, #tpu.memory_space<hbm>> -> memref<45x40xi32, #tpu.memory_space<hbm>>
      tpu.wait_dma2 semaphore(%run_scoped3A_55 : memref<!tpu.dma_semaphore, #tpu.memory_space<semaphore_mem>>) src(%dma_wait3A_71 : memref<45x40xi32, #tpu.memory_space<hbm>>) dst(%arg5 : memref<45x40xi32, #tpu.memory_space<vmem>>)
      tpu.yield
    }) : () -> ()
    %dma_start3A = arith.constant 0 : i32
    %dma_start3A_3 = arith.constant 0 : i32
    %dma_start3A_4 = arith.constant 0 : i32
    %dma_start3A_5 = arith.constant 0 : i32
    %dma_start3A_6 = tpu.memref_slice %arg6[%dma_start3A_3, %dma_start3A_4, %dma_start3A_5] : memref<4x40x128xf32, #tpu.memory_space<vmem>> -> memref<1x40x128xf32, #tpu.memory_space<vmem>>
    %dma_start3A_7 = tpu.memref_squeeze %dma_start3A_6 : memref<1x40x128xf32, #tpu.memory_space<vmem>> -> memref<40x128xf32, #tpu.memory_space<vmem>>
    %dma_start3A_8 = arith.constant 0 : i32
    %dma_start3A_9 = tpu.memref_slice %arg5[%dma_start3A, %dma_start3A_8] : memref<45x40xi32, #tpu.memory_space<vmem>> -> memref<1x40xi32, #tpu.memory_space<vmem>>
    %dma_start3A_10 = tpu.memref_squeeze %dma_start3A_9 : memref<1x40xi32, #tpu.memory_space<vmem>> -> memref<40xi32, #tpu.memory_space<vmem>>
    %dma_start3A_11 = arith.constant 0 : i32
    %dma_start3A_12 = arith.constant 0 : i32
    %dma_start3A_13 = tpu.memref_slice %arg2[%dma_start3A_11, %dma_start3A_12] : memref<10000x128xf32, #tpu.memory_space<hbm>> -> memref<10000x128xf32, #tpu.memory_space<hbm>>
    tpu.enqueue_indirect_dma source(%dma_start3A_13 : memref<10000x128xf32, #tpu.memory_space<hbm>>) target(%dma_start3A_7 : memref<40x128xf32, #tpu.memory_space<vmem>>) offsets(%dma_start3A_10 : memref<40xi32, #tpu.memory_space<vmem>>) semaphore(%arg7 : memref<!tpu.dma_semaphore, #tpu.memory_space<semaphore_mem>>)
    %dma_start3A_14 = arith.constant 1 : i32
    %dma_start3A_15 = arith.constant 1 : i32
    %dma_start3A_16 = arith.constant 0 : i32
    %dma_start3A_17 = arith.constant 0 : i32
    %dma_start3A_18 = tpu.memref_slice %arg6[%dma_start3A_15, %dma_start3A_16, %dma_start3A_17] : memref<4x40x128xf32, #tpu.memory_space<vmem>> -> memref<1x40x128xf32, #tpu.memory_space<vmem>>
    %dma_start3A_19 = tpu.memref_squeeze %dma_start3A_18 : memref<1x40x128xf32, #tpu.memory_space<vmem>> -> memref<40x128xf32, #tpu.memory_space<vmem>>
    %dma_start3A_20 = arith.constant 0 : i32
    %dma_start3A_21 = tpu.memref_slice %arg5[%dma_start3A_14, %dma_start3A_20] : memref<45x40xi32, #tpu.memory_space<vmem>> -> memref<1x40xi32, #tpu.memory_space<vmem>>
    %dma_start3A_22 = tpu.memref_squeeze %dma_start3A_21 : memref<1x40xi32, #tpu.memory_space<vmem>> -> memref<40xi32, #tpu.memory_space<vmem>>
    %dma_start3A_23 = arith.constant 0 : i32
    %dma_start3A_24 = arith.constant 0 : i32
    %dma_start3A_25 = tpu.memref_slice %arg2[%dma_start3A_23, %dma_start3A_24] : memref<10000x128xf32, #tpu.memory_space<hbm>> -> memref<10000x128xf32, #tpu.memory_space<hbm>>
    tpu.enqueue_indirect_dma source(%dma_start3A_25 : memref<10000x128xf32, #tpu.memory_space<hbm>>) target(%dma_start3A_19 : memref<40x128xf32, #tpu.memory_space<vmem>>) offsets(%dma_start3A_22 : memref<40xi32, #tpu.memory_space<vmem>>) semaphore(%arg8 : memref<!tpu.dma_semaphore, #tpu.memory_space<semaphore_mem>>)
    %dma_start3A_26 = arith.constant 2 : i32
    %dma_start3A_27 = arith.constant 2 : i32
    %dma_start3A_28 = arith.constant 0 : i32
    %dma_start3A_29 = arith.constant 0 : i32
    %dma_start3A_30 = tpu.memref_slice %arg6[%dma_start3A_27, %dma_start3A_28, %dma_start3A_29] : memref<4x40x128xf32, #tpu.memory_space<vmem>> -> memref<1x40x128xf32, #tpu.memory_space<vmem>>
    %dma_start3A_31 = tpu.memref_squeeze %dma_start3A_30 : memref<1x40x128xf32, #tpu.memory_space<vmem>> -> memref<40x128xf32, #tpu.memory_space<vmem>>
    %dma_start3A_32 = arith.constant 0 : i32
    %dma_start3A_33 = tpu.memref_slice %arg5[%dma_start3A_26, %dma_start3A_32] : memref<45x40xi32, #tpu.memory_space<vmem>> -> memref<1x40xi32, #tpu.memory_space<vmem>>
    %dma_start3A_34 = tpu.memref_squeeze %dma_start3A_33 : memref<1x40xi32, #tpu.memory_space<vmem>> -> memref<40xi32, #tpu.memory_space<vmem>>
    %dma_start3A_35 = arith.constant 0 : i32
    %dma_start3A_36 = arith.constant 0 : i32
    %dma_start3A_37 = tpu.memref_slice %arg2[%dma_start3A_35, %dma_start3A_36] : memref<10000x128xf32, #tpu.memory_space<hbm>> -> memref<10000x128xf32, #tpu.memory_space<hbm>>
    tpu.enqueue_indirect_dma source(%dma_start3A_37 : memref<10000x128xf32, #tpu.memory_space<hbm>>) target(%dma_start3A_31 : memref<40x128xf32, #tpu.memory_space<vmem>>) offsets(%dma_start3A_34 : memref<40xi32, #tpu.memory_space<vmem>>) semaphore(%arg9 : memref<!tpu.dma_semaphore, #tpu.memory_space<semaphore_mem>>)
    %scan3A = arith.constant 0 : i32
    %scan3A_38 = arith.constant 11 : i32
    %scan3A_39 = arith.addi %scan3A, %scan3A_38 : i32
    %scan3A_40 = arith.constant 1 : i32
    scf.for %scan3A_55 = %scan3A to %scan3A_39 step %scan3A_40  : i32 {
      %mul3A_56 = arith.constant 4 : i32
      %mul3A_57 = arith.muli %scan3A_55, %mul3A_56 : i32
      %add3A_58 = arith.constant 0 : i32
      %add3A_59 = arith.addi %mul3A_57, %add3A_58 : i32
      %dma_wait3A_60 = arith.constant 0 : i32
      %dma_wait3A_61 = arith.constant 0 : i32
      %dma_wait3A_62 = arith.constant 0 : i32
      %dma_wait3A_63 = tpu.memref_slice %arg6[%dma_wait3A_60, %dma_wait3A_61, %dma_wait3A_62] : memref<4x40x128xf32, #tpu.memory_space<vmem>> -> memref<1x40x128xf32, #tpu.memory_space<vmem>>
      %dma_wait3A_64 = tpu.memref_squeeze %dma_wait3A_63 : memref<1x40x128xf32, #tpu.memory_space<vmem>> -> memref<40x128xf32, #tpu.memory_space<vmem>>
      %dma_wait3A_65 = arith.constant 0 : i32
      %dma_wait3A_66 = tpu.memref_slice %arg5[%add3A_59, %dma_wait3A_65] : memref<45x40xi32, #tpu.memory_space<vmem>> -> memref<1x40xi32, #tpu.memory_space<vmem>>
      %dma_wait3A_67 = tpu.memref_squeeze %dma_wait3A_66 : memref<1x40xi32, #tpu.memory_space<vmem>> -> memref<40xi32, #tpu.memory_space<vmem>>
      %dma_wait3A_68 = arith.constant 0 : i32
      %dma_wait3A_69 = arith.constant 0 : i32
      %dma_wait3A_70 = tpu.memref_slice %arg2[%dma_wait3A_68, %dma_wait3A_69] : memref<10000x128xf32, #tpu.memory_space<hbm>> -> memref<10000x128xf32, #tpu.memory_space<hbm>>
      tpu.wait_indirect_dma semaphore(%arg7 : memref<!tpu.dma_semaphore, #tpu.memory_space<semaphore_mem>>) src(%dma_wait3A_70 : memref<10000x128xf32, #tpu.memory_space<hbm>>) dst(%dma_wait3A_64 : memref<40x128xf32, #tpu.memory_space<vmem>>)
      %add3A_71 = arith.constant 3 : i32
      %add3A_72 = arith.addi %add3A_59, %add3A_71 : i32
      %lt3A = arith.constant 45 : i32
      %lt3A_73 = arith.cmpi slt, %add3A_72, %lt3A : i32
      %convert_element_type3A = arith.extui %lt3A_73 : i1 to i32
      %cond3A = arith.constant 0 : i32
      %cond3A_74 = arith.cmpi ne, %convert_element_type3A, %cond3A : i32
      scf.if %cond3A_74 {
        %add3A_157 = arith.constant 3 : i32
        %add3A_158 = arith.addi %add3A_59, %add3A_157 : i32
        %dma_start3A_159 = arith.constant 3 : i32
        %dma_start3A_160 = arith.constant 0 : i32
        %dma_start3A_161 = arith.constant 0 : i32
        %dma_start3A_162 = tpu.memref_slice %arg6[%dma_start3A_159, %dma_start3A_160, %dma_start3A_161] : memref<4x40x128xf32, #tpu.memory_space<vmem>> -> memref<1x40x128xf32, #tpu.memory_space<vmem>>
        %dma_start3A_163 = tpu.memref_squeeze %dma_start3A_162 : memref<1x40x128xf32, #tpu.memory_space<vmem>> -> memref<40x128xf32, #tpu.memory_space<vmem>>
        %dma_start3A_164 = arith.constant 0 : i32
        %dma_start3A_165 = tpu.memref_slice %arg5[%add3A_158, %dma_start3A_164] : memref<45x40xi32, #tpu.memory_space<vmem>> -> memref<1x40xi32, #tpu.memory_space<vmem>>
        %dma_start3A_166 = tpu.memref_squeeze %dma_start3A_165 : memref<1x40xi32, #tpu.memory_space<vmem>> -> memref<40xi32, #tpu.memory_space<vmem>>
        %dma_start3A_167 = arith.constant 0 : i32
        %dma_start3A_168 = arith.constant 0 : i32
        %dma_start3A_169 = tpu.memref_slice %arg2[%dma_start3A_167, %dma_start3A_168] : memref<10000x128xf32, #tpu.memory_space<hbm>> -> memref<10000x128xf32, #tpu.memory_space<hbm>>
        tpu.enqueue_indirect_dma source(%dma_start3A_169 : memref<10000x128xf32, #tpu.memory_space<hbm>>) target(%dma_start3A_163 : memref<40x128xf32, #tpu.memory_space<vmem>>) offsets(%dma_start3A_166 : memref<40xi32, #tpu.memory_space<vmem>>) semaphore(%arg10 : memref<!tpu.dma_semaphore, #tpu.memory_space<semaphore_mem>>)
      } else {
      }
      %mul3A_75 = arith.constant 40 : i32
      %mul3A_76 = arith.muli %add3A_59, %mul3A_75 : i32
      %add3A_77 = arith.addi %mul3A_2, %mul3A_76 : i32
      %run_scoped3A_78 = arith.constant 0 : i32
      "tpu.region"() ({
        %run_scoped3A_157 = tpu.sem_alloc : memref<!tpu.dma_semaphore, #tpu.memory_space<semaphore_mem>>
        %dma_start3A_158 = arith.constant 0 : i32
        %dma_start3A_159 = arith.constant 0 : i32
        %dma_start3A_160 = tpu.memref_slice %arg6[%run_scoped3A_78, %dma_start3A_158, %dma_start3A_159] : memref<4x40x128xf32, #tpu.memory_space<vmem>> -> memref<1x40x128xf32, #tpu.memory_space<vmem>>
        %dma_start3A_161 = tpu.memref_squeeze %dma_start3A_160 : memref<1x40x128xf32, #tpu.memory_space<vmem>> -> memref<40x128xf32, #tpu.memory_space<vmem>>
        %dma_start3A_162 = arith.constant 0 : i32
        %dma_start3A_163 = tpu.memref_slice %arg4[%add3A_77, %dma_start3A_162] : memref<57600x128xf32, #tpu.memory_space<hbm>> -> memref<40x128xf32, #tpu.memory_space<hbm>>
        %dma_start3A_164 = arith.constant 0 : i32
        %dma_start3A_165 = tpu.memref_slice %arg4[%add3A_77, %dma_start3A_164] : memref<57600x128xf32, #tpu.memory_space<hbm>> -> memref<40x128xf32, #tpu.memory_space<hbm>>
        %dma_start3A_166 = arith.constant 0 : i32
        %dma_start3A_167 = arith.constant 0 : i32
        %dma_start3A_168 = tpu.memref_slice %arg6[%run_scoped3A_78, %dma_start3A_166, %dma_start3A_167] : memref<4x40x128xf32, #tpu.memory_space<vmem>> -> memref<1x40x128xf32, #tpu.memory_space<vmem>>
        %dma_start3A_169 = tpu.memref_squeeze %dma_start3A_168 : memref<1x40x128xf32, #tpu.memory_space<vmem>> -> memref<40x128xf32, #tpu.memory_space<vmem>>
        tpu.enqueue_dma source(%dma_start3A_169 : memref<40x128xf32, #tpu.memory_space<vmem>>) target(%dma_start3A_165 : memref<40x128xf32, #tpu.memory_space<hbm>>) target_semaphore(%run_scoped3A_157 : memref<!tpu.dma_semaphore, #tpu.memory_space<semaphore_mem>>)
        %dma_wait3A_170 = arith.constant 0 : i32
        %dma_wait3A_171 = arith.constant 0 : i32
        %dma_wait3A_172 = tpu.memref_slice %arg6[%run_scoped3A_78, %dma_wait3A_170, %dma_wait3A_171] : memref<4x40x128xf32, #tpu.memory_space<vmem>> -> memref<1x40x128xf32, #tpu.memory_space<vmem>>
        %dma_wait3A_173 = tpu.memref_squeeze %dma_wait3A_172 : memref<1x40x128xf32, #tpu.memory_space<vmem>> -> memref<40x128xf32, #tpu.memory_space<vmem>>
        %dma_wait3A_174 = arith.constant 0 : i32
        %dma_wait3A_175 = tpu.memref_slice %arg4[%add3A_77, %dma_wait3A_174] : memref<57600x128xf32, #tpu.memory_space<hbm>> -> memref<40x128xf32, #tpu.memory_space<hbm>>
        %dma_wait3A_176 = arith.constant 0 : i32
        %dma_wait3A_177 = tpu.memref_slice %arg4[%add3A_77, %dma_wait3A_176] : memref<57600x128xf32, #tpu.memory_space<hbm>> -> memref<40x128xf32, #tpu.memory_space<hbm>>
        %dma_wait3A_178 = arith.constant 0 : i32
        %dma_wait3A_179 = arith.constant 0 : i32
        %dma_wait3A_180 = tpu.memref_slice %arg6[%run_scoped3A_78, %dma_wait3A_178, %dma_wait3A_179] : memref<4x40x128xf32, #tpu.memory_space<vmem>> -> memref<1x40x128xf32, #tpu.memory_space<vmem>>
        %dma_wait3A_181 = tpu.memref_squeeze %dma_wait3A_180 : memref<1x40x128xf32, #tpu.memory_space<vmem>> -> memref<40x128xf32, #tpu.memory_space<vmem>>
        tpu.wait_dma2 semaphore(%run_scoped3A_157 : memref<!tpu.dma_semaphore, #tpu.memory_space<semaphore_mem>>) src(%dma_wait3A_181 : memref<40x128xf32, #tpu.memory_space<vmem>>) dst(%dma_wait3A_177 : memref<40x128xf32, #tpu.memory_space<hbm>>)
        tpu.yield
      }) : () -> ()
      %mul3A_79 = arith.constant 4 : i32
      %mul3A_80 = arith.muli %scan3A_55, %mul3A_79 : i32
      %add3A_81 = arith.constant 1 : i32
      %add3A_82 = arith.addi %mul3A_80, %add3A_81 : i32
      %dma_wait3A_83 = arith.constant 1 : i32
      %dma_wait3A_84 = arith.constant 0 : i32
      %dma_wait3A_85 = arith.constant 0 : i32
      %dma_wait3A_86 = tpu.memref_slice %arg6[%dma_wait3A_83, %dma_wait3A_84, %dma_wait3A_85] : memref<4x40x128xf32, #tpu.memory_space<vmem>> -> memref<1x40x128xf32, #tpu.memory_space<vmem>>
      %dma_wait3A_87 = tpu.memref_squeeze %dma_wait3A_86 : memref<1x40x128xf32, #tpu.memory_space<vmem>> -> memref<40x128xf32, #tpu.memory_space<vmem>>
      %dma_wait3A_88 = arith.constant 0 : i32
      %dma_wait3A_89 = tpu.memref_slice %arg5[%add3A_82, %dma_wait3A_88] : memref<45x40xi32, #tpu.memory_space<vmem>> -> memref<1x40xi32, #tpu.memory_space<vmem>>
      %dma_wait3A_90 = tpu.memref_squeeze %dma_wait3A_89 : memref<1x40xi32, #tpu.memory_space<vmem>> -> memref<40xi32, #tpu.memory_space<vmem>>
      %dma_wait3A_91 = arith.constant 0 : i32
      %dma_wait3A_92 = arith.constant 0 : i32
      %dma_wait3A_93 = tpu.memref_slice %arg2[%dma_wait3A_91, %dma_wait3A_92] : memref<10000x128xf32, #tpu.memory_space<hbm>> -> memref<10000x128xf32, #tpu.memory_space<hbm>>
      tpu.wait_indirect_dma semaphore(%arg8 : memref<!tpu.dma_semaphore, #tpu.memory_space<semaphore_mem>>) src(%dma_wait3A_93 : memref<10000x128xf32, #tpu.memory_space<hbm>>) dst(%dma_wait3A_87 : memref<40x128xf32, #tpu.memory_space<vmem>>)
      %add3A_94 = arith.constant 3 : i32
      %add3A_95 = arith.addi %add3A_82, %add3A_94 : i32
      %lt3A_96 = arith.constant 45 : i32
      %lt3A_97 = arith.cmpi slt, %add3A_95, %lt3A_96 : i32
      %convert_element_type3A_98 = arith.extui %lt3A_97 : i1 to i32
      %cond3A_99 = arith.constant 0 : i32
      %cond3A_100 = arith.cmpi ne, %convert_element_type3A_98, %cond3A_99 : i32
      scf.if %cond3A_100 {
        %add3A_157 = arith.constant 3 : i32
        %add3A_158 = arith.addi %add3A_82, %add3A_157 : i32
        %dma_start3A_159 = arith.constant 0 : i32
        %dma_start3A_160 = arith.constant 0 : i32
        %dma_start3A_161 = arith.constant 0 : i32
        %dma_start3A_162 = tpu.memref_slice %arg6[%dma_start3A_159, %dma_start3A_160, %dma_start3A_161] : memref<4x40x128xf32, #tpu.memory_space<vmem>> -> memref<1x40x128xf32, #tpu.memory_space<vmem>>
        %dma_start3A_163 = tpu.memref_squeeze %dma_start3A_162 : memref<1x40x128xf32, #tpu.memory_space<vmem>> -> memref<40x128xf32, #tpu.memory_space<vmem>>
        %dma_start3A_164 = arith.constant 0 : i32
        %dma_start3A_165 = tpu.memref_slice %arg5[%add3A_158, %dma_start3A_164] : memref<45x40xi32, #tpu.memory_space<vmem>> -> memref<1x40xi32, #tpu.memory_space<vmem>>
        %dma_start3A_166 = tpu.memref_squeeze %dma_start3A_165 : memref<1x40xi32, #tpu.memory_space<vmem>> -> memref<40xi32, #tpu.memory_space<vmem>>
        %dma_start3A_167 = arith.constant 0 : i32
        %dma_start3A_168 = arith.constant 0 : i32
        %dma_start3A_169 = tpu.memref_slice %arg2[%dma_start3A_167, %dma_start3A_168] : memref<10000x128xf32, #tpu.memory_space<hbm>> -> memref<10000x128xf32, #tpu.memory_space<hbm>>
        tpu.enqueue_indirect_dma source(%dma_start3A_169 : memref<10000x128xf32, #tpu.memory_space<hbm>>) target(%dma_start3A_163 : memref<40x128xf32, #tpu.memory_space<vmem>>) offsets(%dma_start3A_166 : memref<40xi32, #tpu.memory_space<vmem>>) semaphore(%arg7 : memref<!tpu.dma_semaphore, #tpu.memory_space<semaphore_mem>>)
      } else {
      }
      %mul3A_101 = arith.constant 40 : i32
      %mul3A_102 = arith.muli %add3A_82, %mul3A_101 : i32
      %add3A_103 = arith.addi %mul3A_2, %mul3A_102 : i32
      %run_scoped3A_104 = arith.constant 1 : i32
      "tpu.region"() ({
        %run_scoped3A_157 = tpu.sem_alloc : memref<!tpu.dma_semaphore, #tpu.memory_space<semaphore_mem>>
        %dma_start3A_158 = arith.constant 0 : i32
        %dma_start3A_159 = arith.constant 0 : i32
        %dma_start3A_160 = tpu.memref_slice %arg6[%run_scoped3A_104, %dma_start3A_158, %dma_start3A_159] : memref<4x40x128xf32, #tpu.memory_space<vmem>> -> memref<1x40x128xf32, #tpu.memory_space<vmem>>
        %dma_start3A_161 = tpu.memref_squeeze %dma_start3A_160 : memref<1x40x128xf32, #tpu.memory_space<vmem>> -> memref<40x128xf32, #tpu.memory_space<vmem>>
        %dma_start3A_162 = arith.constant 0 : i32
        %dma_start3A_163 = tpu.memref_slice %arg4[%add3A_103, %dma_start3A_162] : memref<57600x128xf32, #tpu.memory_space<hbm>> -> memref<40x128xf32, #tpu.memory_space<hbm>>
        %dma_start3A_164 = arith.constant 0 : i32
        %dma_start3A_165 = tpu.memref_slice %arg4[%add3A_103, %dma_start3A_164] : memref<57600x128xf32, #tpu.memory_space<hbm>> -> memref<40x128xf32, #tpu.memory_space<hbm>>
        %dma_start3A_166 = arith.constant 0 : i32
        %dma_start3A_167 = arith.constant 0 : i32
        %dma_start3A_168 = tpu.memref_slice %arg6[%run_scoped3A_104, %dma_start3A_166, %dma_start3A_167] : memref<4x40x128xf32, #tpu.memory_space<vmem>> -> memref<1x40x128xf32, #tpu.memory_space<vmem>>
        %dma_start3A_169 = tpu.memref_squeeze %dma_start3A_168 : memref<1x40x128xf32, #tpu.memory_space<vmem>> -> memref<40x128xf32, #tpu.memory_space<vmem>>
        tpu.enqueue_dma source(%dma_start3A_169 : memref<40x128xf32, #tpu.memory_space<vmem>>) target(%dma_start3A_165 : memref<40x128xf32, #tpu.memory_space<hbm>>) target_semaphore(%run_scoped3A_157 : memref<!tpu.dma_semaphore, #tpu.memory_space<semaphore_mem>>)
        %dma_wait3A_170 = arith.constant 0 : i32
        %dma_wait3A_171 = arith.constant 0 : i32
        %dma_wait3A_172 = tpu.memref_slice %arg6[%run_scoped3A_104, %dma_wait3A_170, %dma_wait3A_171] : memref<4x40x128xf32, #tpu.memory_space<vmem>> -> memref<1x40x128xf32, #tpu.memory_space<vmem>>
        %dma_wait3A_173 = tpu.memref_squeeze %dma_wait3A_172 : memref<1x40x128xf32, #tpu.memory_space<vmem>> -> memref<40x128xf32, #tpu.memory_space<vmem>>
        %dma_wait3A_174 = arith.constant 0 : i32
        %dma_wait3A_175 = tpu.memref_slice %arg4[%add3A_103, %dma_wait3A_174] : memref<57600x128xf32, #tpu.memory_space<hbm>> -> memref<40x128xf32, #tpu.memory_space<hbm>>
        %dma_wait3A_176 = arith.constant 0 : i32
        %dma_wait3A_177 = tpu.memref_slice %arg4[%add3A_103, %dma_wait3A_176] : memref<57600x128xf32, #tpu.memory_space<hbm>> -> memref<40x128xf32, #tpu.memory_space<hbm>>
        %dma_wait3A_178 = arith.constant 0 : i32
        %dma_wait3A_179 = arith.constant 0 : i32
        %dma_wait3A_180 = tpu.memref_slice %arg6[%run_scoped3A_104, %dma_wait3A_178, %dma_wait3A_179] : memref<4x40x128xf32, #tpu.memory_space<vmem>> -> memref<1x40x128xf32, #tpu.memory_space<vmem>>
        %dma_wait3A_181 = tpu.memref_squeeze %dma_wait3A_180 : memref<1x40x128xf32, #tpu.memory_space<vmem>> -> memref<40x128xf32, #tpu.memory_space<vmem>>
        tpu.wait_dma2 semaphore(%run_scoped3A_157 : memref<!tpu.dma_semaphore, #tpu.memory_space<semaphore_mem>>) src(%dma_wait3A_181 : memref<40x128xf32, #tpu.memory_space<vmem>>) dst(%dma_wait3A_177 : memref<40x128xf32, #tpu.memory_space<hbm>>)
        tpu.yield
      }) : () -> ()
      %mul3A_105 = arith.constant 4 : i32
      %mul3A_106 = arith.muli %scan3A_55, %mul3A_105 : i32
      %add3A_107 = arith.constant 2 : i32
      %add3A_108 = arith.addi %mul3A_106, %add3A_107 : i32
      %dma_wait3A_109 = arith.constant 2 : i32
      %dma_wait3A_110 = arith.constant 0 : i32
      %dma_wait3A_111 = arith.constant 0 : i32
      %dma_wait3A_112 = tpu.memref_slice %arg6[%dma_wait3A_109, %dma_wait3A_110, %dma_wait3A_111] : memref<4x40x128xf32, #tpu.memory_space<vmem>> -> memref<1x40x128xf32, #tpu.memory_space<vmem>>
      %dma_wait3A_113 = tpu.memref_squeeze %dma_wait3A_112 : memref<1x40x128xf32, #tpu.memory_space<vmem>> -> memref<40x128xf32, #tpu.memory_space<vmem>>
      %dma_wait3A_114 = arith.constant 0 : i32
      %dma_wait3A_115 = tpu.memref_slice %arg5[%add3A_108, %dma_wait3A_114] : memref<45x40xi32, #tpu.memory_space<vmem>> -> memref<1x40xi32, #tpu.memory_space<vmem>>
      %dma_wait3A_116 = tpu.memref_squeeze %dma_wait3A_115 : memref<1x40xi32, #tpu.memory_space<vmem>> -> memref<40xi32, #tpu.memory_space<vmem>>
      %dma_wait3A_117 = arith.constant 0 : i32
      %dma_wait3A_118 = arith.constant 0 : i32
      %dma_wait3A_119 = tpu.memref_slice %arg2[%dma_wait3A_117, %dma_wait3A_118] : memref<10000x128xf32, #tpu.memory_space<hbm>> -> memref<10000x128xf32, #tpu.memory_space<hbm>>
      tpu.wait_indirect_dma semaphore(%arg9 : memref<!tpu.dma_semaphore, #tpu.memory_space<semaphore_mem>>) src(%dma_wait3A_119 : memref<10000x128xf32, #tpu.memory_space<hbm>>) dst(%dma_wait3A_113 : memref<40x128xf32, #tpu.memory_space<vmem>>)
      %add3A_120 = arith.constant 3 : i32
      %add3A_121 = arith.addi %add3A_108, %add3A_120 : i32
      %lt3A_122 = arith.constant 45 : i32
      %lt3A_123 = arith.cmpi slt, %add3A_121, %lt3A_122 : i32
      %convert_element_type3A_124 = arith.extui %lt3A_123 : i1 to i32
      %cond3A_125 = arith.constant 0 : i32
      %cond3A_126 = arith.cmpi ne, %convert_element_type3A_124, %cond3A_125 : i32
      scf.if %cond3A_126 {
        %add3A_157 = arith.constant 3 : i32
        %add3A_158 = arith.addi %add3A_108, %add3A_157 : i32
        %dma_start3A_159 = arith.constant 1 : i32
        %dma_start3A_160 = arith.constant 0 : i32
        %dma_start3A_161 = arith.constant 0 : i32
        %dma_start3A_162 = tpu.memref_slice %arg6[%dma_start3A_159, %dma_start3A_160, %dma_start3A_161] : memref<4x40x128xf32, #tpu.memory_space<vmem>> -> memref<1x40x128xf32, #tpu.memory_space<vmem>>
        %dma_start3A_163 = tpu.memref_squeeze %dma_start3A_162 : memref<1x40x128xf32, #tpu.memory_space<vmem>> -> memref<40x128xf32, #tpu.memory_space<vmem>>
        %dma_start3A_164 = arith.constant 0 : i32
        %dma_start3A_165 = tpu.memref_slice %arg5[%add3A_158, %dma_start3A_164] : memref<45x40xi32, #tpu.memory_space<vmem>> -> memref<1x40xi32, #tpu.memory_space<vmem>>
        %dma_start3A_166 = tpu.memref_squeeze %dma_start3A_165 : memref<1x40xi32, #tpu.memory_space<vmem>> -> memref<40xi32, #tpu.memory_space<vmem>>
        %dma_start3A_167 = arith.constant 0 : i32
        %dma_start3A_168 = arith.constant 0 : i32
        %dma_start3A_169 = tpu.memref_slice %arg2[%dma_start3A_167, %dma_start3A_168] : memref<10000x128xf32, #tpu.memory_space<hbm>> -> memref<10000x128xf32, #tpu.memory_space<hbm>>
        tpu.enqueue_indirect_dma source(%dma_start3A_169 : memref<10000x128xf32, #tpu.memory_space<hbm>>) target(%dma_start3A_163 : memref<40x128xf32, #tpu.memory_space<vmem>>) offsets(%dma_start3A_166 : memref<40xi32, #tpu.memory_space<vmem>>) semaphore(%arg8 : memref<!tpu.dma_semaphore, #tpu.memory_space<semaphore_mem>>)
      } else {
      }
      %mul3A_127 = arith.constant 40 : i32
      %mul3A_128 = arith.muli %add3A_108, %mul3A_127 : i32
      %add3A_129 = arith.addi %mul3A_2, %mul3A_128 : i32
      %run_scoped3A_130 = arith.constant 2 : i32
      "tpu.region"() ({
        %run_scoped3A_157 = tpu.sem_alloc : memref<!tpu.dma_semaphore, #tpu.memory_space<semaphore_mem>>
        %dma_start3A_158 = arith.constant 0 : i32
        %dma_start3A_159 = arith.constant 0 : i32
        %dma_start3A_160 = tpu.memref_slice %arg6[%run_scoped3A_130, %dma_start3A_158, %dma_start3A_159] : memref<4x40x128xf32, #tpu.memory_space<vmem>> -> memref<1x40x128xf32, #tpu.memory_space<vmem>>
        %dma_start3A_161 = tpu.memref_squeeze %dma_start3A_160 : memref<1x40x128xf32, #tpu.memory_space<vmem>> -> memref<40x128xf32, #tpu.memory_space<vmem>>
        %dma_start3A_162 = arith.constant 0 : i32
        %dma_start3A_163 = tpu.memref_slice %arg4[%add3A_129, %dma_start3A_162] : memref<57600x128xf32, #tpu.memory_space<hbm>> -> memref<40x128xf32, #tpu.memory_space<hbm>>
        %dma_start3A_164 = arith.constant 0 : i32
        %dma_start3A_165 = tpu.memref_slice %arg4[%add3A_129, %dma_start3A_164] : memref<57600x128xf32, #tpu.memory_space<hbm>> -> memref<40x128xf32, #tpu.memory_space<hbm>>
        %dma_start3A_166 = arith.constant 0 : i32
        %dma_start3A_167 = arith.constant 0 : i32
        %dma_start3A_168 = tpu.memref_slice %arg6[%run_scoped3A_130, %dma_start3A_166, %dma_start3A_167] : memref<4x40x128xf32, #tpu.memory_space<vmem>> -> memref<1x40x128xf32, #tpu.memory_space<vmem>>
        %dma_start3A_169 = tpu.memref_squeeze %dma_start3A_168 : memref<1x40x128xf32, #tpu.memory_space<vmem>> -> memref<40x128xf32, #tpu.memory_space<vmem>>
        tpu.enqueue_dma source(%dma_start3A_169 : memref<40x128xf32, #tpu.memory_space<vmem>>) target(%dma_start3A_165 : memref<40x128xf32, #tpu.memory_space<hbm>>) target_semaphore(%run_scoped3A_157 : memref<!tpu.dma_semaphore, #tpu.memory_space<semaphore_mem>>)
        %dma_wait3A_170 = arith.constant 0 : i32
        %dma_wait3A_171 = arith.constant 0 : i32
        %dma_wait3A_172 = tpu.memref_slice %arg6[%run_scoped3A_130, %dma_wait3A_170, %dma_wait3A_171] : memref<4x40x128xf32, #tpu.memory_space<vmem>> -> memref<1x40x128xf32, #tpu.memory_space<vmem>>
        %dma_wait3A_173 = tpu.memref_squeeze %dma_wait3A_172 : memref<1x40x128xf32, #tpu.memory_space<vmem>> -> memref<40x128xf32, #tpu.memory_space<vmem>>
        %dma_wait3A_174 = arith.constant 0 : i32
        %dma_wait3A_175 = tpu.memref_slice %arg4[%add3A_129, %dma_wait3A_174] : memref<57600x128xf32, #tpu.memory_space<hbm>> -> memref<40x128xf32, #tpu.memory_space<hbm>>
        %dma_wait3A_176 = arith.constant 0 : i32
        %dma_wait3A_177 = tpu.memref_slice %arg4[%add3A_129, %dma_wait3A_176] : memref<57600x128xf32, #tpu.memory_space<hbm>> -> memref<40x128xf32, #tpu.memory_space<hbm>>
        %dma_wait3A_178 = arith.constant 0 : i32
        %dma_wait3A_179 = arith.constant 0 : i32
        %dma_wait3A_180 = tpu.memref_slice %arg6[%run_scoped3A_130, %dma_wait3A_178, %dma_wait3A_179] : memref<4x40x128xf32, #tpu.memory_space<vmem>> -> memref<1x40x128xf32, #tpu.memory_space<vmem>>
        %dma_wait3A_181 = tpu.memref_squeeze %dma_wait3A_180 : memref<1x40x128xf32, #tpu.memory_space<vmem>> -> memref<40x128xf32, #tpu.memory_space<vmem>>
        tpu.wait_dma2 semaphore(%run_scoped3A_157 : memref<!tpu.dma_semaphore, #tpu.memory_space<semaphore_mem>>) src(%dma_wait3A_181 : memref<40x128xf32, #tpu.memory_space<vmem>>) dst(%dma_wait3A_177 : memref<40x128xf32, #tpu.memory_space<hbm>>)
        tpu.yield
      }) : () -> ()
      %mul3A_131 = arith.constant 4 : i32
      %mul3A_132 = arith.muli %scan3A_55, %mul3A_131 : i32
      %add3A_133 = arith.constant 3 : i32
      %add3A_134 = arith.addi %mul3A_132, %add3A_133 : i32
      %dma_wait3A_135 = arith.constant 3 : i32
      %dma_wait3A_136 = arith.constant 0 : i32
      %dma_wait3A_137 = arith.constant 0 : i32
      %dma_wait3A_138 = tpu.memref_slice %arg6[%dma_wait3A_135, %dma_wait3A_136, %dma_wait3A_137] : memref<4x40x128xf32, #tpu.memory_space<vmem>> -> memref<1x40x128xf32, #tpu.memory_space<vmem>>
      %dma_wait3A_139 = tpu.memref_squeeze %dma_wait3A_138 : memref<1x40x128xf32, #tpu.memory_space<vmem>> -> memref<40x128xf32, #tpu.memory_space<vmem>>
      %dma_wait3A_140 = arith.constant 0 : i32
      %dma_wait3A_141 = tpu.memref_slice %arg5[%add3A_134, %dma_wait3A_140] : memref<45x40xi32, #tpu.memory_space<vmem>> -> memref<1x40xi32, #tpu.memory_space<vmem>>
      %dma_wait3A_142 = tpu.memref_squeeze %dma_wait3A_141 : memref<1x40xi32, #tpu.memory_space<vmem>> -> memref<40xi32, #tpu.memory_space<vmem>>
      %dma_wait3A_143 = arith.constant 0 : i32
      %dma_wait3A_144 = arith.constant 0 : i32
      %dma_wait3A_145 = tpu.memref_slice %arg2[%dma_wait3A_143, %dma_wait3A_144] : memref<10000x128xf32, #tpu.memory_space<hbm>> -> memref<10000x128xf32, #tpu.memory_space<hbm>>
      tpu.wait_indirect_dma semaphore(%arg10 : memref<!tpu.dma_semaphore, #tpu.memory_space<semaphore_mem>>) src(%dma_wait3A_145 : memref<10000x128xf32, #tpu.memory_space<hbm>>) dst(%dma_wait3A_139 : memref<40x128xf32, #tpu.memory_space<vmem>>)
      %add3A_146 = arith.constant 3 : i32
      %add3A_147 = arith.addi %add3A_134, %add3A_146 : i32
      %lt3A_148 = arith.constant 45 : i32
      %lt3A_149 = arith.cmpi slt, %add3A_147, %lt3A_148 : i32
      %convert_element_type3A_150 = arith.extui %lt3A_149 : i1 to i32
      %cond3A_151 = arith.constant 0 : i32
      %cond3A_152 = arith.cmpi ne, %convert_element_type3A_150, %cond3A_151 : i32
      scf.if %cond3A_152 {
        %add3A_157 = arith.constant 3 : i32
        %add3A_158 = arith.addi %add3A_134, %add3A_157 : i32
        %dma_start3A_159 = arith.constant 2 : i32
        %dma_start3A_160 = arith.constant 0 : i32
        %dma_start3A_161 = arith.constant 0 : i32
        %dma_start3A_162 = tpu.memref_slice %arg6[%dma_start3A_159, %dma_start3A_160, %dma_start3A_161] : memref<4x40x128xf32, #tpu.memory_space<vmem>> -> memref<1x40x128xf32, #tpu.memory_space<vmem>>
        %dma_start3A_163 = tpu.memref_squeeze %dma_start3A_162 : memref<1x40x128xf32, #tpu.memory_space<vmem>> -> memref<40x128xf32, #tpu.memory_space<vmem>>
        %dma_start3A_164 = arith.constant 0 : i32
        %dma_start3A_165 = tpu.memref_slice %arg5[%add3A_158, %dma_start3A_164] : memref<45x40xi32, #tpu.memory_space<vmem>> -> memref<1x40xi32, #tpu.memory_space<vmem>>
        %dma_start3A_166 = tpu.memref_squeeze %dma_start3A_165 : memref<1x40xi32, #tpu.memory_space<vmem>> -> memref<40xi32, #tpu.memory_space<vmem>>
        %dma_start3A_167 = arith.constant 0 : i32
        %dma_start3A_168 = arith.constant 0 : i32
        %dma_start3A_169 = tpu.memref_slice %arg2[%dma_start3A_167, %dma_start3A_168] : memref<10000x128xf32, #tpu.memory_space<hbm>> -> memref<10000x128xf32, #tpu.memory_space<hbm>>
        tpu.enqueue_indirect_dma source(%dma_start3A_169 : memref<10000x128xf32, #tpu.memory_space<hbm>>) target(%dma_start3A_163 : memref<40x128xf32, #tpu.memory_space<vmem>>) offsets(%dma_start3A_166 : memref<40xi32, #tpu.memory_space<vmem>>) semaphore(%arg9 : memref<!tpu.dma_semaphore, #tpu.memory_space<semaphore_mem>>)
      } else {
      }
      %mul3A_153 = arith.constant 40 : i32
      %mul3A_154 = arith.muli %add3A_134, %mul3A_153 : i32
      %add3A_155 = arith.addi %mul3A_2, %mul3A_154 : i32
      %run_scoped3A_156 = arith.constant 3 : i32
      "tpu.region"() ({
        %run_scoped3A_157 = tpu.sem_alloc : memref<!tpu.dma_semaphore, #tpu.memory_space<semaphore_mem>>
        %dma_start3A_158 = arith.constant 0 : i32
        %dma_start3A_159 = arith.constant 0 : i32
        %dma_start3A_160 = tpu.memref_slice %arg6[%run_scoped3A_156, %dma_start3A_158, %dma_start3A_159] : memref<4x40x128xf32, #tpu.memory_space<vmem>> -> memref<1x40x128xf32, #tpu.memory_space<vmem>>
        %dma_start3A_161 = tpu.memref_squeeze %dma_start3A_160 : memref<1x40x128xf32, #tpu.memory_space<vmem>> -> memref<40x128xf32, #tpu.memory_space<vmem>>
        %dma_start3A_162 = arith.constant 0 : i32
        %dma_start3A_163 = tpu.memref_slice %arg4[%add3A_155, %dma_start3A_162] : memref<57600x128xf32, #tpu.memory_space<hbm>> -> memref<40x128xf32, #tpu.memory_space<hbm>>
        %dma_start3A_164 = arith.constant 0 : i32
        %dma_start3A_165 = tpu.memref_slice %arg4[%add3A_155, %dma_start3A_164] : memref<57600x128xf32, #tpu.memory_space<hbm>> -> memref<40x128xf32, #tpu.memory_space<hbm>>
        %dma_start3A_166 = arith.constant 0 : i32
        %dma_start3A_167 = arith.constant 0 : i32
        %dma_start3A_168 = tpu.memref_slice %arg6[%run_scoped3A_156, %dma_start3A_166, %dma_start3A_167] : memref<4x40x128xf32, #tpu.memory_space<vmem>> -> memref<1x40x128xf32, #tpu.memory_space<vmem>>
        %dma_start3A_169 = tpu.memref_squeeze %dma_start3A_168 : memref<1x40x128xf32, #tpu.memory_space<vmem>> -> memref<40x128xf32, #tpu.memory_space<vmem>>
        tpu.enqueue_dma source(%dma_start3A_169 : memref<40x128xf32, #tpu.memory_space<vmem>>) target(%dma_start3A_165 : memref<40x128xf32, #tpu.memory_space<hbm>>) target_semaphore(%run_scoped3A_157 : memref<!tpu.dma_semaphore, #tpu.memory_space<semaphore_mem>>)
        %dma_wait3A_170 = arith.constant 0 : i32
        %dma_wait3A_171 = arith.constant 0 : i32
        %dma_wait3A_172 = tpu.memref_slice %arg6[%run_scoped3A_156, %dma_wait3A_170, %dma_wait3A_171] : memref<4x40x128xf32, #tpu.memory_space<vmem>> -> memref<1x40x128xf32, #tpu.memory_space<vmem>>
        %dma_wait3A_173 = tpu.memref_squeeze %dma_wait3A_172 : memref<1x40x128xf32, #tpu.memory_space<vmem>> -> memref<40x128xf32, #tpu.memory_space<vmem>>
        %dma_wait3A_174 = arith.constant 0 : i32
        %dma_wait3A_175 = tpu.memref_slice %arg4[%add3A_155, %dma_wait3A_174] : memref<57600x128xf32, #tpu.memory_space<hbm>> -> memref<40x128xf32, #tpu.memory_space<hbm>>
        %dma_wait3A_176 = arith.constant 0 : i32
        %dma_wait3A_177 = tpu.memref_slice %arg4[%add3A_155, %dma_wait3A_176] : memref<57600x128xf32, #tpu.memory_space<hbm>> -> memref<40x128xf32, #tpu.memory_space<hbm>>
        %dma_wait3A_178 = arith.constant 0 : i32
        %dma_wait3A_179 = arith.constant 0 : i32
        %dma_wait3A_180 = tpu.memref_slice %arg6[%run_scoped3A_156, %dma_wait3A_178, %dma_wait3A_179] : memref<4x40x128xf32, #tpu.memory_space<vmem>> -> memref<1x40x128xf32, #tpu.memory_space<vmem>>
        %dma_wait3A_181 = tpu.memref_squeeze %dma_wait3A_180 : memref<1x40x128xf32, #tpu.memory_space<vmem>> -> memref<40x128xf32, #tpu.memory_space<vmem>>
        tpu.wait_dma2 semaphore(%run_scoped3A_157 : memref<!tpu.dma_semaphore, #tpu.memory_space<semaphore_mem>>) src(%dma_wait3A_181 : memref<40x128xf32, #tpu.memory_space<vmem>>) dst(%dma_wait3A_177 : memref<40x128xf32, #tpu.memory_space<hbm>>)
        tpu.yield
      }) : () -> ()
    }
    %scan3A_41 = arith.constant 11 : i32
    %dma_wait3A = arith.constant 44 : i32
    %dma_wait3A_42 = arith.constant 0 : i32
    %dma_wait3A_43 = arith.constant 0 : i32
    %dma_wait3A_44 = arith.constant 0 : i32
    %dma_wait3A_45 = tpu.memref_slice %arg6[%dma_wait3A_42, %dma_wait3A_43, %dma_wait3A_44] : memref<4x40x128xf32, #tpu.memory_space<vmem>> -> memref<1x40x128xf32, #tpu.memory_space<vmem>>
    %dma_wait3A_46 = tpu.memref_squeeze %dma_wait3A_45 : memref<1x40x128xf32, #tpu.memory_space<vmem>> -> memref<40x128xf32, #tpu.memory_space<vmem>>
    %dma_wait3A_47 = arith.constant 0 : i32
    %dma_wait3A_48 = tpu.memref_slice %arg5[%dma_wait3A, %dma_wait3A_47] : memref<45x40xi32, #tpu.memory_space<vmem>> -> memref<1x40xi32, #tpu.memory_space<vmem>>
    %dma_wait3A_49 = tpu.memref_squeeze %dma_wait3A_48 : memref<1x40xi32, #tpu.memory_space<vmem>> -> memref<40xi32, #tpu.memory_space<vmem>>
    %dma_wait3A_50 = arith.constant 0 : i32
    %dma_wait3A_51 = arith.constant 0 : i32
    %dma_wait3A_52 = tpu.memref_slice %arg2[%dma_wait3A_50, %dma_wait3A_51] : memref<10000x128xf32, #tpu.memory_space<hbm>> -> memref<10000x128xf32, #tpu.memory_space<hbm>>
    tpu.wait_indirect_dma semaphore(%arg7 : memref<!tpu.dma_semaphore, #tpu.memory_space<semaphore_mem>>) src(%dma_wait3A_52 : memref<10000x128xf32, #tpu.memory_space<hbm>>) dst(%dma_wait3A_46 : memref<40x128xf32, #tpu.memory_space<vmem>>)
    %add3A_53 = arith.constant 1760 : i32
    %add3A_54 = arith.addi %mul3A_2, %add3A_53 : i32
    %run_scoped3A = arith.constant 0 : i32
    "tpu.region"() ({
      %run_scoped3A_55 = tpu.sem_alloc : memref<!tpu.dma_semaphore, #tpu.memory_space<semaphore_mem>>
      %dma_start3A_56 = arith.constant 0 : i32
      %dma_start3A_57 = arith.constant 0 : i32
      %dma_start3A_58 = tpu.memref_slice %arg6[%run_scoped3A, %dma_start3A_56, %dma_start3A_57] : memref<4x40x128xf32, #tpu.memory_space<vmem>> -> memref<1x40x128xf32, #tpu.memory_space<vmem>>
      %dma_start3A_59 = tpu.memref_squeeze %dma_start3A_58 : memref<1x40x128xf32, #tpu.memory_space<vmem>> -> memref<40x128xf32, #tpu.memory_space<vmem>>
      %dma_start3A_60 = arith.constant 0 : i32
      %dma_start3A_61 = tpu.memref_slice %arg4[%add3A_54, %dma_start3A_60] : memref<57600x128xf32, #tpu.memory_space<hbm>> -> memref<40x128xf32, #tpu.memory_space<hbm>>
      %dma_start3A_62 = arith.constant 0 : i32
      %dma_start3A_63 = tpu.memref_slice %arg4[%add3A_54, %dma_start3A_62] : memref<57600x128xf32, #tpu.memory_space<hbm>> -> memref<40x128xf32, #tpu.memory_space<hbm>>
      %dma_start3A_64 = arith.constant 0 : i32
      %dma_start3A_65 = arith.constant 0 : i32
      %dma_start3A_66 = tpu.memref_slice %arg6[%run_scoped3A, %dma_start3A_64, %dma_start3A_65] : memref<4x40x128xf32, #tpu.memory_space<vmem>> -> memref<1x40x128xf32, #tpu.memory_space<vmem>>
      %dma_start3A_67 = tpu.memref_squeeze %dma_start3A_66 : memref<1x40x128xf32, #tpu.memory_space<vmem>> -> memref<40x128xf32, #tpu.memory_space<vmem>>
      tpu.enqueue_dma source(%dma_start3A_67 : memref<40x128xf32, #tpu.memory_space<vmem>>) target(%dma_start3A_63 : memref<40x128xf32, #tpu.memory_space<hbm>>) target_semaphore(%run_scoped3A_55 : memref<!tpu.dma_semaphore, #tpu.memory_space<semaphore_mem>>)
      %dma_wait3A_68 = arith.constant 0 : i32
      %dma_wait3A_69 = arith.constant 0 : i32
      %dma_wait3A_70 = tpu.memref_slice %arg6[%run_scoped3A, %dma_wait3A_68, %dma_wait3A_69] : memref<4x40x128xf32, #tpu.memory_space<vmem>> -> memref<1x40x128xf32, #tpu.memory_space<vmem>>
      %dma_wait3A_71 = tpu.memref_squeeze %dma_wait3A_70 : memref<1x40x128xf32, #tpu.memory_space<vmem>> -> memref<40x128xf32, #tpu.memory_space<vmem>>
      %dma_wait3A_72 = arith.constant 0 : i32
      %dma_wait3A_73 = tpu.memref_slice %arg4[%add3A_54, %dma_wait3A_72] : memref<57600x128xf32, #tpu.memory_space<hbm>> -> memref<40x128xf32, #tpu.memory_space<hbm>>
      %dma_wait3A_74 = arith.constant 0 : i32
      %dma_wait3A_75 = tpu.memref_slice %arg4[%add3A_54, %dma_wait3A_74] : memref<57600x128xf32, #tpu.memory_space<hbm>> -> memref<40x128xf32, #tpu.memory_space<hbm>>
      %dma_wait3A_76 = arith.constant 0 : i32
      %dma_wait3A_77 = arith.constant 0 : i32
      %dma_wait3A_78 = tpu.memref_slice %arg6[%run_scoped3A, %dma_wait3A_76, %dma_wait3A_77] : memref<4x40x128xf32, #tpu.memory_space<vmem>> -> memref<1x40x128xf32, #tpu.memory_space<vmem>>
      %dma_wait3A_79 = tpu.memref_squeeze %dma_wait3A_78 : memref<1x40x128xf32, #tpu.memory_space<vmem>> -> memref<40x128xf32, #tpu.memory_space<vmem>>
      tpu.wait_dma2 semaphore(%run_scoped3A_55 : memref<!tpu.dma_semaphore, #tpu.memory_space<semaphore_mem>>) src(%dma_wait3A_79 : memref<40x128xf32, #tpu.memory_space<vmem>>) dst(%dma_wait3A_75 : memref<40x128xf32, #tpu.memory_space<hbm>>)
      tpu.yield
    }) : () -> ()
    return
  }
}

#map = affine_map<(d0, d1) -> (0, 0)>
#map1 = affine_map<(d0, d1) -> (0, 0, 0)>
module attributes {stable_mosaic.version = 14 : i64} {
  func.func @body_fn(%arg0: i32, %arg1: i32, %arg2: memref<102400x128xf32, #tpu.memory_space<hbm>>, %arg3: memref<32x80x40xi32, #tpu.memory_space<hbm>>, %arg4: memref<640x128xf32, #tpu.memory_space<hbm>>, %arg5: memref<2x10240x128xf32, #tpu.memory_space<hbm>>, %arg6: memref<10240x128xf32, #tpu.memory_space<vmem_shared>>, %arg7: memref<80x40xi32, #tpu.memory_space<vmem>>, %arg8: memref<4x40x128xf32, #tpu.memory_space<vmem>>, %arg9: memref<!tpu.dma_semaphore, #tpu.memory_space<semaphore_mem>>, %arg10: memref<!tpu.dma_semaphore, #tpu.memory_space<semaphore_mem>>, %arg11: memref<!tpu.dma_semaphore, #tpu.memory_space<semaphore_mem>>, %arg12: memref<!tpu.dma_semaphore, #tpu.memory_space<semaphore_mem>>) attributes {dimension_semantics = [#tpu.dimension_semantics<core_parallel>, #tpu.dimension_semantics<subcore_parallel>], iteration_bounds = array<i64: 2, 16>, scalar_prefetch = 0 : i64, scratch_operands = 7 : i64, tpu.core_type = #tpu.core_type<sc_vector_subcore>, window_params = [{transform_indices = #map}, {transform_indices = #map1}, {transform_indices = #map}, {transform_indices = #map1}]} {
    %mul3A = arith.constant 16 : i32
    %mul3A_0 = arith.muli %arg0, %mul3A : i32
    %add3A = arith.addi %mul3A_0, %arg1 : i32
    %mul3A_1 = arith.constant 3200 : i32
    %mul3A_2 = arith.muli %add3A, %mul3A_1 : i32
    %mul3A_3 = arith.constant 640 : i32
    %mul3A_4 = arith.muli %arg1, %mul3A_3 : i32
    "tpu.region"() ({
      %run_scoped3A = tpu.sem_alloc : memref<!tpu.dma_semaphore, #tpu.memory_space<semaphore_mem>>
      %dma_start3A_54 = arith.constant 0 : i32
      %dma_start3A_55 = tpu.memref_slice %arg6[%mul3A_4, %dma_start3A_54] : memref<10240x128xf32, #tpu.memory_space<vmem_shared>> -> memref<640x128xf32, #tpu.memory_space<vmem_shared>>
      tpu.enqueue_dma source(%arg4 : memref<640x128xf32, #tpu.memory_space<hbm>>) target(%dma_start3A_55 : memref<640x128xf32, #tpu.memory_space<vmem_shared>>) target_semaphore(%run_scoped3A : memref<!tpu.dma_semaphore, #tpu.memory_space<semaphore_mem>>)
      %dma_wait3A = arith.constant 0 : i32
      %dma_wait3A_56 = tpu.memref_slice %arg6[%mul3A_4, %dma_wait3A] : memref<10240x128xf32, #tpu.memory_space<vmem_shared>> -> memref<640x128xf32, #tpu.memory_space<vmem_shared>>
      tpu.wait_dma2 semaphore(%run_scoped3A : memref<!tpu.dma_semaphore, #tpu.memory_space<semaphore_mem>>) src(%arg4 : memref<640x128xf32, #tpu.memory_space<hbm>>) dst(%dma_wait3A_56 : memref<640x128xf32, #tpu.memory_space<vmem_shared>>)
      tpu.yield
    }) : () -> ()
    "tpu.region"() ({
      %run_scoped3A = tpu.sem_alloc : memref<!tpu.dma_semaphore, #tpu.memory_space<semaphore_mem>>
      %dma_start3A_54 = arith.constant 0 : i32
      %dma_start3A_55 = arith.constant 0 : i32
      %dma_start3A_56 = tpu.memref_slice %arg3[%add3A, %dma_start3A_54, %dma_start3A_55] : memref<32x80x40xi32, #tpu.memory_space<hbm>> -> memref<1x80x40xi32, #tpu.memory_space<hbm>>
      %dma_start3A_57 = tpu.memref_squeeze %dma_start3A_56 : memref<1x80x40xi32, #tpu.memory_space<hbm>> -> memref<80x40xi32, #tpu.memory_space<hbm>>
      %dma_start3A_58 = arith.constant 0 : i32
      %dma_start3A_59 = arith.constant 0 : i32
      %dma_start3A_60 = tpu.memref_slice %arg3[%add3A, %dma_start3A_58, %dma_start3A_59] : memref<32x80x40xi32, #tpu.memory_space<hbm>> -> memref<1x80x40xi32, #tpu.memory_space<hbm>>
      %dma_start3A_61 = tpu.memref_squeeze %dma_start3A_60 : memref<1x80x40xi32, #tpu.memory_space<hbm>> -> memref<80x40xi32, #tpu.memory_space<hbm>>
      tpu.enqueue_dma source(%dma_start3A_61 : memref<80x40xi32, #tpu.memory_space<hbm>>) target(%arg7 : memref<80x40xi32, #tpu.memory_space<vmem>>) target_semaphore(%run_scoped3A : memref<!tpu.dma_semaphore, #tpu.memory_space<semaphore_mem>>)
      %dma_wait3A = arith.constant 0 : i32
      %dma_wait3A_62 = arith.constant 0 : i32
      %dma_wait3A_63 = tpu.memref_slice %arg3[%add3A, %dma_wait3A, %dma_wait3A_62] : memref<32x80x40xi32, #tpu.memory_space<hbm>> -> memref<1x80x40xi32, #tpu.memory_space<hbm>>
      %dma_wait3A_64 = tpu.memref_squeeze %dma_wait3A_63 : memref<1x80x40xi32, #tpu.memory_space<hbm>> -> memref<80x40xi32, #tpu.memory_space<hbm>>
      %dma_wait3A_65 = arith.constant 0 : i32
      %dma_wait3A_66 = arith.constant 0 : i32
      %dma_wait3A_67 = tpu.memref_slice %arg3[%add3A, %dma_wait3A_65, %dma_wait3A_66] : memref<32x80x40xi32, #tpu.memory_space<hbm>> -> memref<1x80x40xi32, #tpu.memory_space<hbm>>
      %dma_wait3A_68 = tpu.memref_squeeze %dma_wait3A_67 : memref<1x80x40xi32, #tpu.memory_space<hbm>> -> memref<80x40xi32, #tpu.memory_space<hbm>>
      tpu.wait_dma2 semaphore(%run_scoped3A : memref<!tpu.dma_semaphore, #tpu.memory_space<semaphore_mem>>) src(%dma_wait3A_68 : memref<80x40xi32, #tpu.memory_space<hbm>>) dst(%arg7 : memref<80x40xi32, #tpu.memory_space<vmem>>)
      tpu.yield
    }) : () -> ()
    %barrier3A = arith.constant 0 : index
    tpu.barrier barrier_id(%barrier3A)
    %add3A_5 = arith.constant 0 : i32
    %add3A_6 = arith.addi %mul3A_2, %add3A_5 : i32
    %dma_start3A = arith.constant 0 : i32
    %dma_start3A_7 = arith.constant 0 : i32
    %dma_start3A_8 = arith.constant 0 : i32
    %dma_start3A_9 = tpu.memref_slice %arg8[%dma_start3A, %dma_start3A_7, %dma_start3A_8] : memref<4x40x128xf32, #tpu.memory_space<vmem>> -> memref<1x40x128xf32, #tpu.memory_space<vmem>>
    %dma_start3A_10 = tpu.memref_squeeze %dma_start3A_9 : memref<1x40x128xf32, #tpu.memory_space<vmem>> -> memref<40x128xf32, #tpu.memory_space<vmem>>
    %dma_start3A_11 = arith.constant 0 : i32
    %dma_start3A_12 = tpu.memref_slice %arg2[%add3A_6, %dma_start3A_11] : memref<102400x128xf32, #tpu.memory_space<hbm>> -> memref<40x128xf32, #tpu.memory_space<hbm>>
    %dma_start3A_13 = arith.constant 0 : i32
    %dma_start3A_14 = arith.constant 0 : i32
    %dma_start3A_15 = tpu.memref_slice %arg8[%dma_start3A, %dma_start3A_13, %dma_start3A_14] : memref<4x40x128xf32, #tpu.memory_space<vmem>> -> memref<1x40x128xf32, #tpu.memory_space<vmem>>
    %dma_start3A_16 = tpu.memref_squeeze %dma_start3A_15 : memref<1x40x128xf32, #tpu.memory_space<vmem>> -> memref<40x128xf32, #tpu.memory_space<vmem>>
    %dma_start3A_17 = arith.constant 0 : i32
    %dma_start3A_18 = tpu.memref_slice %arg2[%add3A_6, %dma_start3A_17] : memref<102400x128xf32, #tpu.memory_space<hbm>> -> memref<40x128xf32, #tpu.memory_space<hbm>>
    tpu.enqueue_dma source(%dma_start3A_18 : memref<40x128xf32, #tpu.memory_space<hbm>>) target(%dma_start3A_16 : memref<40x128xf32, #tpu.memory_space<vmem>>) target_semaphore(%arg9 : memref<!tpu.dma_semaphore, #tpu.memory_space<semaphore_mem>>)
    %add3A_19 = arith.constant 40 : i32
    %add3A_20 = arith.addi %mul3A_2, %add3A_19 : i32
    %dma_start3A_21 = arith.constant 1 : i32
    %dma_start3A_22 = arith.constant 0 : i32
    %dma_start3A_23 = arith.constant 0 : i32
    %dma_start3A_24 = tpu.memref_slice %arg8[%dma_start3A_21, %dma_start3A_22, %dma_start3A_23] : memref<4x40x128xf32, #tpu.memory_space<vmem>> -> memref<1x40x128xf32, #tpu.memory_space<vmem>>
    %dma_start3A_25 = tpu.memref_squeeze %dma_start3A_24 : memref<1x40x128xf32, #tpu.memory_space<vmem>> -> memref<40x128xf32, #tpu.memory_space<vmem>>
    %dma_start3A_26 = arith.constant 0 : i32
    %dma_start3A_27 = tpu.memref_slice %arg2[%add3A_20, %dma_start3A_26] : memref<102400x128xf32, #tpu.memory_space<hbm>> -> memref<40x128xf32, #tpu.memory_space<hbm>>
    %dma_start3A_28 = arith.constant 0 : i32
    %dma_start3A_29 = arith.constant 0 : i32
    %dma_start3A_30 = tpu.memref_slice %arg8[%dma_start3A_21, %dma_start3A_28, %dma_start3A_29] : memref<4x40x128xf32, #tpu.memory_space<vmem>> -> memref<1x40x128xf32, #tpu.memory_space<vmem>>
    %dma_start3A_31 = tpu.memref_squeeze %dma_start3A_30 : memref<1x40x128xf32, #tpu.memory_space<vmem>> -> memref<40x128xf32, #tpu.memory_space<vmem>>
    %dma_start3A_32 = arith.constant 0 : i32
    %dma_start3A_33 = tpu.memref_slice %arg2[%add3A_20, %dma_start3A_32] : memref<102400x128xf32, #tpu.memory_space<hbm>> -> memref<40x128xf32, #tpu.memory_space<hbm>>
    tpu.enqueue_dma source(%dma_start3A_33 : memref<40x128xf32, #tpu.memory_space<hbm>>) target(%dma_start3A_31 : memref<40x128xf32, #tpu.memory_space<vmem>>) target_semaphore(%arg10 : memref<!tpu.dma_semaphore, #tpu.memory_space<semaphore_mem>>)
    %add3A_34 = arith.constant 80 : i32
    %add3A_35 = arith.addi %mul3A_2, %add3A_34 : i32
    %dma_start3A_36 = arith.constant 2 : i32
    %dma_start3A_37 = arith.constant 0 : i32
    %dma_start3A_38 = arith.constant 0 : i32
    %dma_start3A_39 = tpu.memref_slice %arg8[%dma_start3A_36, %dma_start3A_37, %dma_start3A_38] : memref<4x40x128xf32, #tpu.memory_space<vmem>> -> memref<1x40x128xf32, #tpu.memory_space<vmem>>
    %dma_start3A_40 = tpu.memref_squeeze %dma_start3A_39 : memref<1x40x128xf32, #tpu.memory_space<vmem>> -> memref<40x128xf32, #tpu.memory_space<vmem>>
    %dma_start3A_41 = arith.constant 0 : i32
    %dma_start3A_42 = tpu.memref_slice %arg2[%add3A_35, %dma_start3A_41] : memref<102400x128xf32, #tpu.memory_space<hbm>> -> memref<40x128xf32, #tpu.memory_space<hbm>>
    %dma_start3A_43 = arith.constant 0 : i32
    %dma_start3A_44 = arith.constant 0 : i32
    %dma_start3A_45 = tpu.memref_slice %arg8[%dma_start3A_36, %dma_start3A_43, %dma_start3A_44] : memref<4x40x128xf32, #tpu.memory_space<vmem>> -> memref<1x40x128xf32, #tpu.memory_space<vmem>>
    %dma_start3A_46 = tpu.memref_squeeze %dma_start3A_45 : memref<1x40x128xf32, #tpu.memory_space<vmem>> -> memref<40x128xf32, #tpu.memory_space<vmem>>
    %dma_start3A_47 = arith.constant 0 : i32
    %dma_start3A_48 = tpu.memref_slice %arg2[%add3A_35, %dma_start3A_47] : memref<102400x128xf32, #tpu.memory_space<hbm>> -> memref<40x128xf32, #tpu.memory_space<hbm>>
    tpu.enqueue_dma source(%dma_start3A_48 : memref<40x128xf32, #tpu.memory_space<hbm>>) target(%dma_start3A_46 : memref<40x128xf32, #tpu.memory_space<vmem>>) target_semaphore(%arg11 : memref<!tpu.dma_semaphore, #tpu.memory_space<semaphore_mem>>)
    %scan3A = arith.constant 0 : i32
    %scan3A_49 = arith.constant 20 : i32
    %scan3A_50 = arith.addi %scan3A, %scan3A_49 : i32
    %scan3A_51 = arith.constant 1 : i32
    scf.for %scan3A_54 = %scan3A to %scan3A_50 step %scan3A_51  : i32 {
      %mul3A_55 = arith.constant 4 : i32
      %mul3A_56 = arith.muli %scan3A_54, %mul3A_55 : i32
      %add3A_57 = arith.constant 0 : i32
      %add3A_58 = arith.addi %mul3A_56, %add3A_57 : i32
      %mul3A_59 = arith.constant 40 : i32
      %mul3A_60 = arith.muli %add3A_58, %mul3A_59 : i32
      %add3A_61 = arith.addi %mul3A_2, %mul3A_60 : i32
      %dma_wait3A = arith.constant 0 : i32
      %dma_wait3A_62 = arith.constant 0 : i32
      %dma_wait3A_63 = arith.constant 0 : i32
      %dma_wait3A_64 = tpu.memref_slice %arg8[%dma_wait3A, %dma_wait3A_62, %dma_wait3A_63] : memref<4x40x128xf32, #tpu.memory_space<vmem>> -> memref<1x40x128xf32, #tpu.memory_space<vmem>>
      %dma_wait3A_65 = tpu.memref_squeeze %dma_wait3A_64 : memref<1x40x128xf32, #tpu.memory_space<vmem>> -> memref<40x128xf32, #tpu.memory_space<vmem>>
      %dma_wait3A_66 = arith.constant 0 : i32
      %dma_wait3A_67 = tpu.memref_slice %arg2[%add3A_61, %dma_wait3A_66] : memref<102400x128xf32, #tpu.memory_space<hbm>> -> memref<40x128xf32, #tpu.memory_space<hbm>>
      %dma_wait3A_68 = arith.constant 0 : i32
      %dma_wait3A_69 = arith.constant 0 : i32
      %dma_wait3A_70 = tpu.memref_slice %arg8[%dma_wait3A, %dma_wait3A_68, %dma_wait3A_69] : memref<4x40x128xf32, #tpu.memory_space<vmem>> -> memref<1x40x128xf32, #tpu.memory_space<vmem>>
      %dma_wait3A_71 = tpu.memref_squeeze %dma_wait3A_70 : memref<1x40x128xf32, #tpu.memory_space<vmem>> -> memref<40x128xf32, #tpu.memory_space<vmem>>
      %dma_wait3A_72 = arith.constant 0 : i32
      %dma_wait3A_73 = tpu.memref_slice %arg2[%add3A_61, %dma_wait3A_72] : memref<102400x128xf32, #tpu.memory_space<hbm>> -> memref<40x128xf32, #tpu.memory_space<hbm>>
      tpu.wait_dma2 semaphore(%arg9 : memref<!tpu.dma_semaphore, #tpu.memory_space<semaphore_mem>>) src(%dma_wait3A_73 : memref<40x128xf32, #tpu.memory_space<hbm>>) dst(%dma_wait3A_71 : memref<40x128xf32, #tpu.memory_space<vmem>>)
      %add3A_74 = arith.constant 3 : i32
      %add3A_75 = arith.addi %add3A_58, %add3A_74 : i32
      %lt3A = arith.constant 80 : i32
      %lt3A_76 = arith.cmpi slt, %add3A_75, %lt3A : i32
      %convert_element_type3A = arith.extui %lt3A_76 : i1 to i32
      %cond3A = arith.constant 0 : i32
      %cond3A_77 = arith.cmpi ne, %convert_element_type3A, %cond3A : i32
      scf.if %cond3A_77 {
        %add3A_162 = arith.constant 3 : i32
        %add3A_163 = arith.addi %add3A_58, %add3A_162 : i32
        %mul3A_164 = arith.constant 40 : i32
        %mul3A_165 = arith.muli %add3A_163, %mul3A_164 : i32
        %add3A_166 = arith.addi %mul3A_2, %mul3A_165 : i32
        %dma_start3A_167 = arith.constant 3 : i32
        %dma_start3A_168 = arith.constant 0 : i32
        %dma_start3A_169 = arith.constant 0 : i32
        %dma_start3A_170 = tpu.memref_slice %arg8[%dma_start3A_167, %dma_start3A_168, %dma_start3A_169] : memref<4x40x128xf32, #tpu.memory_space<vmem>> -> memref<1x40x128xf32, #tpu.memory_space<vmem>>
        %dma_start3A_171 = tpu.memref_squeeze %dma_start3A_170 : memref<1x40x128xf32, #tpu.memory_space<vmem>> -> memref<40x128xf32, #tpu.memory_space<vmem>>
        %dma_start3A_172 = arith.constant 0 : i32
        %dma_start3A_173 = tpu.memref_slice %arg2[%add3A_166, %dma_start3A_172] : memref<102400x128xf32, #tpu.memory_space<hbm>> -> memref<40x128xf32, #tpu.memory_space<hbm>>
        %dma_start3A_174 = arith.constant 0 : i32
        %dma_start3A_175 = arith.constant 0 : i32
        %dma_start3A_176 = tpu.memref_slice %arg8[%dma_start3A_167, %dma_start3A_174, %dma_start3A_175] : memref<4x40x128xf32, #tpu.memory_space<vmem>> -> memref<1x40x128xf32, #tpu.memory_space<vmem>>
        %dma_start3A_177 = tpu.memref_squeeze %dma_start3A_176 : memref<1x40x128xf32, #tpu.memory_space<vmem>> -> memref<40x128xf32, #tpu.memory_space<vmem>>
        %dma_start3A_178 = arith.constant 0 : i32
        %dma_start3A_179 = tpu.memref_slice %arg2[%add3A_166, %dma_start3A_178] : memref<102400x128xf32, #tpu.memory_space<hbm>> -> memref<40x128xf32, #tpu.memory_space<hbm>>
        tpu.enqueue_dma source(%dma_start3A_179 : memref<40x128xf32, #tpu.memory_space<hbm>>) target(%dma_start3A_177 : memref<40x128xf32, #tpu.memory_space<vmem>>) target_semaphore(%arg12 : memref<!tpu.dma_semaphore, #tpu.memory_space<semaphore_mem>>)
      } else {
      }
      %run_scoped3A = arith.constant 0 : i32
      "tpu.region"() ({
        %run_scoped3A_162 = tpu.sem_alloc : memref<!tpu.dma_semaphore, #tpu.memory_space<semaphore_mem>>
        %dma_start3A_163 = arith.constant 0 : i32
        %dma_start3A_164 = arith.constant 0 : i32
        %dma_start3A_165 = tpu.memref_slice %arg8[%run_scoped3A, %dma_start3A_163, %dma_start3A_164] : memref<4x40x128xf32, #tpu.memory_space<vmem>> -> memref<1x40x128xf32, #tpu.memory_space<vmem>>
        %dma_start3A_166 = tpu.memref_squeeze %dma_start3A_165 : memref<1x40x128xf32, #tpu.memory_space<vmem>> -> memref<40x128xf32, #tpu.memory_space<vmem>>
        %dma_start3A_167 = arith.constant 0 : i32
        %dma_start3A_168 = tpu.memref_slice %arg7[%add3A_58, %dma_start3A_167] : memref<80x40xi32, #tpu.memory_space<vmem>> -> memref<1x40xi32, #tpu.memory_space<vmem>>
        %dma_start3A_169 = tpu.memref_squeeze %dma_start3A_168 : memref<1x40xi32, #tpu.memory_space<vmem>> -> memref<40xi32, #tpu.memory_space<vmem>>
        %dma_start3A_170 = arith.constant 0 : i32
        %dma_start3A_171 = arith.constant 0 : i32
        %dma_start3A_172 = tpu.memref_slice %arg6[%dma_start3A_170, %dma_start3A_171] : memref<10240x128xf32, #tpu.memory_space<vmem_shared>> -> memref<10240x128xf32, #tpu.memory_space<vmem_shared>>
        tpu.enqueue_indirect_dma source(%dma_start3A_166 : memref<40x128xf32, #tpu.memory_space<vmem>>) target(%dma_start3A_172 : memref<10240x128xf32, #tpu.memory_space<vmem_shared>>) offsets(%dma_start3A_169 : memref<40xi32, #tpu.memory_space<vmem>>) semaphore(%run_scoped3A_162 : memref<!tpu.dma_semaphore, #tpu.memory_space<semaphore_mem>>) {add = true}
        %dma_wait3A_173 = arith.constant 0 : i32
        %dma_wait3A_174 = arith.constant 0 : i32
        %dma_wait3A_175 = tpu.memref_slice %arg8[%run_scoped3A, %dma_wait3A_173, %dma_wait3A_174] : memref<4x40x128xf32, #tpu.memory_space<vmem>> -> memref<1x40x128xf32, #tpu.memory_space<vmem>>
        %dma_wait3A_176 = tpu.memref_squeeze %dma_wait3A_175 : memref<1x40x128xf32, #tpu.memory_space<vmem>> -> memref<40x128xf32, #tpu.memory_space<vmem>>
        %dma_wait3A_177 = arith.constant 0 : i32
        %dma_wait3A_178 = tpu.memref_slice %arg7[%add3A_58, %dma_wait3A_177] : memref<80x40xi32, #tpu.memory_space<vmem>> -> memref<1x40xi32, #tpu.memory_space<vmem>>
        %dma_wait3A_179 = tpu.memref_squeeze %dma_wait3A_178 : memref<1x40xi32, #tpu.memory_space<vmem>> -> memref<40xi32, #tpu.memory_space<vmem>>
        %dma_wait3A_180 = arith.constant 0 : i32
        %dma_wait3A_181 = arith.constant 0 : i32
        %dma_wait3A_182 = tpu.memref_slice %arg6[%dma_wait3A_180, %dma_wait3A_181] : memref<10240x128xf32, #tpu.memory_space<vmem_shared>> -> memref<10240x128xf32, #tpu.memory_space<vmem_shared>>
        tpu.wait_indirect_dma semaphore(%run_scoped3A_162 : memref<!tpu.dma_semaphore, #tpu.memory_space<semaphore_mem>>) src(%dma_wait3A_176 : memref<40x128xf32, #tpu.memory_space<vmem>>) dst(%dma_wait3A_182 : memref<10240x128xf32, #tpu.memory_space<vmem_shared>>)
        tpu.yield
      }) : () -> ()
      %mul3A_78 = arith.constant 4 : i32
      %mul3A_79 = arith.muli %scan3A_54, %mul3A_78 : i32
      %add3A_80 = arith.constant 1 : i32
      %add3A_81 = arith.addi %mul3A_79, %add3A_80 : i32
      %mul3A_82 = arith.constant 40 : i32
      %mul3A_83 = arith.muli %add3A_81, %mul3A_82 : i32
      %add3A_84 = arith.addi %mul3A_2, %mul3A_83 : i32
      %dma_wait3A_85 = arith.constant 1 : i32
      %dma_wait3A_86 = arith.constant 0 : i32
      %dma_wait3A_87 = arith.constant 0 : i32
      %dma_wait3A_88 = tpu.memref_slice %arg8[%dma_wait3A_85, %dma_wait3A_86, %dma_wait3A_87] : memref<4x40x128xf32, #tpu.memory_space<vmem>> -> memref<1x40x128xf32, #tpu.memory_space<vmem>>
      %dma_wait3A_89 = tpu.memref_squeeze %dma_wait3A_88 : memref<1x40x128xf32, #tpu.memory_space<vmem>> -> memref<40x128xf32, #tpu.memory_space<vmem>>
      %dma_wait3A_90 = arith.constant 0 : i32
      %dma_wait3A_91 = tpu.memref_slice %arg2[%add3A_84, %dma_wait3A_90] : memref<102400x128xf32, #tpu.memory_space<hbm>> -> memref<40x128xf32, #tpu.memory_space<hbm>>
      %dma_wait3A_92 = arith.constant 0 : i32
      %dma_wait3A_93 = arith.constant 0 : i32
      %dma_wait3A_94 = tpu.memref_slice %arg8[%dma_wait3A_85, %dma_wait3A_92, %dma_wait3A_93] : memref<4x40x128xf32, #tpu.memory_space<vmem>> -> memref<1x40x128xf32, #tpu.memory_space<vmem>>
      %dma_wait3A_95 = tpu.memref_squeeze %dma_wait3A_94 : memref<1x40x128xf32, #tpu.memory_space<vmem>> -> memref<40x128xf32, #tpu.memory_space<vmem>>
      %dma_wait3A_96 = arith.constant 0 : i32
      %dma_wait3A_97 = tpu.memref_slice %arg2[%add3A_84, %dma_wait3A_96] : memref<102400x128xf32, #tpu.memory_space<hbm>> -> memref<40x128xf32, #tpu.memory_space<hbm>>
      tpu.wait_dma2 semaphore(%arg10 : memref<!tpu.dma_semaphore, #tpu.memory_space<semaphore_mem>>) src(%dma_wait3A_97 : memref<40x128xf32, #tpu.memory_space<hbm>>) dst(%dma_wait3A_95 : memref<40x128xf32, #tpu.memory_space<vmem>>)
      %add3A_98 = arith.constant 3 : i32
      %add3A_99 = arith.addi %add3A_81, %add3A_98 : i32
      %lt3A_100 = arith.constant 80 : i32
      %lt3A_101 = arith.cmpi slt, %add3A_99, %lt3A_100 : i32
      %convert_element_type3A_102 = arith.extui %lt3A_101 : i1 to i32
      %cond3A_103 = arith.constant 0 : i32
      %cond3A_104 = arith.cmpi ne, %convert_element_type3A_102, %cond3A_103 : i32
      scf.if %cond3A_104 {
        %add3A_162 = arith.constant 3 : i32
        %add3A_163 = arith.addi %add3A_81, %add3A_162 : i32
        %mul3A_164 = arith.constant 40 : i32
        %mul3A_165 = arith.muli %add3A_163, %mul3A_164 : i32
        %add3A_166 = arith.addi %mul3A_2, %mul3A_165 : i32
        %dma_start3A_167 = arith.constant 0 : i32
        %dma_start3A_168 = arith.constant 0 : i32
        %dma_start3A_169 = arith.constant 0 : i32
        %dma_start3A_170 = tpu.memref_slice %arg8[%dma_start3A_167, %dma_start3A_168, %dma_start3A_169] : memref<4x40x128xf32, #tpu.memory_space<vmem>> -> memref<1x40x128xf32, #tpu.memory_space<vmem>>
        %dma_start3A_171 = tpu.memref_squeeze %dma_start3A_170 : memref<1x40x128xf32, #tpu.memory_space<vmem>> -> memref<40x128xf32, #tpu.memory_space<vmem>>
        %dma_start3A_172 = arith.constant 0 : i32
        %dma_start3A_173 = tpu.memref_slice %arg2[%add3A_166, %dma_start3A_172] : memref<102400x128xf32, #tpu.memory_space<hbm>> -> memref<40x128xf32, #tpu.memory_space<hbm>>
        %dma_start3A_174 = arith.constant 0 : i32
        %dma_start3A_175 = arith.constant 0 : i32
        %dma_start3A_176 = tpu.memref_slice %arg8[%dma_start3A_167, %dma_start3A_174, %dma_start3A_175] : memref<4x40x128xf32, #tpu.memory_space<vmem>> -> memref<1x40x128xf32, #tpu.memory_space<vmem>>
        %dma_start3A_177 = tpu.memref_squeeze %dma_start3A_176 : memref<1x40x128xf32, #tpu.memory_space<vmem>> -> memref<40x128xf32, #tpu.memory_space<vmem>>
        %dma_start3A_178 = arith.constant 0 : i32
        %dma_start3A_179 = tpu.memref_slice %arg2[%add3A_166, %dma_start3A_178] : memref<102400x128xf32, #tpu.memory_space<hbm>> -> memref<40x128xf32, #tpu.memory_space<hbm>>
        tpu.enqueue_dma source(%dma_start3A_179 : memref<40x128xf32, #tpu.memory_space<hbm>>) target(%dma_start3A_177 : memref<40x128xf32, #tpu.memory_space<vmem>>) target_semaphore(%arg9 : memref<!tpu.dma_semaphore, #tpu.memory_space<semaphore_mem>>)
      } else {
      }
      %run_scoped3A_105 = arith.constant 1 : i32
      "tpu.region"() ({
        %run_scoped3A_162 = tpu.sem_alloc : memref<!tpu.dma_semaphore, #tpu.memory_space<semaphore_mem>>
        %dma_start3A_163 = arith.constant 0 : i32
        %dma_start3A_164 = arith.constant 0 : i32
        %dma_start3A_165 = tpu.memref_slice %arg8[%run_scoped3A_105, %dma_start3A_163, %dma_start3A_164] : memref<4x40x128xf32, #tpu.memory_space<vmem>> -> memref<1x40x128xf32, #tpu.memory_space<vmem>>
        %dma_start3A_166 = tpu.memref_squeeze %dma_start3A_165 : memref<1x40x128xf32, #tpu.memory_space<vmem>> -> memref<40x128xf32, #tpu.memory_space<vmem>>
        %dma_start3A_167 = arith.constant 0 : i32
        %dma_start3A_168 = tpu.memref_slice %arg7[%add3A_81, %dma_start3A_167] : memref<80x40xi32, #tpu.memory_space<vmem>> -> memref<1x40xi32, #tpu.memory_space<vmem>>
        %dma_start3A_169 = tpu.memref_squeeze %dma_start3A_168 : memref<1x40xi32, #tpu.memory_space<vmem>> -> memref<40xi32, #tpu.memory_space<vmem>>
        %dma_start3A_170 = arith.constant 0 : i32
        %dma_start3A_171 = arith.constant 0 : i32
        %dma_start3A_172 = tpu.memref_slice %arg6[%dma_start3A_170, %dma_start3A_171] : memref<10240x128xf32, #tpu.memory_space<vmem_shared>> -> memref<10240x128xf32, #tpu.memory_space<vmem_shared>>
        tpu.enqueue_indirect_dma source(%dma_start3A_166 : memref<40x128xf32, #tpu.memory_space<vmem>>) target(%dma_start3A_172 : memref<10240x128xf32, #tpu.memory_space<vmem_shared>>) offsets(%dma_start3A_169 : memref<40xi32, #tpu.memory_space<vmem>>) semaphore(%run_scoped3A_162 : memref<!tpu.dma_semaphore, #tpu.memory_space<semaphore_mem>>) {add = true}
        %dma_wait3A_173 = arith.constant 0 : i32
        %dma_wait3A_174 = arith.constant 0 : i32
        %dma_wait3A_175 = tpu.memref_slice %arg8[%run_scoped3A_105, %dma_wait3A_173, %dma_wait3A_174] : memref<4x40x128xf32, #tpu.memory_space<vmem>> -> memref<1x40x128xf32, #tpu.memory_space<vmem>>
        %dma_wait3A_176 = tpu.memref_squeeze %dma_wait3A_175 : memref<1x40x128xf32, #tpu.memory_space<vmem>> -> memref<40x128xf32, #tpu.memory_space<vmem>>
        %dma_wait3A_177 = arith.constant 0 : i32
        %dma_wait3A_178 = tpu.memref_slice %arg7[%add3A_81, %dma_wait3A_177] : memref<80x40xi32, #tpu.memory_space<vmem>> -> memref<1x40xi32, #tpu.memory_space<vmem>>
        %dma_wait3A_179 = tpu.memref_squeeze %dma_wait3A_178 : memref<1x40xi32, #tpu.memory_space<vmem>> -> memref<40xi32, #tpu.memory_space<vmem>>
        %dma_wait3A_180 = arith.constant 0 : i32
        %dma_wait3A_181 = arith.constant 0 : i32
        %dma_wait3A_182 = tpu.memref_slice %arg6[%dma_wait3A_180, %dma_wait3A_181] : memref<10240x128xf32, #tpu.memory_space<vmem_shared>> -> memref<10240x128xf32, #tpu.memory_space<vmem_shared>>
        tpu.wait_indirect_dma semaphore(%run_scoped3A_162 : memref<!tpu.dma_semaphore, #tpu.memory_space<semaphore_mem>>) src(%dma_wait3A_176 : memref<40x128xf32, #tpu.memory_space<vmem>>) dst(%dma_wait3A_182 : memref<10240x128xf32, #tpu.memory_space<vmem_shared>>)
        tpu.yield
      }) : () -> ()
      %mul3A_106 = arith.constant 4 : i32
      %mul3A_107 = arith.muli %scan3A_54, %mul3A_106 : i32
      %add3A_108 = arith.constant 2 : i32
      %add3A_109 = arith.addi %mul3A_107, %add3A_108 : i32
      %mul3A_110 = arith.constant 40 : i32
      %mul3A_111 = arith.muli %add3A_109, %mul3A_110 : i32
      %add3A_112 = arith.addi %mul3A_2, %mul3A_111 : i32
      %dma_wait3A_113 = arith.constant 2 : i32
      %dma_wait3A_114 = arith.constant 0 : i32
      %dma_wait3A_115 = arith.constant 0 : i32
      %dma_wait3A_116 = tpu.memref_slice %arg8[%dma_wait3A_113, %dma_wait3A_114, %dma_wait3A_115] : memref<4x40x128xf32, #tpu.memory_space<vmem>> -> memref<1x40x128xf32, #tpu.memory_space<vmem>>
      %dma_wait3A_117 = tpu.memref_squeeze %dma_wait3A_116 : memref<1x40x128xf32, #tpu.memory_space<vmem>> -> memref<40x128xf32, #tpu.memory_space<vmem>>
      %dma_wait3A_118 = arith.constant 0 : i32
      %dma_wait3A_119 = tpu.memref_slice %arg2[%add3A_112, %dma_wait3A_118] : memref<102400x128xf32, #tpu.memory_space<hbm>> -> memref<40x128xf32, #tpu.memory_space<hbm>>
      %dma_wait3A_120 = arith.constant 0 : i32
      %dma_wait3A_121 = arith.constant 0 : i32
      %dma_wait3A_122 = tpu.memref_slice %arg8[%dma_wait3A_113, %dma_wait3A_120, %dma_wait3A_121] : memref<4x40x128xf32, #tpu.memory_space<vmem>> -> memref<1x40x128xf32, #tpu.memory_space<vmem>>
      %dma_wait3A_123 = tpu.memref_squeeze %dma_wait3A_122 : memref<1x40x128xf32, #tpu.memory_space<vmem>> -> memref<40x128xf32, #tpu.memory_space<vmem>>
      %dma_wait3A_124 = arith.constant 0 : i32
      %dma_wait3A_125 = tpu.memref_slice %arg2[%add3A_112, %dma_wait3A_124] : memref<102400x128xf32, #tpu.memory_space<hbm>> -> memref<40x128xf32, #tpu.memory_space<hbm>>
      tpu.wait_dma2 semaphore(%arg11 : memref<!tpu.dma_semaphore, #tpu.memory_space<semaphore_mem>>) src(%dma_wait3A_125 : memref<40x128xf32, #tpu.memory_space<hbm>>) dst(%dma_wait3A_123 : memref<40x128xf32, #tpu.memory_space<vmem>>)
      %add3A_126 = arith.constant 3 : i32
      %add3A_127 = arith.addi %add3A_109, %add3A_126 : i32
      %lt3A_128 = arith.constant 80 : i32
      %lt3A_129 = arith.cmpi slt, %add3A_127, %lt3A_128 : i32
      %convert_element_type3A_130 = arith.extui %lt3A_129 : i1 to i32
      %cond3A_131 = arith.constant 0 : i32
      %cond3A_132 = arith.cmpi ne, %convert_element_type3A_130, %cond3A_131 : i32
      scf.if %cond3A_132 {
        %add3A_162 = arith.constant 3 : i32
        %add3A_163 = arith.addi %add3A_109, %add3A_162 : i32
        %mul3A_164 = arith.constant 40 : i32
        %mul3A_165 = arith.muli %add3A_163, %mul3A_164 : i32
        %add3A_166 = arith.addi %mul3A_2, %mul3A_165 : i32
        %dma_start3A_167 = arith.constant 1 : i32
        %dma_start3A_168 = arith.constant 0 : i32
        %dma_start3A_169 = arith.constant 0 : i32
        %dma_start3A_170 = tpu.memref_slice %arg8[%dma_start3A_167, %dma_start3A_168, %dma_start3A_169] : memref<4x40x128xf32, #tpu.memory_space<vmem>> -> memref<1x40x128xf32, #tpu.memory_space<vmem>>
        %dma_start3A_171 = tpu.memref_squeeze %dma_start3A_170 : memref<1x40x128xf32, #tpu.memory_space<vmem>> -> memref<40x128xf32, #tpu.memory_space<vmem>>
        %dma_start3A_172 = arith.constant 0 : i32
        %dma_start3A_173 = tpu.memref_slice %arg2[%add3A_166, %dma_start3A_172] : memref<102400x128xf32, #tpu.memory_space<hbm>> -> memref<40x128xf32, #tpu.memory_space<hbm>>
        %dma_start3A_174 = arith.constant 0 : i32
        %dma_start3A_175 = arith.constant 0 : i32
        %dma_start3A_176 = tpu.memref_slice %arg8[%dma_start3A_167, %dma_start3A_174, %dma_start3A_175] : memref<4x40x128xf32, #tpu.memory_space<vmem>> -> memref<1x40x128xf32, #tpu.memory_space<vmem>>
        %dma_start3A_177 = tpu.memref_squeeze %dma_start3A_176 : memref<1x40x128xf32, #tpu.memory_space<vmem>> -> memref<40x128xf32, #tpu.memory_space<vmem>>
        %dma_start3A_178 = arith.constant 0 : i32
        %dma_start3A_179 = tpu.memref_slice %arg2[%add3A_166, %dma_start3A_178] : memref<102400x128xf32, #tpu.memory_space<hbm>> -> memref<40x128xf32, #tpu.memory_space<hbm>>
        tpu.enqueue_dma source(%dma_start3A_179 : memref<40x128xf32, #tpu.memory_space<hbm>>) target(%dma_start3A_177 : memref<40x128xf32, #tpu.memory_space<vmem>>) target_semaphore(%arg10 : memref<!tpu.dma_semaphore, #tpu.memory_space<semaphore_mem>>)
      } else {
      }
      %run_scoped3A_133 = arith.constant 2 : i32
      "tpu.region"() ({
        %run_scoped3A_162 = tpu.sem_alloc : memref<!tpu.dma_semaphore, #tpu.memory_space<semaphore_mem>>
        %dma_start3A_163 = arith.constant 0 : i32
        %dma_start3A_164 = arith.constant 0 : i32
        %dma_start3A_165 = tpu.memref_slice %arg8[%run_scoped3A_133, %dma_start3A_163, %dma_start3A_164] : memref<4x40x128xf32, #tpu.memory_space<vmem>> -> memref<1x40x128xf32, #tpu.memory_space<vmem>>
        %dma_start3A_166 = tpu.memref_squeeze %dma_start3A_165 : memref<1x40x128xf32, #tpu.memory_space<vmem>> -> memref<40x128xf32, #tpu.memory_space<vmem>>
        %dma_start3A_167 = arith.constant 0 : i32
        %dma_start3A_168 = tpu.memref_slice %arg7[%add3A_109, %dma_start3A_167] : memref<80x40xi32, #tpu.memory_space<vmem>> -> memref<1x40xi32, #tpu.memory_space<vmem>>
        %dma_start3A_169 = tpu.memref_squeeze %dma_start3A_168 : memref<1x40xi32, #tpu.memory_space<vmem>> -> memref<40xi32, #tpu.memory_space<vmem>>
        %dma_start3A_170 = arith.constant 0 : i32
        %dma_start3A_171 = arith.constant 0 : i32
        %dma_start3A_172 = tpu.memref_slice %arg6[%dma_start3A_170, %dma_start3A_171] : memref<10240x128xf32, #tpu.memory_space<vmem_shared>> -> memref<10240x128xf32, #tpu.memory_space<vmem_shared>>
        tpu.enqueue_indirect_dma source(%dma_start3A_166 : memref<40x128xf32, #tpu.memory_space<vmem>>) target(%dma_start3A_172 : memref<10240x128xf32, #tpu.memory_space<vmem_shared>>) offsets(%dma_start3A_169 : memref<40xi32, #tpu.memory_space<vmem>>) semaphore(%run_scoped3A_162 : memref<!tpu.dma_semaphore, #tpu.memory_space<semaphore_mem>>) {add = true}
        %dma_wait3A_173 = arith.constant 0 : i32
        %dma_wait3A_174 = arith.constant 0 : i32
        %dma_wait3A_175 = tpu.memref_slice %arg8[%run_scoped3A_133, %dma_wait3A_173, %dma_wait3A_174] : memref<4x40x128xf32, #tpu.memory_space<vmem>> -> memref<1x40x128xf32, #tpu.memory_space<vmem>>
        %dma_wait3A_176 = tpu.memref_squeeze %dma_wait3A_175 : memref<1x40x128xf32, #tpu.memory_space<vmem>> -> memref<40x128xf32, #tpu.memory_space<vmem>>
        %dma_wait3A_177 = arith.constant 0 : i32
        %dma_wait3A_178 = tpu.memref_slice %arg7[%add3A_109, %dma_wait3A_177] : memref<80x40xi32, #tpu.memory_space<vmem>> -> memref<1x40xi32, #tpu.memory_space<vmem>>
        %dma_wait3A_179 = tpu.memref_squeeze %dma_wait3A_178 : memref<1x40xi32, #tpu.memory_space<vmem>> -> memref<40xi32, #tpu.memory_space<vmem>>
        %dma_wait3A_180 = arith.constant 0 : i32
        %dma_wait3A_181 = arith.constant 0 : i32
        %dma_wait3A_182 = tpu.memref_slice %arg6[%dma_wait3A_180, %dma_wait3A_181] : memref<10240x128xf32, #tpu.memory_space<vmem_shared>> -> memref<10240x128xf32, #tpu.memory_space<vmem_shared>>
        tpu.wait_indirect_dma semaphore(%run_scoped3A_162 : memref<!tpu.dma_semaphore, #tpu.memory_space<semaphore_mem>>) src(%dma_wait3A_176 : memref<40x128xf32, #tpu.memory_space<vmem>>) dst(%dma_wait3A_182 : memref<10240x128xf32, #tpu.memory_space<vmem_shared>>)
        tpu.yield
      }) : () -> ()
      %mul3A_134 = arith.constant 4 : i32
      %mul3A_135 = arith.muli %scan3A_54, %mul3A_134 : i32
      %add3A_136 = arith.constant 3 : i32
      %add3A_137 = arith.addi %mul3A_135, %add3A_136 : i32
      %mul3A_138 = arith.constant 40 : i32
      %mul3A_139 = arith.muli %add3A_137, %mul3A_138 : i32
      %add3A_140 = arith.addi %mul3A_2, %mul3A_139 : i32
      %dma_wait3A_141 = arith.constant 3 : i32
      %dma_wait3A_142 = arith.constant 0 : i32
      %dma_wait3A_143 = arith.constant 0 : i32
      %dma_wait3A_144 = tpu.memref_slice %arg8[%dma_wait3A_141, %dma_wait3A_142, %dma_wait3A_143] : memref<4x40x128xf32, #tpu.memory_space<vmem>> -> memref<1x40x128xf32, #tpu.memory_space<vmem>>
      %dma_wait3A_145 = tpu.memref_squeeze %dma_wait3A_144 : memref<1x40x128xf32, #tpu.memory_space<vmem>> -> memref<40x128xf32, #tpu.memory_space<vmem>>
      %dma_wait3A_146 = arith.constant 0 : i32
      %dma_wait3A_147 = tpu.memref_slice %arg2[%add3A_140, %dma_wait3A_146] : memref<102400x128xf32, #tpu.memory_space<hbm>> -> memref<40x128xf32, #tpu.memory_space<hbm>>
      %dma_wait3A_148 = arith.constant 0 : i32
      %dma_wait3A_149 = arith.constant 0 : i32
      %dma_wait3A_150 = tpu.memref_slice %arg8[%dma_wait3A_141, %dma_wait3A_148, %dma_wait3A_149] : memref<4x40x128xf32, #tpu.memory_space<vmem>> -> memref<1x40x128xf32, #tpu.memory_space<vmem>>
      %dma_wait3A_151 = tpu.memref_squeeze %dma_wait3A_150 : memref<1x40x128xf32, #tpu.memory_space<vmem>> -> memref<40x128xf32, #tpu.memory_space<vmem>>
      %dma_wait3A_152 = arith.constant 0 : i32
      %dma_wait3A_153 = tpu.memref_slice %arg2[%add3A_140, %dma_wait3A_152] : memref<102400x128xf32, #tpu.memory_space<hbm>> -> memref<40x128xf32, #tpu.memory_space<hbm>>
      tpu.wait_dma2 semaphore(%arg12 : memref<!tpu.dma_semaphore, #tpu.memory_space<semaphore_mem>>) src(%dma_wait3A_153 : memref<40x128xf32, #tpu.memory_space<hbm>>) dst(%dma_wait3A_151 : memref<40x128xf32, #tpu.memory_space<vmem>>)
      %add3A_154 = arith.constant 3 : i32
      %add3A_155 = arith.addi %add3A_137, %add3A_154 : i32
      %lt3A_156 = arith.constant 80 : i32
      %lt3A_157 = arith.cmpi slt, %add3A_155, %lt3A_156 : i32
      %convert_element_type3A_158 = arith.extui %lt3A_157 : i1 to i32
      %cond3A_159 = arith.constant 0 : i32
      %cond3A_160 = arith.cmpi ne, %convert_element_type3A_158, %cond3A_159 : i32
      scf.if %cond3A_160 {
        %add3A_162 = arith.constant 3 : i32
        %add3A_163 = arith.addi %add3A_137, %add3A_162 : i32
        %mul3A_164 = arith.constant 40 : i32
        %mul3A_165 = arith.muli %add3A_163, %mul3A_164 : i32
        %add3A_166 = arith.addi %mul3A_2, %mul3A_165 : i32
        %dma_start3A_167 = arith.constant 2 : i32
        %dma_start3A_168 = arith.constant 0 : i32
        %dma_start3A_169 = arith.constant 0 : i32
        %dma_start3A_170 = tpu.memref_slice %arg8[%dma_start3A_167, %dma_start3A_168, %dma_start3A_169] : memref<4x40x128xf32, #tpu.memory_space<vmem>> -> memref<1x40x128xf32, #tpu.memory_space<vmem>>
        %dma_start3A_171 = tpu.memref_squeeze %dma_start3A_170 : memref<1x40x128xf32, #tpu.memory_space<vmem>> -> memref<40x128xf32, #tpu.memory_space<vmem>>
        %dma_start3A_172 = arith.constant 0 : i32
        %dma_start3A_173 = tpu.memref_slice %arg2[%add3A_166, %dma_start3A_172] : memref<102400x128xf32, #tpu.memory_space<hbm>> -> memref<40x128xf32, #tpu.memory_space<hbm>>
        %dma_start3A_174 = arith.constant 0 : i32
        %dma_start3A_175 = arith.constant 0 : i32
        %dma_start3A_176 = tpu.memref_slice %arg8[%dma_start3A_167, %dma_start3A_174, %dma_start3A_175] : memref<4x40x128xf32, #tpu.memory_space<vmem>> -> memref<1x40x128xf32, #tpu.memory_space<vmem>>
        %dma_start3A_177 = tpu.memref_squeeze %dma_start3A_176 : memref<1x40x128xf32, #tpu.memory_space<vmem>> -> memref<40x128xf32, #tpu.memory_space<vmem>>
        %dma_start3A_178 = arith.constant 0 : i32
        %dma_start3A_179 = tpu.memref_slice %arg2[%add3A_166, %dma_start3A_178] : memref<102400x128xf32, #tpu.memory_space<hbm>> -> memref<40x128xf32, #tpu.memory_space<hbm>>
        tpu.enqueue_dma source(%dma_start3A_179 : memref<40x128xf32, #tpu.memory_space<hbm>>) target(%dma_start3A_177 : memref<40x128xf32, #tpu.memory_space<vmem>>) target_semaphore(%arg11 : memref<!tpu.dma_semaphore, #tpu.memory_space<semaphore_mem>>)
      } else {
      }
      %run_scoped3A_161 = arith.constant 3 : i32
      "tpu.region"() ({
        %run_scoped3A_162 = tpu.sem_alloc : memref<!tpu.dma_semaphore, #tpu.memory_space<semaphore_mem>>
        %dma_start3A_163 = arith.constant 0 : i32
        %dma_start3A_164 = arith.constant 0 : i32
        %dma_start3A_165 = tpu.memref_slice %arg8[%run_scoped3A_161, %dma_start3A_163, %dma_start3A_164] : memref<4x40x128xf32, #tpu.memory_space<vmem>> -> memref<1x40x128xf32, #tpu.memory_space<vmem>>
        %dma_start3A_166 = tpu.memref_squeeze %dma_start3A_165 : memref<1x40x128xf32, #tpu.memory_space<vmem>> -> memref<40x128xf32, #tpu.memory_space<vmem>>
        %dma_start3A_167 = arith.constant 0 : i32
        %dma_start3A_168 = tpu.memref_slice %arg7[%add3A_137, %dma_start3A_167] : memref<80x40xi32, #tpu.memory_space<vmem>> -> memref<1x40xi32, #tpu.memory_space<vmem>>
        %dma_start3A_169 = tpu.memref_squeeze %dma_start3A_168 : memref<1x40xi32, #tpu.memory_space<vmem>> -> memref<40xi32, #tpu.memory_space<vmem>>
        %dma_start3A_170 = arith.constant 0 : i32
        %dma_start3A_171 = arith.constant 0 : i32
        %dma_start3A_172 = tpu.memref_slice %arg6[%dma_start3A_170, %dma_start3A_171] : memref<10240x128xf32, #tpu.memory_space<vmem_shared>> -> memref<10240x128xf32, #tpu.memory_space<vmem_shared>>
        tpu.enqueue_indirect_dma source(%dma_start3A_166 : memref<40x128xf32, #tpu.memory_space<vmem>>) target(%dma_start3A_172 : memref<10240x128xf32, #tpu.memory_space<vmem_shared>>) offsets(%dma_start3A_169 : memref<40xi32, #tpu.memory_space<vmem>>) semaphore(%run_scoped3A_162 : memref<!tpu.dma_semaphore, #tpu.memory_space<semaphore_mem>>) {add = true}
        %dma_wait3A_173 = arith.constant 0 : i32
        %dma_wait3A_174 = arith.constant 0 : i32
        %dma_wait3A_175 = tpu.memref_slice %arg8[%run_scoped3A_161, %dma_wait3A_173, %dma_wait3A_174] : memref<4x40x128xf32, #tpu.memory_space<vmem>> -> memref<1x40x128xf32, #tpu.memory_space<vmem>>
        %dma_wait3A_176 = tpu.memref_squeeze %dma_wait3A_175 : memref<1x40x128xf32, #tpu.memory_space<vmem>> -> memref<40x128xf32, #tpu.memory_space<vmem>>
        %dma_wait3A_177 = arith.constant 0 : i32
        %dma_wait3A_178 = tpu.memref_slice %arg7[%add3A_137, %dma_wait3A_177] : memref<80x40xi32, #tpu.memory_space<vmem>> -> memref<1x40xi32, #tpu.memory_space<vmem>>
        %dma_wait3A_179 = tpu.memref_squeeze %dma_wait3A_178 : memref<1x40xi32, #tpu.memory_space<vmem>> -> memref<40xi32, #tpu.memory_space<vmem>>
        %dma_wait3A_180 = arith.constant 0 : i32
        %dma_wait3A_181 = arith.constant 0 : i32
        %dma_wait3A_182 = tpu.memref_slice %arg6[%dma_wait3A_180, %dma_wait3A_181] : memref<10240x128xf32, #tpu.memory_space<vmem_shared>> -> memref<10240x128xf32, #tpu.memory_space<vmem_shared>>
        tpu.wait_indirect_dma semaphore(%run_scoped3A_162 : memref<!tpu.dma_semaphore, #tpu.memory_space<semaphore_mem>>) src(%dma_wait3A_176 : memref<40x128xf32, #tpu.memory_space<vmem>>) dst(%dma_wait3A_182 : memref<10240x128xf32, #tpu.memory_space<vmem_shared>>)
        tpu.yield
      }) : () -> ()
    }
    %scan3A_52 = arith.constant 20 : i32
    %barrier3A_53 = arith.constant 0 : index
    tpu.barrier barrier_id(%barrier3A_53)
    "tpu.region"() ({
      %run_scoped3A = tpu.sem_alloc : memref<!tpu.dma_semaphore, #tpu.memory_space<semaphore_mem>>
      %dma_start3A_54 = arith.constant 0 : i32
      %dma_start3A_55 = tpu.memref_slice %arg5[%arg0, %mul3A_4, %dma_start3A_54] : memref<2x10240x128xf32, #tpu.memory_space<hbm>> -> memref<1x640x128xf32, #tpu.memory_space<hbm>>
      %dma_start3A_56 = tpu.memref_squeeze %dma_start3A_55 : memref<1x640x128xf32, #tpu.memory_space<hbm>> -> memref<640x128xf32, #tpu.memory_space<hbm>>
      %dma_start3A_57 = arith.constant 0 : i32
      %dma_start3A_58 = tpu.memref_slice %arg6[%mul3A_4, %dma_start3A_57] : memref<10240x128xf32, #tpu.memory_space<vmem_shared>> -> memref<640x128xf32, #tpu.memory_space<vmem_shared>>
      tpu.enqueue_dma source(%dma_start3A_58 : memref<640x128xf32, #tpu.memory_space<vmem_shared>>) target(%dma_start3A_56 : memref<640x128xf32, #tpu.memory_space<hbm>>) target_semaphore(%run_scoped3A : memref<!tpu.dma_semaphore, #tpu.memory_space<semaphore_mem>>)
      %dma_wait3A = arith.constant 0 : i32
      %dma_wait3A_59 = tpu.memref_slice %arg5[%arg0, %mul3A_4, %dma_wait3A] : memref<2x10240x128xf32, #tpu.memory_space<hbm>> -> memref<1x640x128xf32, #tpu.memory_space<hbm>>
      %dma_wait3A_60 = tpu.memref_squeeze %dma_wait3A_59 : memref<1x640x128xf32, #tpu.memory_space<hbm>> -> memref<640x128xf32, #tpu.memory_space<hbm>>
      %dma_wait3A_61 = arith.constant 0 : i32
      %dma_wait3A_62 = tpu.memref_slice %arg6[%mul3A_4, %dma_wait3A_61] : memref<10240x128xf32, #tpu.memory_space<vmem_shared>> -> memref<640x128xf32, #tpu.memory_space<vmem_shared>>
      tpu.wait_dma2 semaphore(%run_scoped3A : memref<!tpu.dma_semaphore, #tpu.memory_space<semaphore_mem>>) src(%dma_wait3A_62 : memref<640x128xf32, #tpu.memory_space<vmem_shared>>) dst(%dma_wait3A_60 : memref<640x128xf32, #tpu.memory_space<hbm>>)
      tpu.yield
    }) : () -> ()
    return
  }
}

#map = affine_map<(d0, d1) -> (0, 0)>
#map1 = affine_map<(d0, d1) -> (0, 0, 0)>
module attributes {stable_mosaic.version = 14 : i64} {
  func.func @body_fn(%arg0: i32, %arg1: i32, %arg2: memref<57600x128xf32, #tpu.memory_space<hbm>>, %arg3: memref<32x45x40xi32, #tpu.memory_space<hbm>>, %arg4: memref<640x128xf32, #tpu.memory_space<hbm>>, %arg5: memref<2x10240x128xf32, #tpu.memory_space<hbm>>, %arg6: memref<10240x128xf32, #tpu.memory_space<vmem_shared>>, %arg7: memref<45x40xi32, #tpu.memory_space<vmem>>, %arg8: memref<4x40x128xf32, #tpu.memory_space<vmem>>, %arg9: memref<!tpu.dma_semaphore, #tpu.memory_space<semaphore_mem>>, %arg10: memref<!tpu.dma_semaphore, #tpu.memory_space<semaphore_mem>>, %arg11: memref<!tpu.dma_semaphore, #tpu.memory_space<semaphore_mem>>, %arg12: memref<!tpu.dma_semaphore, #tpu.memory_space<semaphore_mem>>) attributes {dimension_semantics = [#tpu.dimension_semantics<core_parallel>, #tpu.dimension_semantics<subcore_parallel>], iteration_bounds = array<i64: 2, 16>, scalar_prefetch = 0 : i64, scratch_operands = 7 : i64, tpu.core_type = #tpu.core_type<sc_vector_subcore>, window_params = [{transform_indices = #map}, {transform_indices = #map1}, {transform_indices = #map}, {transform_indices = #map1}]} {
    %mul3A = arith.constant 16 : i32
    %mul3A_0 = arith.muli %arg0, %mul3A : i32
    %add3A = arith.addi %mul3A_0, %arg1 : i32
    %mul3A_1 = arith.constant 1800 : i32
    %mul3A_2 = arith.muli %add3A, %mul3A_1 : i32
    %mul3A_3 = arith.constant 640 : i32
    %mul3A_4 = arith.muli %arg1, %mul3A_3 : i32
    "tpu.region"() ({
      %run_scoped3A_69 = tpu.sem_alloc : memref<!tpu.dma_semaphore, #tpu.memory_space<semaphore_mem>>
      %dma_start3A_70 = arith.constant 0 : i32
      %dma_start3A_71 = tpu.memref_slice %arg6[%mul3A_4, %dma_start3A_70] : memref<10240x128xf32, #tpu.memory_space<vmem_shared>> -> memref<640x128xf32, #tpu.memory_space<vmem_shared>>
      tpu.enqueue_dma source(%arg4 : memref<640x128xf32, #tpu.memory_space<hbm>>) target(%dma_start3A_71 : memref<640x128xf32, #tpu.memory_space<vmem_shared>>) target_semaphore(%run_scoped3A_69 : memref<!tpu.dma_semaphore, #tpu.memory_space<semaphore_mem>>)
      %dma_wait3A_72 = arith.constant 0 : i32
      %dma_wait3A_73 = tpu.memref_slice %arg6[%mul3A_4, %dma_wait3A_72] : memref<10240x128xf32, #tpu.memory_space<vmem_shared>> -> memref<640x128xf32, #tpu.memory_space<vmem_shared>>
      tpu.wait_dma2 semaphore(%run_scoped3A_69 : memref<!tpu.dma_semaphore, #tpu.memory_space<semaphore_mem>>) src(%arg4 : memref<640x128xf32, #tpu.memory_space<hbm>>) dst(%dma_wait3A_73 : memref<640x128xf32, #tpu.memory_space<vmem_shared>>)
      tpu.yield
    }) : () -> ()
    "tpu.region"() ({
      %run_scoped3A_69 = tpu.sem_alloc : memref<!tpu.dma_semaphore, #tpu.memory_space<semaphore_mem>>
      %dma_start3A_70 = arith.constant 0 : i32
      %dma_start3A_71 = arith.constant 0 : i32
      %dma_start3A_72 = tpu.memref_slice %arg3[%add3A, %dma_start3A_70, %dma_start3A_71] : memref<32x45x40xi32, #tpu.memory_space<hbm>> -> memref<1x45x40xi32, #tpu.memory_space<hbm>>
      %dma_start3A_73 = tpu.memref_squeeze %dma_start3A_72 : memref<1x45x40xi32, #tpu.memory_space<hbm>> -> memref<45x40xi32, #tpu.memory_space<hbm>>
      %dma_start3A_74 = arith.constant 0 : i32
      %dma_start3A_75 = arith.constant 0 : i32
      %dma_start3A_76 = tpu.memref_slice %arg3[%add3A, %dma_start3A_74, %dma_start3A_75] : memref<32x45x40xi32, #tpu.memory_space<hbm>> -> memref<1x45x40xi32, #tpu.memory_space<hbm>>
      %dma_start3A_77 = tpu.memref_squeeze %dma_start3A_76 : memref<1x45x40xi32, #tpu.memory_space<hbm>> -> memref<45x40xi32, #tpu.memory_space<hbm>>
      tpu.enqueue_dma source(%dma_start3A_77 : memref<45x40xi32, #tpu.memory_space<hbm>>) target(%arg7 : memref<45x40xi32, #tpu.memory_space<vmem>>) target_semaphore(%run_scoped3A_69 : memref<!tpu.dma_semaphore, #tpu.memory_space<semaphore_mem>>)
      %dma_wait3A_78 = arith.constant 0 : i32
      %dma_wait3A_79 = arith.constant 0 : i32
      %dma_wait3A_80 = tpu.memref_slice %arg3[%add3A, %dma_wait3A_78, %dma_wait3A_79] : memref<32x45x40xi32, #tpu.memory_space<hbm>> -> memref<1x45x40xi32, #tpu.memory_space<hbm>>
      %dma_wait3A_81 = tpu.memref_squeeze %dma_wait3A_80 : memref<1x45x40xi32, #tpu.memory_space<hbm>> -> memref<45x40xi32, #tpu.memory_space<hbm>>
      %dma_wait3A_82 = arith.constant 0 : i32
      %dma_wait3A_83 = arith.constant 0 : i32
      %dma_wait3A_84 = tpu.memref_slice %arg3[%add3A, %dma_wait3A_82, %dma_wait3A_83] : memref<32x45x40xi32, #tpu.memory_space<hbm>> -> memref<1x45x40xi32, #tpu.memory_space<hbm>>
      %dma_wait3A_85 = tpu.memref_squeeze %dma_wait3A_84 : memref<1x45x40xi32, #tpu.memory_space<hbm>> -> memref<45x40xi32, #tpu.memory_space<hbm>>
      tpu.wait_dma2 semaphore(%run_scoped3A_69 : memref<!tpu.dma_semaphore, #tpu.memory_space<semaphore_mem>>) src(%dma_wait3A_85 : memref<45x40xi32, #tpu.memory_space<hbm>>) dst(%arg7 : memref<45x40xi32, #tpu.memory_space<vmem>>)
      tpu.yield
    }) : () -> ()
    %barrier3A = arith.constant 0 : index
    tpu.barrier barrier_id(%barrier3A)
    %add3A_5 = arith.constant 0 : i32
    %add3A_6 = arith.addi %mul3A_2, %add3A_5 : i32
    %dma_start3A = arith.constant 0 : i32
    %dma_start3A_7 = arith.constant 0 : i32
    %dma_start3A_8 = arith.constant 0 : i32
    %dma_start3A_9 = tpu.memref_slice %arg8[%dma_start3A, %dma_start3A_7, %dma_start3A_8] : memref<4x40x128xf32, #tpu.memory_space<vmem>> -> memref<1x40x128xf32, #tpu.memory_space<vmem>>
    %dma_start3A_10 = tpu.memref_squeeze %dma_start3A_9 : memref<1x40x128xf32, #tpu.memory_space<vmem>> -> memref<40x128xf32, #tpu.memory_space<vmem>>
    %dma_start3A_11 = arith.constant 0 : i32
    %dma_start3A_12 = tpu.memref_slice %arg2[%add3A_6, %dma_start3A_11] : memref<57600x128xf32, #tpu.memory_space<hbm>> -> memref<40x128xf32, #tpu.memory_space<hbm>>
    %dma_start3A_13 = arith.constant 0 : i32
    %dma_start3A_14 = arith.constant 0 : i32
    %dma_start3A_15 = tpu.memref_slice %arg8[%dma_start3A, %dma_start3A_13, %dma_start3A_14] : memref<4x40x128xf32, #tpu.memory_space<vmem>> -> memref<1x40x128xf32, #tpu.memory_space<vmem>>
    %dma_start3A_16 = tpu.memref_squeeze %dma_start3A_15 : memref<1x40x128xf32, #tpu.memory_space<vmem>> -> memref<40x128xf32, #tpu.memory_space<vmem>>
    %dma_start3A_17 = arith.constant 0 : i32
    %dma_start3A_18 = tpu.memref_slice %arg2[%add3A_6, %dma_start3A_17] : memref<57600x128xf32, #tpu.memory_space<hbm>> -> memref<40x128xf32, #tpu.memory_space<hbm>>
    tpu.enqueue_dma source(%dma_start3A_18 : memref<40x128xf32, #tpu.memory_space<hbm>>) target(%dma_start3A_16 : memref<40x128xf32, #tpu.memory_space<vmem>>) target_semaphore(%arg9 : memref<!tpu.dma_semaphore, #tpu.memory_space<semaphore_mem>>)
    %add3A_19 = arith.constant 40 : i32
    %add3A_20 = arith.addi %mul3A_2, %add3A_19 : i32
    %dma_start3A_21 = arith.constant 1 : i32
    %dma_start3A_22 = arith.constant 0 : i32
    %dma_start3A_23 = arith.constant 0 : i32
    %dma_start3A_24 = tpu.memref_slice %arg8[%dma_start3A_21, %dma_start3A_22, %dma_start3A_23] : memref<4x40x128xf32, #tpu.memory_space<vmem>> -> memref<1x40x128xf32, #tpu.memory_space<vmem>>
    %dma_start3A_25 = tpu.memref_squeeze %dma_start3A_24 : memref<1x40x128xf32, #tpu.memory_space<vmem>> -> memref<40x128xf32, #tpu.memory_space<vmem>>
    %dma_start3A_26 = arith.constant 0 : i32
    %dma_start3A_27 = tpu.memref_slice %arg2[%add3A_20, %dma_start3A_26] : memref<57600x128xf32, #tpu.memory_space<hbm>> -> memref<40x128xf32, #tpu.memory_space<hbm>>
    %dma_start3A_28 = arith.constant 0 : i32
    %dma_start3A_29 = arith.constant 0 : i32
    %dma_start3A_30 = tpu.memref_slice %arg8[%dma_start3A_21, %dma_start3A_28, %dma_start3A_29] : memref<4x40x128xf32, #tpu.memory_space<vmem>> -> memref<1x40x128xf32, #tpu.memory_space<vmem>>
    %dma_start3A_31 = tpu.memref_squeeze %dma_start3A_30 : memref<1x40x128xf32, #tpu.memory_space<vmem>> -> memref<40x128xf32, #tpu.memory_space<vmem>>
    %dma_start3A_32 = arith.constant 0 : i32
    %dma_start3A_33 = tpu.memref_slice %arg2[%add3A_20, %dma_start3A_32] : memref<57600x128xf32, #tpu.memory_space<hbm>> -> memref<40x128xf32, #tpu.memory_space<hbm>>
    tpu.enqueue_dma source(%dma_start3A_33 : memref<40x128xf32, #tpu.memory_space<hbm>>) target(%dma_start3A_31 : memref<40x128xf32, #tpu.memory_space<vmem>>) target_semaphore(%arg10 : memref<!tpu.dma_semaphore, #tpu.memory_space<semaphore_mem>>)
    %add3A_34 = arith.constant 80 : i32
    %add3A_35 = arith.addi %mul3A_2, %add3A_34 : i32
    %dma_start3A_36 = arith.constant 2 : i32
    %dma_start3A_37 = arith.constant 0 : i32
    %dma_start3A_38 = arith.constant 0 : i32
    %dma_start3A_39 = tpu.memref_slice %arg8[%dma_start3A_36, %dma_start3A_37, %dma_start3A_38] : memref<4x40x128xf32, #tpu.memory_space<vmem>> -> memref<1x40x128xf32, #tpu.memory_space<vmem>>
    %dma_start3A_40 = tpu.memref_squeeze %dma_start3A_39 : memref<1x40x128xf32, #tpu.memory_space<vmem>> -> memref<40x128xf32, #tpu.memory_space<vmem>>
    %dma_start3A_41 = arith.constant 0 : i32
    %dma_start3A_42 = tpu.memref_slice %arg2[%add3A_35, %dma_start3A_41] : memref<57600x128xf32, #tpu.memory_space<hbm>> -> memref<40x128xf32, #tpu.memory_space<hbm>>
    %dma_start3A_43 = arith.constant 0 : i32
    %dma_start3A_44 = arith.constant 0 : i32
    %dma_start3A_45 = tpu.memref_slice %arg8[%dma_start3A_36, %dma_start3A_43, %dma_start3A_44] : memref<4x40x128xf32, #tpu.memory_space<vmem>> -> memref<1x40x128xf32, #tpu.memory_space<vmem>>
    %dma_start3A_46 = tpu.memref_squeeze %dma_start3A_45 : memref<1x40x128xf32, #tpu.memory_space<vmem>> -> memref<40x128xf32, #tpu.memory_space<vmem>>
    %dma_start3A_47 = arith.constant 0 : i32
    %dma_start3A_48 = tpu.memref_slice %arg2[%add3A_35, %dma_start3A_47] : memref<57600x128xf32, #tpu.memory_space<hbm>> -> memref<40x128xf32, #tpu.memory_space<hbm>>
    tpu.enqueue_dma source(%dma_start3A_48 : memref<40x128xf32, #tpu.memory_space<hbm>>) target(%dma_start3A_46 : memref<40x128xf32, #tpu.memory_space<vmem>>) target_semaphore(%arg11 : memref<!tpu.dma_semaphore, #tpu.memory_space<semaphore_mem>>)
    %scan3A = arith.constant 0 : i32
    %scan3A_49 = arith.constant 11 : i32
    %scan3A_50 = arith.addi %scan3A, %scan3A_49 : i32
    %scan3A_51 = arith.constant 1 : i32
    scf.for %scan3A_69 = %scan3A to %scan3A_50 step %scan3A_51  : i32 {
      %mul3A_70 = arith.constant 4 : i32
      %mul3A_71 = arith.muli %scan3A_69, %mul3A_70 : i32
      %add3A_72 = arith.constant 0 : i32
      %add3A_73 = arith.addi %mul3A_71, %add3A_72 : i32
      %mul3A_74 = arith.constant 40 : i32
      %mul3A_75 = arith.muli %add3A_73, %mul3A_74 : i32
      %add3A_76 = arith.addi %mul3A_2, %mul3A_75 : i32
      %dma_wait3A_77 = arith.constant 0 : i32
      %dma_wait3A_78 = arith.constant 0 : i32
      %dma_wait3A_79 = arith.constant 0 : i32
      %dma_wait3A_80 = tpu.memref_slice %arg8[%dma_wait3A_77, %dma_wait3A_78, %dma_wait3A_79] : memref<4x40x128xf32, #tpu.memory_space<vmem>> -> memref<1x40x128xf32, #tpu.memory_space<vmem>>
      %dma_wait3A_81 = tpu.memref_squeeze %dma_wait3A_80 : memref<1x40x128xf32, #tpu.memory_space<vmem>> -> memref<40x128xf32, #tpu.memory_space<vmem>>
      %dma_wait3A_82 = arith.constant 0 : i32
      %dma_wait3A_83 = tpu.memref_slice %arg2[%add3A_76, %dma_wait3A_82] : memref<57600x128xf32, #tpu.memory_space<hbm>> -> memref<40x128xf32, #tpu.memory_space<hbm>>
      %dma_wait3A_84 = arith.constant 0 : i32
      %dma_wait3A_85 = arith.constant 0 : i32
      %dma_wait3A_86 = tpu.memref_slice %arg8[%dma_wait3A_77, %dma_wait3A_84, %dma_wait3A_85] : memref<4x40x128xf32, #tpu.memory_space<vmem>> -> memref<1x40x128xf32, #tpu.memory_space<vmem>>
      %dma_wait3A_87 = tpu.memref_squeeze %dma_wait3A_86 : memref<1x40x128xf32, #tpu.memory_space<vmem>> -> memref<40x128xf32, #tpu.memory_space<vmem>>
      %dma_wait3A_88 = arith.constant 0 : i32
      %dma_wait3A_89 = tpu.memref_slice %arg2[%add3A_76, %dma_wait3A_88] : memref<57600x128xf32, #tpu.memory_space<hbm>> -> memref<40x128xf32, #tpu.memory_space<hbm>>
      tpu.wait_dma2 semaphore(%arg9 : memref<!tpu.dma_semaphore, #tpu.memory_space<semaphore_mem>>) src(%dma_wait3A_89 : memref<40x128xf32, #tpu.memory_space<hbm>>) dst(%dma_wait3A_87 : memref<40x128xf32, #tpu.memory_space<vmem>>)
      %add3A_90 = arith.constant 3 : i32
      %add3A_91 = arith.addi %add3A_73, %add3A_90 : i32
      %lt3A = arith.constant 45 : i32
      %lt3A_92 = arith.cmpi slt, %add3A_91, %lt3A : i32
      %convert_element_type3A = arith.extui %lt3A_92 : i1 to i32
      %cond3A = arith.constant 0 : i32
      %cond3A_93 = arith.cmpi ne, %convert_element_type3A, %cond3A : i32
      scf.if %cond3A_93 {
        %add3A_179 = arith.constant 3 : i32
        %add3A_180 = arith.addi %add3A_73, %add3A_179 : i32
        %mul3A_181 = arith.constant 40 : i32
        %mul3A_182 = arith.muli %add3A_180, %mul3A_181 : i32
        %add3A_183 = arith.addi %mul3A_2, %mul3A_182 : i32
        %dma_start3A_184 = arith.constant 3 : i32
        %dma_start3A_185 = arith.constant 0 : i32
        %dma_start3A_186 = arith.constant 0 : i32
        %dma_start3A_187 = tpu.memref_slice %arg8[%dma_start3A_184, %dma_start3A_185, %dma_start3A_186] : memref<4x40x128xf32, #tpu.memory_space<vmem>> -> memref<1x40x128xf32, #tpu.memory_space<vmem>>
        %dma_start3A_188 = tpu.memref_squeeze %dma_start3A_187 : memref<1x40x128xf32, #tpu.memory_space<vmem>> -> memref<40x128xf32, #tpu.memory_space<vmem>>
        %dma_start3A_189 = arith.constant 0 : i32
        %dma_start3A_190 = tpu.memref_slice %arg2[%add3A_183, %dma_start3A_189] : memref<57600x128xf32, #tpu.memory_space<hbm>> -> memref<40x128xf32, #tpu.memory_space<hbm>>
        %dma_start3A_191 = arith.constant 0 : i32
        %dma_start3A_192 = arith.constant 0 : i32
        %dma_start3A_193 = tpu.memref_slice %arg8[%dma_start3A_184, %dma_start3A_191, %dma_start3A_192] : memref<4x40x128xf32, #tpu.memory_space<vmem>> -> memref<1x40x128xf32, #tpu.memory_space<vmem>>
        %dma_start3A_194 = tpu.memref_squeeze %dma_start3A_193 : memref<1x40x128xf32, #tpu.memory_space<vmem>> -> memref<40x128xf32, #tpu.memory_space<vmem>>
        %dma_start3A_195 = arith.constant 0 : i32
        %dma_start3A_196 = tpu.memref_slice %arg2[%add3A_183, %dma_start3A_195] : memref<57600x128xf32, #tpu.memory_space<hbm>> -> memref<40x128xf32, #tpu.memory_space<hbm>>
        tpu.enqueue_dma source(%dma_start3A_196 : memref<40x128xf32, #tpu.memory_space<hbm>>) target(%dma_start3A_194 : memref<40x128xf32, #tpu.memory_space<vmem>>) target_semaphore(%arg12 : memref<!tpu.dma_semaphore, #tpu.memory_space<semaphore_mem>>)
      } else {
      }
      %run_scoped3A_94 = arith.constant 0 : i32
      "tpu.region"() ({
        %run_scoped3A_179 = tpu.sem_alloc : memref<!tpu.dma_semaphore, #tpu.memory_space<semaphore_mem>>
        %dma_start3A_180 = arith.constant 0 : i32
        %dma_start3A_181 = arith.constant 0 : i32
        %dma_start3A_182 = tpu.memref_slice %arg8[%run_scoped3A_94, %dma_start3A_180, %dma_start3A_181] : memref<4x40x128xf32, #tpu.memory_space<vmem>> -> memref<1x40x128xf32, #tpu.memory_space<vmem>>
        %dma_start3A_183 = tpu.memref_squeeze %dma_start3A_182 : memref<1x40x128xf32, #tpu.memory_space<vmem>> -> memref<40x128xf32, #tpu.memory_space<vmem>>
        %dma_start3A_184 = arith.constant 0 : i32
        %dma_start3A_185 = tpu.memref_slice %arg7[%add3A_73, %dma_start3A_184] : memref<45x40xi32, #tpu.memory_space<vmem>> -> memref<1x40xi32, #tpu.memory_space<vmem>>
        %dma_start3A_186 = tpu.memref_squeeze %dma_start3A_185 : memref<1x40xi32, #tpu.memory_space<vmem>> -> memref<40xi32, #tpu.memory_space<vmem>>
        %dma_start3A_187 = arith.constant 0 : i32
        %dma_start3A_188 = arith.constant 0 : i32
        %dma_start3A_189 = tpu.memref_slice %arg6[%dma_start3A_187, %dma_start3A_188] : memref<10240x128xf32, #tpu.memory_space<vmem_shared>> -> memref<10240x128xf32, #tpu.memory_space<vmem_shared>>
        tpu.enqueue_indirect_dma source(%dma_start3A_183 : memref<40x128xf32, #tpu.memory_space<vmem>>) target(%dma_start3A_189 : memref<10240x128xf32, #tpu.memory_space<vmem_shared>>) offsets(%dma_start3A_186 : memref<40xi32, #tpu.memory_space<vmem>>) semaphore(%run_scoped3A_179 : memref<!tpu.dma_semaphore, #tpu.memory_space<semaphore_mem>>) {add = true}
        %dma_wait3A_190 = arith.constant 0 : i32
        %dma_wait3A_191 = arith.constant 0 : i32
        %dma_wait3A_192 = tpu.memref_slice %arg8[%run_scoped3A_94, %dma_wait3A_190, %dma_wait3A_191] : memref<4x40x128xf32, #tpu.memory_space<vmem>> -> memref<1x40x128xf32, #tpu.memory_space<vmem>>
        %dma_wait3A_193 = tpu.memref_squeeze %dma_wait3A_192 : memref<1x40x128xf32, #tpu.memory_space<vmem>> -> memref<40x128xf32, #tpu.memory_space<vmem>>
        %dma_wait3A_194 = arith.constant 0 : i32
        %dma_wait3A_195 = tpu.memref_slice %arg7[%add3A_73, %dma_wait3A_194] : memref<45x40xi32, #tpu.memory_space<vmem>> -> memref<1x40xi32, #tpu.memory_space<vmem>>
        %dma_wait3A_196 = tpu.memref_squeeze %dma_wait3A_195 : memref<1x40xi32, #tpu.memory_space<vmem>> -> memref<40xi32, #tpu.memory_space<vmem>>
        %dma_wait3A_197 = arith.constant 0 : i32
        %dma_wait3A_198 = arith.constant 0 : i32
        %dma_wait3A_199 = tpu.memref_slice %arg6[%dma_wait3A_197, %dma_wait3A_198] : memref<10240x128xf32, #tpu.memory_space<vmem_shared>> -> memref<10240x128xf32, #tpu.memory_space<vmem_shared>>
        tpu.wait_indirect_dma semaphore(%run_scoped3A_179 : memref<!tpu.dma_semaphore, #tpu.memory_space<semaphore_mem>>) src(%dma_wait3A_193 : memref<40x128xf32, #tpu.memory_space<vmem>>) dst(%dma_wait3A_199 : memref<10240x128xf32, #tpu.memory_space<vmem_shared>>)
        tpu.yield
      }) : () -> ()
      %mul3A_95 = arith.constant 4 : i32
      %mul3A_96 = arith.muli %scan3A_69, %mul3A_95 : i32
      %add3A_97 = arith.constant 1 : i32
      %add3A_98 = arith.addi %mul3A_96, %add3A_97 : i32
      %mul3A_99 = arith.constant 40 : i32
      %mul3A_100 = arith.muli %add3A_98, %mul3A_99 : i32
      %add3A_101 = arith.addi %mul3A_2, %mul3A_100 : i32
      %dma_wait3A_102 = arith.constant 1 : i32
      %dma_wait3A_103 = arith.constant 0 : i32
      %dma_wait3A_104 = arith.constant 0 : i32
      %dma_wait3A_105 = tpu.memref_slice %arg8[%dma_wait3A_102, %dma_wait3A_103, %dma_wait3A_104] : memref<4x40x128xf32, #tpu.memory_space<vmem>> -> memref<1x40x128xf32, #tpu.memory_space<vmem>>
      %dma_wait3A_106 = tpu.memref_squeeze %dma_wait3A_105 : memref<1x40x128xf32, #tpu.memory_space<vmem>> -> memref<40x128xf32, #tpu.memory_space<vmem>>
      %dma_wait3A_107 = arith.constant 0 : i32
      %dma_wait3A_108 = tpu.memref_slice %arg2[%add3A_101, %dma_wait3A_107] : memref<57600x128xf32, #tpu.memory_space<hbm>> -> memref<40x128xf32, #tpu.memory_space<hbm>>
      %dma_wait3A_109 = arith.constant 0 : i32
      %dma_wait3A_110 = arith.constant 0 : i32
      %dma_wait3A_111 = tpu.memref_slice %arg8[%dma_wait3A_102, %dma_wait3A_109, %dma_wait3A_110] : memref<4x40x128xf32, #tpu.memory_space<vmem>> -> memref<1x40x128xf32, #tpu.memory_space<vmem>>
      %dma_wait3A_112 = tpu.memref_squeeze %dma_wait3A_111 : memref<1x40x128xf32, #tpu.memory_space<vmem>> -> memref<40x128xf32, #tpu.memory_space<vmem>>
      %dma_wait3A_113 = arith.constant 0 : i32
      %dma_wait3A_114 = tpu.memref_slice %arg2[%add3A_101, %dma_wait3A_113] : memref<57600x128xf32, #tpu.memory_space<hbm>> -> memref<40x128xf32, #tpu.memory_space<hbm>>
      tpu.wait_dma2 semaphore(%arg10 : memref<!tpu.dma_semaphore, #tpu.memory_space<semaphore_mem>>) src(%dma_wait3A_114 : memref<40x128xf32, #tpu.memory_space<hbm>>) dst(%dma_wait3A_112 : memref<40x128xf32, #tpu.memory_space<vmem>>)
      %add3A_115 = arith.constant 3 : i32
      %add3A_116 = arith.addi %add3A_98, %add3A_115 : i32
      %lt3A_117 = arith.constant 45 : i32
      %lt3A_118 = arith.cmpi slt, %add3A_116, %lt3A_117 : i32
      %convert_element_type3A_119 = arith.extui %lt3A_118 : i1 to i32
      %cond3A_120 = arith.constant 0 : i32
      %cond3A_121 = arith.cmpi ne, %convert_element_type3A_119, %cond3A_120 : i32
      scf.if %cond3A_121 {
        %add3A_179 = arith.constant 3 : i32
        %add3A_180 = arith.addi %add3A_98, %add3A_179 : i32
        %mul3A_181 = arith.constant 40 : i32
        %mul3A_182 = arith.muli %add3A_180, %mul3A_181 : i32
        %add3A_183 = arith.addi %mul3A_2, %mul3A_182 : i32
        %dma_start3A_184 = arith.constant 0 : i32
        %dma_start3A_185 = arith.constant 0 : i32
        %dma_start3A_186 = arith.constant 0 : i32
        %dma_start3A_187 = tpu.memref_slice %arg8[%dma_start3A_184, %dma_start3A_185, %dma_start3A_186] : memref<4x40x128xf32, #tpu.memory_space<vmem>> -> memref<1x40x128xf32, #tpu.memory_space<vmem>>
        %dma_start3A_188 = tpu.memref_squeeze %dma_start3A_187 : memref<1x40x128xf32, #tpu.memory_space<vmem>> -> memref<40x128xf32, #tpu.memory_space<vmem>>
        %dma_start3A_189 = arith.constant 0 : i32
        %dma_start3A_190 = tpu.memref_slice %arg2[%add3A_183, %dma_start3A_189] : memref<57600x128xf32, #tpu.memory_space<hbm>> -> memref<40x128xf32, #tpu.memory_space<hbm>>
        %dma_start3A_191 = arith.constant 0 : i32
        %dma_start3A_192 = arith.constant 0 : i32
        %dma_start3A_193 = tpu.memref_slice %arg8[%dma_start3A_184, %dma_start3A_191, %dma_start3A_192] : memref<4x40x128xf32, #tpu.memory_space<vmem>> -> memref<1x40x128xf32, #tpu.memory_space<vmem>>
        %dma_start3A_194 = tpu.memref_squeeze %dma_start3A_193 : memref<1x40x128xf32, #tpu.memory_space<vmem>> -> memref<40x128xf32, #tpu.memory_space<vmem>>
        %dma_start3A_195 = arith.constant 0 : i32
        %dma_start3A_196 = tpu.memref_slice %arg2[%add3A_183, %dma_start3A_195] : memref<57600x128xf32, #tpu.memory_space<hbm>> -> memref<40x128xf32, #tpu.memory_space<hbm>>
        tpu.enqueue_dma source(%dma_start3A_196 : memref<40x128xf32, #tpu.memory_space<hbm>>) target(%dma_start3A_194 : memref<40x128xf32, #tpu.memory_space<vmem>>) target_semaphore(%arg9 : memref<!tpu.dma_semaphore, #tpu.memory_space<semaphore_mem>>)
      } else {
      }
      %run_scoped3A_122 = arith.constant 1 : i32
      "tpu.region"() ({
        %run_scoped3A_179 = tpu.sem_alloc : memref<!tpu.dma_semaphore, #tpu.memory_space<semaphore_mem>>
        %dma_start3A_180 = arith.constant 0 : i32
        %dma_start3A_181 = arith.constant 0 : i32
        %dma_start3A_182 = tpu.memref_slice %arg8[%run_scoped3A_122, %dma_start3A_180, %dma_start3A_181] : memref<4x40x128xf32, #tpu.memory_space<vmem>> -> memref<1x40x128xf32, #tpu.memory_space<vmem>>
        %dma_start3A_183 = tpu.memref_squeeze %dma_start3A_182 : memref<1x40x128xf32, #tpu.memory_space<vmem>> -> memref<40x128xf32, #tpu.memory_space<vmem>>
        %dma_start3A_184 = arith.constant 0 : i32
        %dma_start3A_185 = tpu.memref_slice %arg7[%add3A_98, %dma_start3A_184] : memref<45x40xi32, #tpu.memory_space<vmem>> -> memref<1x40xi32, #tpu.memory_space<vmem>>
        %dma_start3A_186 = tpu.memref_squeeze %dma_start3A_185 : memref<1x40xi32, #tpu.memory_space<vmem>> -> memref<40xi32, #tpu.memory_space<vmem>>
        %dma_start3A_187 = arith.constant 0 : i32
        %dma_start3A_188 = arith.constant 0 : i32
        %dma_start3A_189 = tpu.memref_slice %arg6[%dma_start3A_187, %dma_start3A_188] : memref<10240x128xf32, #tpu.memory_space<vmem_shared>> -> memref<10240x128xf32, #tpu.memory_space<vmem_shared>>
        tpu.enqueue_indirect_dma source(%dma_start3A_183 : memref<40x128xf32, #tpu.memory_space<vmem>>) target(%dma_start3A_189 : memref<10240x128xf32, #tpu.memory_space<vmem_shared>>) offsets(%dma_start3A_186 : memref<40xi32, #tpu.memory_space<vmem>>) semaphore(%run_scoped3A_179 : memref<!tpu.dma_semaphore, #tpu.memory_space<semaphore_mem>>) {add = true}
        %dma_wait3A_190 = arith.constant 0 : i32
        %dma_wait3A_191 = arith.constant 0 : i32
        %dma_wait3A_192 = tpu.memref_slice %arg8[%run_scoped3A_122, %dma_wait3A_190, %dma_wait3A_191] : memref<4x40x128xf32, #tpu.memory_space<vmem>> -> memref<1x40x128xf32, #tpu.memory_space<vmem>>
        %dma_wait3A_193 = tpu.memref_squeeze %dma_wait3A_192 : memref<1x40x128xf32, #tpu.memory_space<vmem>> -> memref<40x128xf32, #tpu.memory_space<vmem>>
        %dma_wait3A_194 = arith.constant 0 : i32
        %dma_wait3A_195 = tpu.memref_slice %arg7[%add3A_98, %dma_wait3A_194] : memref<45x40xi32, #tpu.memory_space<vmem>> -> memref<1x40xi32, #tpu.memory_space<vmem>>
        %dma_wait3A_196 = tpu.memref_squeeze %dma_wait3A_195 : memref<1x40xi32, #tpu.memory_space<vmem>> -> memref<40xi32, #tpu.memory_space<vmem>>
        %dma_wait3A_197 = arith.constant 0 : i32
        %dma_wait3A_198 = arith.constant 0 : i32
        %dma_wait3A_199 = tpu.memref_slice %arg6[%dma_wait3A_197, %dma_wait3A_198] : memref<10240x128xf32, #tpu.memory_space<vmem_shared>> -> memref<10240x128xf32, #tpu.memory_space<vmem_shared>>
        tpu.wait_indirect_dma semaphore(%run_scoped3A_179 : memref<!tpu.dma_semaphore, #tpu.memory_space<semaphore_mem>>) src(%dma_wait3A_193 : memref<40x128xf32, #tpu.memory_space<vmem>>) dst(%dma_wait3A_199 : memref<10240x128xf32, #tpu.memory_space<vmem_shared>>)
        tpu.yield
      }) : () -> ()
      %mul3A_123 = arith.constant 4 : i32
      %mul3A_124 = arith.muli %scan3A_69, %mul3A_123 : i32
      %add3A_125 = arith.constant 2 : i32
      %add3A_126 = arith.addi %mul3A_124, %add3A_125 : i32
      %mul3A_127 = arith.constant 40 : i32
      %mul3A_128 = arith.muli %add3A_126, %mul3A_127 : i32
      %add3A_129 = arith.addi %mul3A_2, %mul3A_128 : i32
      %dma_wait3A_130 = arith.constant 2 : i32
      %dma_wait3A_131 = arith.constant 0 : i32
      %dma_wait3A_132 = arith.constant 0 : i32
      %dma_wait3A_133 = tpu.memref_slice %arg8[%dma_wait3A_130, %dma_wait3A_131, %dma_wait3A_132] : memref<4x40x128xf32, #tpu.memory_space<vmem>> -> memref<1x40x128xf32, #tpu.memory_space<vmem>>
      %dma_wait3A_134 = tpu.memref_squeeze %dma_wait3A_133 : memref<1x40x128xf32, #tpu.memory_space<vmem>> -> memref<40x128xf32, #tpu.memory_space<vmem>>
      %dma_wait3A_135 = arith.constant 0 : i32
      %dma_wait3A_136 = tpu.memref_slice %arg2[%add3A_129, %dma_wait3A_135] : memref<57600x128xf32, #tpu.memory_space<hbm>> -> memref<40x128xf32, #tpu.memory_space<hbm>>
      %dma_wait3A_137 = arith.constant 0 : i32
      %dma_wait3A_138 = arith.constant 0 : i32
      %dma_wait3A_139 = tpu.memref_slice %arg8[%dma_wait3A_130, %dma_wait3A_137, %dma_wait3A_138] : memref<4x40x128xf32, #tpu.memory_space<vmem>> -> memref<1x40x128xf32, #tpu.memory_space<vmem>>
      %dma_wait3A_140 = tpu.memref_squeeze %dma_wait3A_139 : memref<1x40x128xf32, #tpu.memory_space<vmem>> -> memref<40x128xf32, #tpu.memory_space<vmem>>
      %dma_wait3A_141 = arith.constant 0 : i32
      %dma_wait3A_142 = tpu.memref_slice %arg2[%add3A_129, %dma_wait3A_141] : memref<57600x128xf32, #tpu.memory_space<hbm>> -> memref<40x128xf32, #tpu.memory_space<hbm>>
      tpu.wait_dma2 semaphore(%arg11 : memref<!tpu.dma_semaphore, #tpu.memory_space<semaphore_mem>>) src(%dma_wait3A_142 : memref<40x128xf32, #tpu.memory_space<hbm>>) dst(%dma_wait3A_140 : memref<40x128xf32, #tpu.memory_space<vmem>>)
      %add3A_143 = arith.constant 3 : i32
      %add3A_144 = arith.addi %add3A_126, %add3A_143 : i32
      %lt3A_145 = arith.constant 45 : i32
      %lt3A_146 = arith.cmpi slt, %add3A_144, %lt3A_145 : i32
      %convert_element_type3A_147 = arith.extui %lt3A_146 : i1 to i32
      %cond3A_148 = arith.constant 0 : i32
      %cond3A_149 = arith.cmpi ne, %convert_element_type3A_147, %cond3A_148 : i32
      scf.if %cond3A_149 {
        %add3A_179 = arith.constant 3 : i32
        %add3A_180 = arith.addi %add3A_126, %add3A_179 : i32
        %mul3A_181 = arith.constant 40 : i32
        %mul3A_182 = arith.muli %add3A_180, %mul3A_181 : i32
        %add3A_183 = arith.addi %mul3A_2, %mul3A_182 : i32
        %dma_start3A_184 = arith.constant 1 : i32
        %dma_start3A_185 = arith.constant 0 : i32
        %dma_start3A_186 = arith.constant 0 : i32
        %dma_start3A_187 = tpu.memref_slice %arg8[%dma_start3A_184, %dma_start3A_185, %dma_start3A_186] : memref<4x40x128xf32, #tpu.memory_space<vmem>> -> memref<1x40x128xf32, #tpu.memory_space<vmem>>
        %dma_start3A_188 = tpu.memref_squeeze %dma_start3A_187 : memref<1x40x128xf32, #tpu.memory_space<vmem>> -> memref<40x128xf32, #tpu.memory_space<vmem>>
        %dma_start3A_189 = arith.constant 0 : i32
        %dma_start3A_190 = tpu.memref_slice %arg2[%add3A_183, %dma_start3A_189] : memref<57600x128xf32, #tpu.memory_space<hbm>> -> memref<40x128xf32, #tpu.memory_space<hbm>>
        %dma_start3A_191 = arith.constant 0 : i32
        %dma_start3A_192 = arith.constant 0 : i32
        %dma_start3A_193 = tpu.memref_slice %arg8[%dma_start3A_184, %dma_start3A_191, %dma_start3A_192] : memref<4x40x128xf32, #tpu.memory_space<vmem>> -> memref<1x40x128xf32, #tpu.memory_space<vmem>>
        %dma_start3A_194 = tpu.memref_squeeze %dma_start3A_193 : memref<1x40x128xf32, #tpu.memory_space<vmem>> -> memref<40x128xf32, #tpu.memory_space<vmem>>
        %dma_start3A_195 = arith.constant 0 : i32
        %dma_start3A_196 = tpu.memref_slice %arg2[%add3A_183, %dma_start3A_195] : memref<57600x128xf32, #tpu.memory_space<hbm>> -> memref<40x128xf32, #tpu.memory_space<hbm>>
        tpu.enqueue_dma source(%dma_start3A_196 : memref<40x128xf32, #tpu.memory_space<hbm>>) target(%dma_start3A_194 : memref<40x128xf32, #tpu.memory_space<vmem>>) target_semaphore(%arg10 : memref<!tpu.dma_semaphore, #tpu.memory_space<semaphore_mem>>)
      } else {
      }
      %run_scoped3A_150 = arith.constant 2 : i32
      "tpu.region"() ({
        %run_scoped3A_179 = tpu.sem_alloc : memref<!tpu.dma_semaphore, #tpu.memory_space<semaphore_mem>>
        %dma_start3A_180 = arith.constant 0 : i32
        %dma_start3A_181 = arith.constant 0 : i32
        %dma_start3A_182 = tpu.memref_slice %arg8[%run_scoped3A_150, %dma_start3A_180, %dma_start3A_181] : memref<4x40x128xf32, #tpu.memory_space<vmem>> -> memref<1x40x128xf32, #tpu.memory_space<vmem>>
        %dma_start3A_183 = tpu.memref_squeeze %dma_start3A_182 : memref<1x40x128xf32, #tpu.memory_space<vmem>> -> memref<40x128xf32, #tpu.memory_space<vmem>>
        %dma_start3A_184 = arith.constant 0 : i32
        %dma_start3A_185 = tpu.memref_slice %arg7[%add3A_126, %dma_start3A_184] : memref<45x40xi32, #tpu.memory_space<vmem>> -> memref<1x40xi32, #tpu.memory_space<vmem>>
        %dma_start3A_186 = tpu.memref_squeeze %dma_start3A_185 : memref<1x40xi32, #tpu.memory_space<vmem>> -> memref<40xi32, #tpu.memory_space<vmem>>
        %dma_start3A_187 = arith.constant 0 : i32
        %dma_start3A_188 = arith.constant 0 : i32
        %dma_start3A_189 = tpu.memref_slice %arg6[%dma_start3A_187, %dma_start3A_188] : memref<10240x128xf32, #tpu.memory_space<vmem_shared>> -> memref<10240x128xf32, #tpu.memory_space<vmem_shared>>
        tpu.enqueue_indirect_dma source(%dma_start3A_183 : memref<40x128xf32, #tpu.memory_space<vmem>>) target(%dma_start3A_189 : memref<10240x128xf32, #tpu.memory_space<vmem_shared>>) offsets(%dma_start3A_186 : memref<40xi32, #tpu.memory_space<vmem>>) semaphore(%run_scoped3A_179 : memref<!tpu.dma_semaphore, #tpu.memory_space<semaphore_mem>>) {add = true}
        %dma_wait3A_190 = arith.constant 0 : i32
        %dma_wait3A_191 = arith.constant 0 : i32
        %dma_wait3A_192 = tpu.memref_slice %arg8[%run_scoped3A_150, %dma_wait3A_190, %dma_wait3A_191] : memref<4x40x128xf32, #tpu.memory_space<vmem>> -> memref<1x40x128xf32, #tpu.memory_space<vmem>>
        %dma_wait3A_193 = tpu.memref_squeeze %dma_wait3A_192 : memref<1x40x128xf32, #tpu.memory_space<vmem>> -> memref<40x128xf32, #tpu.memory_space<vmem>>
        %dma_wait3A_194 = arith.constant 0 : i32
        %dma_wait3A_195 = tpu.memref_slice %arg7[%add3A_126, %dma_wait3A_194] : memref<45x40xi32, #tpu.memory_space<vmem>> -> memref<1x40xi32, #tpu.memory_space<vmem>>
        %dma_wait3A_196 = tpu.memref_squeeze %dma_wait3A_195 : memref<1x40xi32, #tpu.memory_space<vmem>> -> memref<40xi32, #tpu.memory_space<vmem>>
        %dma_wait3A_197 = arith.constant 0 : i32
        %dma_wait3A_198 = arith.constant 0 : i32
        %dma_wait3A_199 = tpu.memref_slice %arg6[%dma_wait3A_197, %dma_wait3A_198] : memref<10240x128xf32, #tpu.memory_space<vmem_shared>> -> memref<10240x128xf32, #tpu.memory_space<vmem_shared>>
        tpu.wait_indirect_dma semaphore(%run_scoped3A_179 : memref<!tpu.dma_semaphore, #tpu.memory_space<semaphore_mem>>) src(%dma_wait3A_193 : memref<40x128xf32, #tpu.memory_space<vmem>>) dst(%dma_wait3A_199 : memref<10240x128xf32, #tpu.memory_space<vmem_shared>>)
        tpu.yield
      }) : () -> ()
      %mul3A_151 = arith.constant 4 : i32
      %mul3A_152 = arith.muli %scan3A_69, %mul3A_151 : i32
      %add3A_153 = arith.constant 3 : i32
      %add3A_154 = arith.addi %mul3A_152, %add3A_153 : i32
      %mul3A_155 = arith.constant 40 : i32
      %mul3A_156 = arith.muli %add3A_154, %mul3A_155 : i32
      %add3A_157 = arith.addi %mul3A_2, %mul3A_156 : i32
      %dma_wait3A_158 = arith.constant 3 : i32
      %dma_wait3A_159 = arith.constant 0 : i32
      %dma_wait3A_160 = arith.constant 0 : i32
      %dma_wait3A_161 = tpu.memref_slice %arg8[%dma_wait3A_158, %dma_wait3A_159, %dma_wait3A_160] : memref<4x40x128xf32, #tpu.memory_space<vmem>> -> memref<1x40x128xf32, #tpu.memory_space<vmem>>
      %dma_wait3A_162 = tpu.memref_squeeze %dma_wait3A_161 : memref<1x40x128xf32, #tpu.memory_space<vmem>> -> memref<40x128xf32, #tpu.memory_space<vmem>>
      %dma_wait3A_163 = arith.constant 0 : i32
      %dma_wait3A_164 = tpu.memref_slice %arg2[%add3A_157, %dma_wait3A_163] : memref<57600x128xf32, #tpu.memory_space<hbm>> -> memref<40x128xf32, #tpu.memory_space<hbm>>
      %dma_wait3A_165 = arith.constant 0 : i32
      %dma_wait3A_166 = arith.constant 0 : i32
      %dma_wait3A_167 = tpu.memref_slice %arg8[%dma_wait3A_158, %dma_wait3A_165, %dma_wait3A_166] : memref<4x40x128xf32, #tpu.memory_space<vmem>> -> memref<1x40x128xf32, #tpu.memory_space<vmem>>
      %dma_wait3A_168 = tpu.memref_squeeze %dma_wait3A_167 : memref<1x40x128xf32, #tpu.memory_space<vmem>> -> memref<40x128xf32, #tpu.memory_space<vmem>>
      %dma_wait3A_169 = arith.constant 0 : i32
      %dma_wait3A_170 = tpu.memref_slice %arg2[%add3A_157, %dma_wait3A_169] : memref<57600x128xf32, #tpu.memory_space<hbm>> -> memref<40x128xf32, #tpu.memory_space<hbm>>
      tpu.wait_dma2 semaphore(%arg12 : memref<!tpu.dma_semaphore, #tpu.memory_space<semaphore_mem>>) src(%dma_wait3A_170 : memref<40x128xf32, #tpu.memory_space<hbm>>) dst(%dma_wait3A_168 : memref<40x128xf32, #tpu.memory_space<vmem>>)
      %add3A_171 = arith.constant 3 : i32
      %add3A_172 = arith.addi %add3A_154, %add3A_171 : i32
      %lt3A_173 = arith.constant 45 : i32
      %lt3A_174 = arith.cmpi slt, %add3A_172, %lt3A_173 : i32
      %convert_element_type3A_175 = arith.extui %lt3A_174 : i1 to i32
      %cond3A_176 = arith.constant 0 : i32
      %cond3A_177 = arith.cmpi ne, %convert_element_type3A_175, %cond3A_176 : i32
      scf.if %cond3A_177 {
        %add3A_179 = arith.constant 3 : i32
        %add3A_180 = arith.addi %add3A_154, %add3A_179 : i32
        %mul3A_181 = arith.constant 40 : i32
        %mul3A_182 = arith.muli %add3A_180, %mul3A_181 : i32
        %add3A_183 = arith.addi %mul3A_2, %mul3A_182 : i32
        %dma_start3A_184 = arith.constant 2 : i32
        %dma_start3A_185 = arith.constant 0 : i32
        %dma_start3A_186 = arith.constant 0 : i32
        %dma_start3A_187 = tpu.memref_slice %arg8[%dma_start3A_184, %dma_start3A_185, %dma_start3A_186] : memref<4x40x128xf32, #tpu.memory_space<vmem>> -> memref<1x40x128xf32, #tpu.memory_space<vmem>>
        %dma_start3A_188 = tpu.memref_squeeze %dma_start3A_187 : memref<1x40x128xf32, #tpu.memory_space<vmem>> -> memref<40x128xf32, #tpu.memory_space<vmem>>
        %dma_start3A_189 = arith.constant 0 : i32
        %dma_start3A_190 = tpu.memref_slice %arg2[%add3A_183, %dma_start3A_189] : memref<57600x128xf32, #tpu.memory_space<hbm>> -> memref<40x128xf32, #tpu.memory_space<hbm>>
        %dma_start3A_191 = arith.constant 0 : i32
        %dma_start3A_192 = arith.constant 0 : i32
        %dma_start3A_193 = tpu.memref_slice %arg8[%dma_start3A_184, %dma_start3A_191, %dma_start3A_192] : memref<4x40x128xf32, #tpu.memory_space<vmem>> -> memref<1x40x128xf32, #tpu.memory_space<vmem>>
        %dma_start3A_194 = tpu.memref_squeeze %dma_start3A_193 : memref<1x40x128xf32, #tpu.memory_space<vmem>> -> memref<40x128xf32, #tpu.memory_space<vmem>>
        %dma_start3A_195 = arith.constant 0 : i32
        %dma_start3A_196 = tpu.memref_slice %arg2[%add3A_183, %dma_start3A_195] : memref<57600x128xf32, #tpu.memory_space<hbm>> -> memref<40x128xf32, #tpu.memory_space<hbm>>
        tpu.enqueue_dma source(%dma_start3A_196 : memref<40x128xf32, #tpu.memory_space<hbm>>) target(%dma_start3A_194 : memref<40x128xf32, #tpu.memory_space<vmem>>) target_semaphore(%arg11 : memref<!tpu.dma_semaphore, #tpu.memory_space<semaphore_mem>>)
      } else {
      }
      %run_scoped3A_178 = arith.constant 3 : i32
      "tpu.region"() ({
        %run_scoped3A_179 = tpu.sem_alloc : memref<!tpu.dma_semaphore, #tpu.memory_space<semaphore_mem>>
        %dma_start3A_180 = arith.constant 0 : i32
        %dma_start3A_181 = arith.constant 0 : i32
        %dma_start3A_182 = tpu.memref_slice %arg8[%run_scoped3A_178, %dma_start3A_180, %dma_start3A_181] : memref<4x40x128xf32, #tpu.memory_space<vmem>> -> memref<1x40x128xf32, #tpu.memory_space<vmem>>
        %dma_start3A_183 = tpu.memref_squeeze %dma_start3A_182 : memref<1x40x128xf32, #tpu.memory_space<vmem>> -> memref<40x128xf32, #tpu.memory_space<vmem>>
        %dma_start3A_184 = arith.constant 0 : i32
        %dma_start3A_185 = tpu.memref_slice %arg7[%add3A_154, %dma_start3A_184] : memref<45x40xi32, #tpu.memory_space<vmem>> -> memref<1x40xi32, #tpu.memory_space<vmem>>
        %dma_start3A_186 = tpu.memref_squeeze %dma_start3A_185 : memref<1x40xi32, #tpu.memory_space<vmem>> -> memref<40xi32, #tpu.memory_space<vmem>>
        %dma_start3A_187 = arith.constant 0 : i32
        %dma_start3A_188 = arith.constant 0 : i32
        %dma_start3A_189 = tpu.memref_slice %arg6[%dma_start3A_187, %dma_start3A_188] : memref<10240x128xf32, #tpu.memory_space<vmem_shared>> -> memref<10240x128xf32, #tpu.memory_space<vmem_shared>>
        tpu.enqueue_indirect_dma source(%dma_start3A_183 : memref<40x128xf32, #tpu.memory_space<vmem>>) target(%dma_start3A_189 : memref<10240x128xf32, #tpu.memory_space<vmem_shared>>) offsets(%dma_start3A_186 : memref<40xi32, #tpu.memory_space<vmem>>) semaphore(%run_scoped3A_179 : memref<!tpu.dma_semaphore, #tpu.memory_space<semaphore_mem>>) {add = true}
        %dma_wait3A_190 = arith.constant 0 : i32
        %dma_wait3A_191 = arith.constant 0 : i32
        %dma_wait3A_192 = tpu.memref_slice %arg8[%run_scoped3A_178, %dma_wait3A_190, %dma_wait3A_191] : memref<4x40x128xf32, #tpu.memory_space<vmem>> -> memref<1x40x128xf32, #tpu.memory_space<vmem>>
        %dma_wait3A_193 = tpu.memref_squeeze %dma_wait3A_192 : memref<1x40x128xf32, #tpu.memory_space<vmem>> -> memref<40x128xf32, #tpu.memory_space<vmem>>
        %dma_wait3A_194 = arith.constant 0 : i32
        %dma_wait3A_195 = tpu.memref_slice %arg7[%add3A_154, %dma_wait3A_194] : memref<45x40xi32, #tpu.memory_space<vmem>> -> memref<1x40xi32, #tpu.memory_space<vmem>>
        %dma_wait3A_196 = tpu.memref_squeeze %dma_wait3A_195 : memref<1x40xi32, #tpu.memory_space<vmem>> -> memref<40xi32, #tpu.memory_space<vmem>>
        %dma_wait3A_197 = arith.constant 0 : i32
        %dma_wait3A_198 = arith.constant 0 : i32
        %dma_wait3A_199 = tpu.memref_slice %arg6[%dma_wait3A_197, %dma_wait3A_198] : memref<10240x128xf32, #tpu.memory_space<vmem_shared>> -> memref<10240x128xf32, #tpu.memory_space<vmem_shared>>
        tpu.wait_indirect_dma semaphore(%run_scoped3A_179 : memref<!tpu.dma_semaphore, #tpu.memory_space<semaphore_mem>>) src(%dma_wait3A_193 : memref<40x128xf32, #tpu.memory_space<vmem>>) dst(%dma_wait3A_199 : memref<10240x128xf32, #tpu.memory_space<vmem_shared>>)
        tpu.yield
      }) : () -> ()
    }
    %scan3A_52 = arith.constant 11 : i32
    %add3A_53 = arith.constant 1760 : i32
    %add3A_54 = arith.addi %mul3A_2, %add3A_53 : i32
    %dma_wait3A = arith.constant 0 : i32
    %dma_wait3A_55 = arith.constant 0 : i32
    %dma_wait3A_56 = arith.constant 0 : i32
    %dma_wait3A_57 = tpu.memref_slice %arg8[%dma_wait3A, %dma_wait3A_55, %dma_wait3A_56] : memref<4x40x128xf32, #tpu.memory_space<vmem>> -> memref<1x40x128xf32, #tpu.memory_space<vmem>>
    %dma_wait3A_58 = tpu.memref_squeeze %dma_wait3A_57 : memref<1x40x128xf32, #tpu.memory_space<vmem>> -> memref<40x128xf32, #tpu.memory_space<vmem>>
    %dma_wait3A_59 = arith.constant 0 : i32
    %dma_wait3A_60 = tpu.memref_slice %arg2[%add3A_54, %dma_wait3A_59] : memref<57600x128xf32, #tpu.memory_space<hbm>> -> memref<40x128xf32, #tpu.memory_space<hbm>>
    %dma_wait3A_61 = arith.constant 0 : i32
    %dma_wait3A_62 = arith.constant 0 : i32
    %dma_wait3A_63 = tpu.memref_slice %arg8[%dma_wait3A, %dma_wait3A_61, %dma_wait3A_62] : memref<4x40x128xf32, #tpu.memory_space<vmem>> -> memref<1x40x128xf32, #tpu.memory_space<vmem>>
    %dma_wait3A_64 = tpu.memref_squeeze %dma_wait3A_63 : memref<1x40x128xf32, #tpu.memory_space<vmem>> -> memref<40x128xf32, #tpu.memory_space<vmem>>
    %dma_wait3A_65 = arith.constant 0 : i32
    %dma_wait3A_66 = tpu.memref_slice %arg2[%add3A_54, %dma_wait3A_65] : memref<57600x128xf32, #tpu.memory_space<hbm>> -> memref<40x128xf32, #tpu.memory_space<hbm>>
    tpu.wait_dma2 semaphore(%arg9 : memref<!tpu.dma_semaphore, #tpu.memory_space<semaphore_mem>>) src(%dma_wait3A_66 : memref<40x128xf32, #tpu.memory_space<hbm>>) dst(%dma_wait3A_64 : memref<40x128xf32, #tpu.memory_space<vmem>>)
    %run_scoped3A = arith.constant 0 : i32
    %run_scoped3A_67 = arith.constant 44 : i32
    "tpu.region"() ({
      %run_scoped3A_69 = tpu.sem_alloc : memref<!tpu.dma_semaphore, #tpu.memory_space<semaphore_mem>>
      %dma_start3A_70 = arith.constant 0 : i32
      %dma_start3A_71 = arith.constant 0 : i32
      %dma_start3A_72 = tpu.memref_slice %arg8[%run_scoped3A, %dma_start3A_70, %dma_start3A_71] : memref<4x40x128xf32, #tpu.memory_space<vmem>> -> memref<1x40x128xf32, #tpu.memory_space<vmem>>
      %dma_start3A_73 = tpu.memref_squeeze %dma_start3A_72 : memref<1x40x128xf32, #tpu.memory_space<vmem>> -> memref<40x128xf32, #tpu.memory_space<vmem>>
      %dma_start3A_74 = arith.constant 0 : i32
      %dma_start3A_75 = tpu.memref_slice %arg7[%run_scoped3A_67, %dma_start3A_74] : memref<45x40xi32, #tpu.memory_space<vmem>> -> memref<1x40xi32, #tpu.memory_space<vmem>>
      %dma_start3A_76 = tpu.memref_squeeze %dma_start3A_75 : memref<1x40xi32, #tpu.memory_space<vmem>> -> memref<40xi32, #tpu.memory_space<vmem>>
      %dma_start3A_77 = arith.constant 0 : i32
      %dma_start3A_78 = arith.constant 0 : i32
      %dma_start3A_79 = tpu.memref_slice %arg6[%dma_start3A_77, %dma_start3A_78] : memref<10240x128xf32, #tpu.memory_space<vmem_shared>> -> memref<10240x128xf32, #tpu.memory_space<vmem_shared>>
      tpu.enqueue_indirect_dma source(%dma_start3A_73 : memref<40x128xf32, #tpu.memory_space<vmem>>) target(%dma_start3A_79 : memref<10240x128xf32, #tpu.memory_space<vmem_shared>>) offsets(%dma_start3A_76 : memref<40xi32, #tpu.memory_space<vmem>>) semaphore(%run_scoped3A_69 : memref<!tpu.dma_semaphore, #tpu.memory_space<semaphore_mem>>) {add = true}
      %dma_wait3A_80 = arith.constant 0 : i32
      %dma_wait3A_81 = arith.constant 0 : i32
      %dma_wait3A_82 = tpu.memref_slice %arg8[%run_scoped3A, %dma_wait3A_80, %dma_wait3A_81] : memref<4x40x128xf32, #tpu.memory_space<vmem>> -> memref<1x40x128xf32, #tpu.memory_space<vmem>>
      %dma_wait3A_83 = tpu.memref_squeeze %dma_wait3A_82 : memref<1x40x128xf32, #tpu.memory_space<vmem>> -> memref<40x128xf32, #tpu.memory_space<vmem>>
      %dma_wait3A_84 = arith.constant 0 : i32
      %dma_wait3A_85 = tpu.memref_slice %arg7[%run_scoped3A_67, %dma_wait3A_84] : memref<45x40xi32, #tpu.memory_space<vmem>> -> memref<1x40xi32, #tpu.memory_space<vmem>>
      %dma_wait3A_86 = tpu.memref_squeeze %dma_wait3A_85 : memref<1x40xi32, #tpu.memory_space<vmem>> -> memref<40xi32, #tpu.memory_space<vmem>>
      %dma_wait3A_87 = arith.constant 0 : i32
      %dma_wait3A_88 = arith.constant 0 : i32
      %dma_wait3A_89 = tpu.memref_slice %arg6[%dma_wait3A_87, %dma_wait3A_88] : memref<10240x128xf32, #tpu.memory_space<vmem_shared>> -> memref<10240x128xf32, #tpu.memory_space<vmem_shared>>
      tpu.wait_indirect_dma semaphore(%run_scoped3A_69 : memref<!tpu.dma_semaphore, #tpu.memory_space<semaphore_mem>>) src(%dma_wait3A_83 : memref<40x128xf32, #tpu.memory_space<vmem>>) dst(%dma_wait3A_89 : memref<10240x128xf32, #tpu.memory_space<vmem_shared>>)
      tpu.yield
    }) : () -> ()
    %barrier3A_68 = arith.constant 0 : index
    tpu.barrier barrier_id(%barrier3A_68)
    "tpu.region"() ({
      %run_scoped3A_69 = tpu.sem_alloc : memref<!tpu.dma_semaphore, #tpu.memory_space<semaphore_mem>>
      %dma_start3A_70 = arith.constant 0 : i32
      %dma_start3A_71 = tpu.memref_slice %arg5[%arg0, %mul3A_4, %dma_start3A_70] : memref<2x10240x128xf32, #tpu.memory_space<hbm>> -> memref<1x640x128xf32, #tpu.memory_space<hbm>>
      %dma_start3A_72 = tpu.memref_squeeze %dma_start3A_71 : memref<1x640x128xf32, #tpu.memory_space<hbm>> -> memref<640x128xf32, #tpu.memory_space<hbm>>
      %dma_start3A_73 = arith.constant 0 : i32
      %dma_start3A_74 = tpu.memref_slice %arg6[%mul3A_4, %dma_start3A_73] : memref<10240x128xf32, #tpu.memory_space<vmem_shared>> -> memref<640x128xf32, #tpu.memory_space<vmem_shared>>
      tpu.enqueue_dma source(%dma_start3A_74 : memref<640x128xf32, #tpu.memory_space<vmem_shared>>) target(%dma_start3A_72 : memref<640x128xf32, #tpu.memory_space<hbm>>) target_semaphore(%run_scoped3A_69 : memref<!tpu.dma_semaphore, #tpu.memory_space<semaphore_mem>>)
      %dma_wait3A_75 = arith.constant 0 : i32
      %dma_wait3A_76 = tpu.memref_slice %arg5[%arg0, %mul3A_4, %dma_wait3A_75] : memref<2x10240x128xf32, #tpu.memory_space<hbm>> -> memref<1x640x128xf32, #tpu.memory_space<hbm>>
      %dma_wait3A_77 = tpu.memref_squeeze %dma_wait3A_76 : memref<1x640x128xf32, #tpu.memory_space<hbm>> -> memref<640x128xf32, #tpu.memory_space<hbm>>
      %dma_wait3A_78 = arith.constant 0 : i32
      %dma_wait3A_79 = tpu.memref_slice %arg6[%mul3A_4, %dma_wait3A_78] : memref<10240x128xf32, #tpu.memory_space<vmem_shared>> -> memref<640x128xf32, #tpu.memory_space<vmem_shared>>
      tpu.wait_dma2 semaphore(%run_scoped3A_69 : memref<!tpu.dma_semaphore, #tpu.memory_space<semaphore_mem>>) src(%dma_wait3A_79 : memref<640x128xf32, #tpu.memory_space<vmem_shared>>) dst(%dma_wait3A_77 : memref<640x128xf32, #tpu.memory_space<hbm>>)
      tpu.yield
    }) : () -> ()
    return
  }
}

module attributes {stable_mosaic.version = 14 : i64} {
  func.func @_tc_edge_body(%arg0: i32, %arg1: memref<9x3200xbf16, #tpu.memory_space<vmem>>, %arg2: memref<3200x128xf32, #tpu.memory_space<vmem>>, %arg3: memref<9x1152xbf16, #tpu.memory_space<vmem>>, %arg4: memref<1152x128xbf16, #tpu.memory_space<vmem>>, %arg5: memref<3200x128xf32, #tpu.memory_space<vmem>>) attributes {dimension_semantics = [#tpu.dimension_semantics<arbitrary>], iteration_bounds = array<i64: 32>, scalar_prefetch = 0 : i64, scratch_operands = 0 : i64, tpu.core_type = #tpu.core_type<tc>, window_params = [{transform_indices = @transform_0, window_bounds = array<i64: 9, 3200>}, {transform_indices = @transform_1, window_bounds = array<i64: 3200, 128>}, {pipeline_mode = #tpu.pipeline_mode<synchronous>, transform_indices = @transform_2, window_bounds = array<i64: 9, 1152>}, {pipeline_mode = #tpu.pipeline_mode<synchronous>, transform_indices = @transform_3, window_bounds = array<i64: 1152, 128>}, {transform_indices = @transform_4, window_bounds = array<i64: 3200, 128>}]} {
    %get3A = arith.constant 0 : index
    %get3A_0 = arith.constant 0 : index
    %get3A_1 = vector.load %arg2[%get3A, %get3A_0] : memref<3200x128xf32, #tpu.memory_space<vmem>>, vector<3200x128xf32>
    %convert_element_type3A = arith.truncf %get3A_1 : vector<3200x128xf32> to vector<3200x128xbf16>
    %get3A_2 = arith.constant 0 : index
    %get3A_3 = arith.constant 0 : index
    %get3A_4 = vector.load %arg1[%get3A_2, %get3A_3] : memref<9x3200xbf16, #tpu.memory_space<vmem>>, vector<9x3200xbf16>
    %get3A_5 = arith.constant 0 : index
    %get3A_6 = arith.constant 0 : index
    %get3A_7 = vector.load %arg3[%get3A_5, %get3A_6] : memref<9x1152xbf16, #tpu.memory_space<vmem>>, vector<9x1152xbf16>
    %dot_general3A = arith.constant dense<0.000000e+00> : vector<3200x1152xf32>
    %dot_general3A_8 = tpu.matmul %get3A_4, %get3A_7, %dot_general3A {dimension_numbers = #tpu.dot_dimension_numbers<[0], [0], [1], [1], [0, 1, 1, 1], [], []>, transpose_lhs_hint = false} : vector<9x3200xbf16>, vector<9x1152xbf16>, vector<3200x1152xf32> -> vector<3200x1152xf32>
    %convert_element_type3A_9 = arith.truncf %dot_general3A_8 : vector<3200x1152xf32> to vector<3200x1152xbf16>
    %slice3A = vector.extract_strided_slice %convert_element_type3A_9 {offsets = [0, 0], sizes = [3200, 128], strides = [1, 1]} : vector<3200x1152xbf16> to vector<3200x128xbf16>
    %mul3A = arith.mulf %slice3A, %convert_element_type3A : vector<3200x128xbf16>
    %slice3A_10 = vector.extract_strided_slice %convert_element_type3A_9 {offsets = [0, 128], sizes = [3200, 128], strides = [1, 1]} : vector<3200x1152xbf16> to vector<3200x128xbf16>
    %mul3A_11 = arith.mulf %slice3A_10, %convert_element_type3A : vector<3200x128xbf16>
    %slice3A_12 = vector.extract_strided_slice %convert_element_type3A_9 {offsets = [0, 256], sizes = [3200, 128], strides = [1, 1]} : vector<3200x1152xbf16> to vector<3200x128xbf16>
    %mul3A_13 = arith.mulf %slice3A_12, %convert_element_type3A : vector<3200x128xbf16>
    %slice3A_14 = vector.extract_strided_slice %convert_element_type3A_9 {offsets = [0, 384], sizes = [3200, 128], strides = [1, 1]} : vector<3200x1152xbf16> to vector<3200x128xbf16>
    %mul3A_15 = arith.mulf %slice3A_14, %convert_element_type3A : vector<3200x128xbf16>
    %slice3A_16 = vector.extract_strided_slice %convert_element_type3A_9 {offsets = [0, 512], sizes = [3200, 128], strides = [1, 1]} : vector<3200x1152xbf16> to vector<3200x128xbf16>
    %mul3A_17 = arith.mulf %slice3A_16, %convert_element_type3A : vector<3200x128xbf16>
    %slice3A_18 = vector.extract_strided_slice %convert_element_type3A_9 {offsets = [0, 640], sizes = [3200, 128], strides = [1, 1]} : vector<3200x1152xbf16> to vector<3200x128xbf16>
    %mul3A_19 = arith.mulf %slice3A_18, %convert_element_type3A : vector<3200x128xbf16>
    %slice3A_20 = vector.extract_strided_slice %convert_element_type3A_9 {offsets = [0, 768], sizes = [3200, 128], strides = [1, 1]} : vector<3200x1152xbf16> to vector<3200x128xbf16>
    %mul3A_21 = arith.mulf %slice3A_20, %convert_element_type3A : vector<3200x128xbf16>
    %slice3A_22 = vector.extract_strided_slice %convert_element_type3A_9 {offsets = [0, 896], sizes = [3200, 128], strides = [1, 1]} : vector<3200x1152xbf16> to vector<3200x128xbf16>
    %mul3A_23 = arith.mulf %slice3A_22, %convert_element_type3A : vector<3200x128xbf16>
    %slice3A_24 = vector.extract_strided_slice %convert_element_type3A_9 {offsets = [0, 1024], sizes = [3200, 128], strides = [1, 1]} : vector<3200x1152xbf16> to vector<3200x128xbf16>
    %mul3A_25 = arith.mulf %slice3A_24, %convert_element_type3A : vector<3200x128xbf16>
    %concatenate3A = tpu.concatenate %mul3A, %mul3A_11, %mul3A_13, %mul3A_15, %mul3A_17, %mul3A_19, %mul3A_21, %mul3A_23, %mul3A_25 in 1 : vector<3200x128xbf16>, vector<3200x128xbf16>, vector<3200x128xbf16>, vector<3200x128xbf16>, vector<3200x128xbf16>, vector<3200x128xbf16>, vector<3200x128xbf16>, vector<3200x128xbf16>, vector<3200x128xbf16> -> vector<3200x1152xbf16>
    %get3A_26 = arith.constant 0 : index
    %get3A_27 = arith.constant 0 : index
    %get3A_28 = vector.load %arg4[%get3A_26, %get3A_27] : memref<1152x128xbf16, #tpu.memory_space<vmem>>, vector<1152x128xbf16>
    %dot_general3A_29 = arith.constant dense<0.000000e+00> : vector<3200x128xf32>
    %dot_general3A_30 = tpu.matmul %concatenate3A, %get3A_28, %dot_general3A_29 {dimension_numbers = #tpu.dot_dimension_numbers<[1], [0], [0], [1], [0, 0, 1, 1], [], []>, transpose_lhs_hint = false} : vector<3200x1152xbf16>, vector<1152x128xbf16>, vector<3200x128xf32> -> vector<3200x128xf32>
    %swap3A = arith.constant 0 : index
    %swap3A_31 = arith.constant 0 : index
    %swap3A_32 = vector.load %arg5[%swap3A, %swap3A_31] : memref<3200x128xf32, #tpu.memory_space<vmem>>, vector<3200x128xf32>
    tpu.vector_store %arg5[%swap3A, %swap3A_31], %dot_general3A_30 {strides = array<i32>} : memref<3200x128xf32, #tpu.memory_space<vmem>>, vector<3200x128xf32>,
    return
  }
  func.func @transform_0(%arg0: i32) -> (i32, i32) {
    %add3A = arith.constant 0 : i32
    %add3A_0 = arith.addi %arg0, %add3A : i32
    %c0_i32 = arith.constant 0 : i32
    %c0_i32_1 = arith.constant 0 : i32
    return %c0_i32, %add3A_0 : i32, i32
  }
  func.func @transform_1(%arg0: i32) -> (i32, i32) {
    %c0_i32 = arith.constant 0 : i32
    %c0_i32_0 = arith.constant 0 : i32
    return %arg0, %c0_i32 : i32, i32
  }
  func.func @transform_2(%arg0: i32) -> (i32, i32) {
    %c0_i32 = arith.constant 0 : i32
    %c0_i32_0 = arith.constant 0 : i32
    %c0_i32_1 = arith.constant 0 : i32
    return %c0_i32, %c0_i32_0 : i32, i32
  }
  func.func @transform_3(%arg0: i32) -> (i32, i32) {
    %c0_i32 = arith.constant 0 : i32
    %c0_i32_0 = arith.constant 0 : i32
    %c0_i32_1 = arith.constant 0 : i32
    return %c0_i32, %c0_i32_0 : i32, i32
  }
  func.func @transform_4(%arg0: i32) -> (i32, i32) {
    %c0_i32 = arith.constant 0 : i32
    %c0_i32_0 = arith.constant 0 : i32
    return %arg0, %c0_i32 : i32, i32
  }
}

module attributes {stable_mosaic.version = 14 : i64} {
  func.func @_tc_coef_body(%arg0: i32, %arg1: memref<3x3200xf32, #tpu.memory_space<vmem>>, %arg2: memref<8x3200xf32, #tpu.memory_space<vmem>>, %arg3: memref<64x8xf32, #tpu.memory_space<vmem>>, %arg4: memref<64x1xf32, #tpu.memory_space<vmem>>, %arg5: memref<9x64xf32, #tpu.memory_space<vmem>>, %arg6: memref<9x1xf32, #tpu.memory_space<vmem>>, %arg7: memref<9x3200xbf16, #tpu.memory_space<vmem>>) attributes {dimension_semantics = [#tpu.dimension_semantics<arbitrary>], iteration_bounds = array<i64: 50>, scalar_prefetch = 0 : i64, scratch_operands = 0 : i64, tpu.core_type = #tpu.core_type<tc>, window_params = [{transform_indices = @transform_0, window_bounds = array<i64: 3, 3200>}, {transform_indices = @transform_1, window_bounds = array<i64: 8, 3200>}, {pipeline_mode = #tpu.pipeline_mode<synchronous>, transform_indices = @transform_2, window_bounds = array<i64: 64, 8>}, {pipeline_mode = #tpu.pipeline_mode<synchronous>, transform_indices = @transform_3, window_bounds = array<i64: 64, 1>}, {pipeline_mode = #tpu.pipeline_mode<synchronous>, transform_indices = @transform_4, window_bounds = array<i64: 9, 64>}, {pipeline_mode = #tpu.pipeline_mode<synchronous>, transform_indices = @transform_5, window_bounds = array<i64: 9, 1>}, {transform_indices = @transform_6, window_bounds = array<i64: 9, 3200>}]} {
    %get3A = arith.constant 0 : index
    %get3A_0 = arith.constant 0 : index
    %get3A_1 = vector.load %arg1[%get3A, %get3A_0] : memref<3x3200xf32, #tpu.memory_space<vmem>>, vector<3x3200xf32>
    %mul3A = arith.mulf %get3A_1, %get3A_1 : vector<3x3200xf32>
    %reduce_sum3A = arith.constant dense<0.000000e+00> : vector<3200xf32>
    %reduce_sum3A_2 = vector.multi_reduction <add>, %mul3A, %reduce_sum3A [0] : vector<3x3200xf32> to vector<3200xf32>
    %broadcast_in_dim3A = vector.shape_cast %reduce_sum3A_2 : vector<3200xf32> to vector<1x3200xf32>
    %sqrt3A = math.sqrt %broadcast_in_dim3A : vector<1x3200xf32>
    %add3A = arith.constant 9.99999993E-9 : f32
    %add3A_3 = vector.broadcast %add3A : f32 to vector<1x3200xf32>
    %add3A_4 = arith.addf %sqrt3A, %add3A_3 : vector<1x3200xf32>
    %div3A = arith.constant 1.000000e+00 : f32
    %div3A_5 = vector.broadcast %div3A : f32 to vector<1x3200xf32>
    %div3A_6 = arith.divf %div3A_5, %add3A_4 : vector<1x3200xf32>
    %slice3A = vector.extract_strided_slice %get3A_1 {offsets = [0, 0], sizes = [1, 3200], strides = [1, 1]} : vector<3x3200xf32> to vector<1x3200xf32>
    %mul3A_7 = arith.mulf %slice3A, %div3A_6 : vector<1x3200xf32>
    %slice3A_8 = vector.extract_strided_slice %get3A_1 {offsets = [1, 0], sizes = [1, 3200], strides = [1, 1]} : vector<3x3200xf32> to vector<1x3200xf32>
    %mul3A_9 = arith.mulf %slice3A_8, %div3A_6 : vector<1x3200xf32>
    %slice3A_10 = vector.extract_strided_slice %get3A_1 {offsets = [2, 0], sizes = [1, 3200], strides = [1, 1]} : vector<3x3200xf32> to vector<1x3200xf32>
    %mul3A_11 = arith.mulf %slice3A_10, %div3A_6 : vector<1x3200xf32>
    %get3A_12 = arith.constant 0 : index
    %get3A_13 = arith.constant 0 : index
    %get3A_14 = vector.load %arg3[%get3A_12, %get3A_13] : memref<64x8xf32, #tpu.memory_space<vmem>>, vector<64x8xf32>
    %get3A_15 = arith.constant 0 : index
    %get3A_16 = arith.constant 0 : index
    %get3A_17 = vector.load %arg2[%get3A_15, %get3A_16] : memref<8x3200xf32, #tpu.memory_space<vmem>>, vector<8x3200xf32>
    %dot_general3A = arith.constant dense<0.000000e+00> : vector<64x3200xf32>
    %dot_general3A_18 = tpu.matmul %get3A_14, %get3A_17, %dot_general3A {dimension_numbers = #tpu.dot_dimension_numbers<[1], [0], [0], [1], [0, 0, 1, 1], [], []>, transpose_lhs_hint = false} : vector<64x8xf32>, vector<8x3200xf32>, vector<64x3200xf32> -> vector<64x3200xf32>
    %get3A_19 = arith.constant 0 : index
    %get3A_20 = arith.constant 0 : index
    %get3A_21 = vector.load %arg4[%get3A_19, %get3A_20] : memref<64x1xf32, #tpu.memory_space<vmem>>, vector<64x1xf32>
    %add3A_22 = vector.broadcast %get3A_21 : vector<64x1xf32> to vector<64x3200xf32>
    %add3A_23 = arith.addf %dot_general3A_18, %add3A_22 : vector<64x3200xf32>
    %neg3A = arith.constant 0.000000e+00 : f32
    %neg3A_24 = vector.broadcast %neg3A : f32 to vector<64x3200xf32>
    %neg3A_25 = arith.subf %neg3A_24, %add3A_23 : vector<64x3200xf32>
    %exp3A = math.exp %neg3A_25 : vector<64x3200xf32>
    %add3A_26 = arith.constant 1.000000e+00 : f32
    %add3A_27 = vector.broadcast %add3A_26 : f32 to vector<64x3200xf32>
    %add3A_28 = arith.addf %add3A_27, %exp3A : vector<64x3200xf32>
    %div3A_29 = arith.constant 1.000000e+00 : f32
    %div3A_30 = vector.broadcast %div3A_29 : f32 to vector<64x3200xf32>
    %div3A_31 = arith.divf %div3A_30, %add3A_28 : vector<64x3200xf32>
    %mul3A_32 = arith.mulf %add3A_23, %div3A_31 : vector<64x3200xf32>
    %get3A_33 = arith.constant 0 : index
    %get3A_34 = arith.constant 0 : index
    %get3A_35 = vector.load %arg5[%get3A_33, %get3A_34] : memref<9x64xf32, #tpu.memory_space<vmem>>, vector<9x64xf32>
    %dot_general3A_36 = arith.constant dense<0.000000e+00> : vector<9x3200xf32>
    %dot_general3A_37 = tpu.matmul %get3A_35, %mul3A_32, %dot_general3A_36 {dimension_numbers = #tpu.dot_dimension_numbers<[1], [0], [0], [1], [0, 0, 1, 1], [], []>, transpose_lhs_hint = false} : vector<9x64xf32>, vector<64x3200xf32>, vector<9x3200xf32> -> vector<9x3200xf32>
    %get3A_38 = arith.constant 0 : index
    %get3A_39 = arith.constant 0 : index
    %get3A_40 = vector.load %arg6[%get3A_38, %get3A_39] : memref<9x1xf32, #tpu.memory_space<vmem>>, vector<9x1xf32>
    %add3A_41 = vector.broadcast %get3A_40 : vector<9x1xf32> to vector<9x3200xf32>
    %add3A_42 = arith.addf %dot_general3A_37, %add3A_41 : vector<9x3200xf32>
    %broadcast_in_dim3A_43 = arith.constant 1.000000e+00 : f32
    %broadcast_in_dim3A_44 = vector.broadcast %broadcast_in_dim3A_43 : f32 to vector<1x3200xf32>
    %mul3A_45 = arith.mulf %mul3A_7, %mul3A_9 : vector<1x3200xf32>
    %mul3A_46 = arith.mulf %mul3A_9, %mul3A_11 : vector<1x3200xf32>
    %mul3A_47 = arith.constant 3.000000e+00 : f32
    %mul3A_48 = vector.broadcast %mul3A_47 : f32 to vector<1x3200xf32>
    %mul3A_49 = arith.mulf %mul3A_48, %mul3A_11 : vector<1x3200xf32>
    %mul3A_50 = arith.mulf %mul3A_49, %mul3A_11 : vector<1x3200xf32>
    %sub3A = arith.constant 1.000000e+00 : f32
    %sub3A_51 = vector.broadcast %sub3A : f32 to vector<1x3200xf32>
    %sub3A_52 = arith.subf %mul3A_50, %sub3A_51 : vector<1x3200xf32>
    %mul3A_53 = arith.mulf %mul3A_7, %mul3A_11 : vector<1x3200xf32>
    %mul3A_54 = arith.mulf %mul3A_7, %mul3A_7 : vector<1x3200xf32>
    %mul3A_55 = arith.mulf %mul3A_9, %mul3A_9 : vector<1x3200xf32>
    %sub3A_56 = arith.subf %mul3A_54, %mul3A_55 : vector<1x3200xf32>
    %concatenate3A = tpu.concatenate %broadcast_in_dim3A_44, %mul3A_7, %mul3A_9, %mul3A_11, %mul3A_45, %mul3A_46, %sub3A_52, %mul3A_53, %sub3A_56 in 0 : vector<1x3200xf32>, vector<1x3200xf32>, vector<1x3200xf32>, vector<1x3200xf32>, vector<1x3200xf32>, vector<1x3200xf32>, vector<1x3200xf32>, vector<1x3200xf32>, vector<1x3200xf32> -> vector<9x3200xf32>
    %mul3A_57 = arith.mulf %concatenate3A, %add3A_42 : vector<9x3200xf32>
    %convert_element_type3A = arith.truncf %mul3A_57 : vector<9x3200xf32> to vector<9x3200xbf16>
    %swap3A = arith.constant 0 : index
    %swap3A_58 = arith.constant 0 : index
    %swap3A_59 = vector.load %arg7[%swap3A, %swap3A_58] : memref<9x3200xbf16, #tpu.memory_space<vmem>>, vector<9x3200xbf16>
    tpu.vector_store %arg7[%swap3A, %swap3A_58], %convert_element_type3A {strides = array<i32>} : memref<9x3200xbf16, #tpu.memory_space<vmem>>, vector<9x3200xbf16>,
    return
  }
  func.func @transform_0(%arg0: i32) -> (i32, i32) {
    %c0_i32 = arith.constant 0 : i32
    %c0_i32_0 = arith.constant 0 : i32
    return %c0_i32, %arg0 : i32, i32
  }
  func.func @transform_1(%arg0: i32) -> (i32, i32) {
    %c0_i32 = arith.constant 0 : i32
    %c0_i32_0 = arith.constant 0 : i32
    return %c0_i32, %arg0 : i32, i32
  }
  func.func @transform_2(%arg0: i32) -> (i32, i32) {
    %c0_i32 = arith.constant 0 : i32
    %c0_i32_0 = arith.constant 0 : i32
    %c0_i32_1 = arith.constant 0 : i32
    return %c0_i32, %c0_i32_0 : i32, i32
  }
  func.func @transform_3(%arg0: i32) -> (i32, i32) {
    %c0_i32 = arith.constant 0 : i32
    %c0_i32_0 = arith.constant 0 : i32
    %c0_i32_1 = arith.constant 0 : i32
    return %c0_i32, %c0_i32_0 : i32, i32
  }
  func.func @transform_4(%arg0: i32) -> (i32, i32) {
    %c0_i32 = arith.constant 0 : i32
    %c0_i32_0 = arith.constant 0 : i32
    %c0_i32_1 = arith.constant 0 : i32
    return %c0_i32, %c0_i32_0 : i32, i32
  }
  func.func @transform_5(%arg0: i32) -> (i32, i32) {
    %c0_i32 = arith.constant 0 : i32
    %c0_i32_0 = arith.constant 0 : i32
    %c0_i32_1 = arith.constant 0 : i32
    return %c0_i32, %c0_i32_0 : i32, i32
  }
  func.func @transform_6(%arg0: i32) -> (i32, i32) {
    %c0_i32 = arith.constant 0 : i32
    %c0_i32_0 = arith.constant 0 : i32
    return %c0_i32, %arg0 : i32, i32
  }
}

module attributes {stable_mosaic.version = 14 : i64} {
  func.func @_tc_edge_body(%arg0: i32, %arg1: memref<9x3200xbf16, #tpu.memory_space<vmem>>, %arg2: memref<3200x128xf32, #tpu.memory_space<vmem>>, %arg3: memref<9x1152xbf16, #tpu.memory_space<vmem>>, %arg4: memref<1152x128xbf16, #tpu.memory_space<vmem>>, %arg5: memref<3200x128xf32, #tpu.memory_space<vmem>>) attributes {dimension_semantics = [#tpu.dimension_semantics<arbitrary>], iteration_bounds = array<i64: 18>, scalar_prefetch = 0 : i64, scratch_operands = 0 : i64, tpu.core_type = #tpu.core_type<tc>, window_params = [{transform_indices = @transform_0, window_bounds = array<i64: 9, 3200>}, {transform_indices = @transform_1, window_bounds = array<i64: 3200, 128>}, {pipeline_mode = #tpu.pipeline_mode<synchronous>, transform_indices = @transform_2, window_bounds = array<i64: 9, 1152>}, {pipeline_mode = #tpu.pipeline_mode<synchronous>, transform_indices = @transform_3, window_bounds = array<i64: 1152, 128>}, {transform_indices = @transform_4, window_bounds = array<i64: 3200, 128>}]} {
    %get3A = arith.constant 0 : index
    %get3A_0 = arith.constant 0 : index
    %get3A_1 = vector.load %arg2[%get3A, %get3A_0] : memref<3200x128xf32, #tpu.memory_space<vmem>>, vector<3200x128xf32>
    %convert_element_type3A = arith.truncf %get3A_1 : vector<3200x128xf32> to vector<3200x128xbf16>
    %get3A_2 = arith.constant 0 : index
    %get3A_3 = arith.constant 0 : index
    %get3A_4 = vector.load %arg1[%get3A_2, %get3A_3] : memref<9x3200xbf16, #tpu.memory_space<vmem>>, vector<9x3200xbf16>
    %get3A_5 = arith.constant 0 : index
    %get3A_6 = arith.constant 0 : index
    %get3A_7 = vector.load %arg3[%get3A_5, %get3A_6] : memref<9x1152xbf16, #tpu.memory_space<vmem>>, vector<9x1152xbf16>
    %dot_general3A = arith.constant dense<0.000000e+00> : vector<3200x1152xf32>
    %dot_general3A_8 = tpu.matmul %get3A_4, %get3A_7, %dot_general3A {dimension_numbers = #tpu.dot_dimension_numbers<[0], [0], [1], [1], [0, 1, 1, 1], [], []>, transpose_lhs_hint = false} : vector<9x3200xbf16>, vector<9x1152xbf16>, vector<3200x1152xf32> -> vector<3200x1152xf32>
    %convert_element_type3A_9 = arith.truncf %dot_general3A_8 : vector<3200x1152xf32> to vector<3200x1152xbf16>
    %slice3A = vector.extract_strided_slice %convert_element_type3A_9 {offsets = [0, 0], sizes = [3200, 128], strides = [1, 1]} : vector<3200x1152xbf16> to vector<3200x128xbf16>
    %mul3A = arith.mulf %slice3A, %convert_element_type3A : vector<3200x128xbf16>
    %slice3A_10 = vector.extract_strided_slice %convert_element_type3A_9 {offsets = [0, 128], sizes = [3200, 128], strides = [1, 1]} : vector<3200x1152xbf16> to vector<3200x128xbf16>
    %mul3A_11 = arith.mulf %slice3A_10, %convert_element_type3A : vector<3200x128xbf16>
    %slice3A_12 = vector.extract_strided_slice %convert_element_type3A_9 {offsets = [0, 256], sizes = [3200, 128], strides = [1, 1]} : vector<3200x1152xbf16> to vector<3200x128xbf16>
    %mul3A_13 = arith.mulf %slice3A_12, %convert_element_type3A : vector<3200x128xbf16>
    %slice3A_14 = vector.extract_strided_slice %convert_element_type3A_9 {offsets = [0, 384], sizes = [3200, 128], strides = [1, 1]} : vector<3200x1152xbf16> to vector<3200x128xbf16>
    %mul3A_15 = arith.mulf %slice3A_14, %convert_element_type3A : vector<3200x128xbf16>
    %slice3A_16 = vector.extract_strided_slice %convert_element_type3A_9 {offsets = [0, 512], sizes = [3200, 128], strides = [1, 1]} : vector<3200x1152xbf16> to vector<3200x128xbf16>
    %mul3A_17 = arith.mulf %slice3A_16, %convert_element_type3A : vector<3200x128xbf16>
    %slice3A_18 = vector.extract_strided_slice %convert_element_type3A_9 {offsets = [0, 640], sizes = [3200, 128], strides = [1, 1]} : vector<3200x1152xbf16> to vector<3200x128xbf16>
    %mul3A_19 = arith.mulf %slice3A_18, %convert_element_type3A : vector<3200x128xbf16>
    %slice3A_20 = vector.extract_strided_slice %convert_element_type3A_9 {offsets = [0, 768], sizes = [3200, 128], strides = [1, 1]} : vector<3200x1152xbf16> to vector<3200x128xbf16>
    %mul3A_21 = arith.mulf %slice3A_20, %convert_element_type3A : vector<3200x128xbf16>
    %slice3A_22 = vector.extract_strided_slice %convert_element_type3A_9 {offsets = [0, 896], sizes = [3200, 128], strides = [1, 1]} : vector<3200x1152xbf16> to vector<3200x128xbf16>
    %mul3A_23 = arith.mulf %slice3A_22, %convert_element_type3A : vector<3200x128xbf16>
    %slice3A_24 = vector.extract_strided_slice %convert_element_type3A_9 {offsets = [0, 1024], sizes = [3200, 128], strides = [1, 1]} : vector<3200x1152xbf16> to vector<3200x128xbf16>
    %mul3A_25 = arith.mulf %slice3A_24, %convert_element_type3A : vector<3200x128xbf16>
    %concatenate3A = tpu.concatenate %mul3A, %mul3A_11, %mul3A_13, %mul3A_15, %mul3A_17, %mul3A_19, %mul3A_21, %mul3A_23, %mul3A_25 in 1 : vector<3200x128xbf16>, vector<3200x128xbf16>, vector<3200x128xbf16>, vector<3200x128xbf16>, vector<3200x128xbf16>, vector<3200x128xbf16>, vector<3200x128xbf16>, vector<3200x128xbf16>, vector<3200x128xbf16> -> vector<3200x1152xbf16>
    %get3A_26 = arith.constant 0 : index
    %get3A_27 = arith.constant 0 : index
    %get3A_28 = vector.load %arg4[%get3A_26, %get3A_27] : memref<1152x128xbf16, #tpu.memory_space<vmem>>, vector<1152x128xbf16>
    %dot_general3A_29 = arith.constant dense<0.000000e+00> : vector<3200x128xf32>
    %dot_general3A_30 = tpu.matmul %concatenate3A, %get3A_28, %dot_general3A_29 {dimension_numbers = #tpu.dot_dimension_numbers<[1], [0], [0], [1], [0, 0, 1, 1], [], []>, transpose_lhs_hint = false} : vector<3200x1152xbf16>, vector<1152x128xbf16>, vector<3200x128xf32> -> vector<3200x128xf32>
    %swap3A = arith.constant 0 : index
    %swap3A_31 = arith.constant 0 : index
    %swap3A_32 = vector.load %arg5[%swap3A, %swap3A_31] : memref<3200x128xf32, #tpu.memory_space<vmem>>, vector<3200x128xf32>
    tpu.vector_store %arg5[%swap3A, %swap3A_31], %dot_general3A_30 {strides = array<i32>} : memref<3200x128xf32, #tpu.memory_space<vmem>>, vector<3200x128xf32>,
    return
  }
  func.func @transform_0(%arg0: i32) -> (i32, i32) {
    %add3A = arith.constant 32 : i32
    %add3A_0 = arith.addi %arg0, %add3A : i32
    %c0_i32 = arith.constant 0 : i32
    %c0_i32_1 = arith.constant 0 : i32
    return %c0_i32, %add3A_0 : i32, i32
  }
  func.func @transform_1(%arg0: i32) -> (i32, i32) {
    %c0_i32 = arith.constant 0 : i32
    %c0_i32_0 = arith.constant 0 : i32
    return %arg0, %c0_i32 : i32, i32
  }
  func.func @transform_2(%arg0: i32) -> (i32, i32) {
    %c0_i32 = arith.constant 0 : i32
    %c0_i32_0 = arith.constant 0 : i32
    %c0_i32_1 = arith.constant 0 : i32
    return %c0_i32, %c0_i32_0 : i32, i32
  }
  func.func @transform_3(%arg0: i32) -> (i32, i32) {
    %c0_i32 = arith.constant 0 : i32
    %c0_i32_0 = arith.constant 0 : i32
    %c0_i32_1 = arith.constant 0 : i32
    return %c0_i32, %c0_i32_0 : i32, i32
  }
  func.func @transform_4(%arg0: i32) -> (i32, i32) {
    %c0_i32 = arith.constant 0 : i32
    %c0_i32_0 = arith.constant 0 : i32
    return %arg0, %c0_i32 : i32, i32
  }
}

module attributes {stable_mosaic.version = 14 : i64} {
  func.func @_tc_node_body(%arg0: i32, %arg1: memref<1000x128xf32, #tpu.memory_space<vmem>>, %arg2: memref<1000x128xf32, #tpu.memory_space<vmem>>, %arg3: memref<1000x128xf32, #tpu.memory_space<vmem>>, %arg4: memref<1000x128xf32, #tpu.memory_space<vmem>>, %arg5: memref<1000x128xf32, #tpu.memory_space<vmem>>, %arg6: memref<1000x1xi32, #tpu.memory_space<vmem>>, %arg7: memref<1280x128xf32, #tpu.memory_space<vmem>>, %arg8: memref<10x384xf32, #tpu.memory_space<vmem>>, %arg9: memref<128x128xf32, #tpu.memory_space<vmem>>, %arg10: memref<128x1xf32, #tpu.memory_space<vmem>>, %arg11: memref<1000x1xf32, #tpu.memory_space<vmem>>, %arg12: memref<1000x128xf32, #tpu.memory_space<vmem>>) attributes {dimension_semantics = [#tpu.dimension_semantics<arbitrary>], iteration_bounds = array<i64: 10>, scalar_prefetch = 0 : i64, scratch_operands = 0 : i64, tpu.core_type = #tpu.core_type<tc>, window_params = [{transform_indices = @transform_0, window_bounds = array<i64: 1000, 128>}, {transform_indices = @transform_1, window_bounds = array<i64: 1000, 128>}, {transform_indices = @transform_2, window_bounds = array<i64: 1000, 128>}, {transform_indices = @transform_3, window_bounds = array<i64: 1000, 128>}, {transform_indices = @transform_4, window_bounds = array<i64: 1000, 128>}, {transform_indices = @transform_5, window_bounds = array<i64: 1000, 1>}, {pipeline_mode = #tpu.pipeline_mode<synchronous>, transform_indices = @transform_6, window_bounds = array<i64: 1280, 128>}, {pipeline_mode = #tpu.pipeline_mode<synchronous>, transform_indices = @transform_7, window_bounds = array<i64: 10, 384>}, {pipeline_mode = #tpu.pipeline_mode<synchronous>, transform_indices = @transform_8, window_bounds = array<i64: 128, 128>}, {pipeline_mode = #tpu.pipeline_mode<synchronous>, transform_indices = @transform_9, window_bounds = array<i64: 128, 1>}, {transform_indices = @transform_10, window_bounds = array<i64: 1000, 1>}, {transform_indices = @transform_11, window_bounds = array<i64: 1000, 128>}]} {
    %get3A = arith.constant 0 : index
    %get3A_0 = arith.constant 0 : index
    %get3A_1 = vector.load %arg1[%get3A, %get3A_0] : memref<1000x128xf32, #tpu.memory_space<vmem>>, vector<1000x128xf32>
    %get3A_2 = arith.constant 0 : index
    %get3A_3 = arith.constant 0 : index
    %get3A_4 = vector.load %arg2[%get3A_2, %get3A_3] : memref<1000x128xf32, #tpu.memory_space<vmem>>, vector<1000x128xf32>
    %add3A = arith.addf %get3A_1, %get3A_4 : vector<1000x128xf32>
    %get3A_5 = arith.constant 0 : index
    %get3A_6 = arith.constant 0 : index
    %get3A_7 = vector.load %arg3[%get3A_5, %get3A_6] : memref<1000x128xf32, #tpu.memory_space<vmem>>, vector<1000x128xf32>
    %get3A_8 = arith.constant 0 : index
    %get3A_9 = arith.constant 0 : index
    %get3A_10 = vector.load %arg4[%get3A_8, %get3A_9] : memref<1000x128xf32, #tpu.memory_space<vmem>>, vector<1000x128xf32>
    %add3A_11 = arith.addf %get3A_7, %get3A_10 : vector<1000x128xf32>
    %add3A_12 = arith.addf %add3A, %add3A_11 : vector<1000x128xf32>
    %mul3A = arith.constant 2.500000e-01 : f32
    %mul3A_13 = vector.broadcast %mul3A : f32 to vector<1000x128xf32>
    %mul3A_14 = arith.mulf %add3A_12, %mul3A_13 : vector<1000x128xf32>
    %get3A_15 = arith.constant 0 : index
    %get3A_16 = arith.constant 0 : index
    %get3A_17 = vector.load %arg6[%get3A_15, %get3A_16] : memref<1000x1xi32, #tpu.memory_space<vmem>>, vector<1000x1xi32>
    %get3A_18 = arith.constant 0 : index
    %get3A_19 = arith.constant 0 : index
    %get3A_20 = vector.load %arg5[%get3A_18, %get3A_19] : memref<1000x128xf32, #tpu.memory_space<vmem>>, vector<1000x128xf32>
    %eq3A = arith.constant 0 : i32
    %eq3A_21 = vector.broadcast %eq3A : i32 to vector<1000x1xi32>
    %eq3A_22 = arith.cmpi eq, %get3A_17, %eq3A_21 : vector<1000x1xi32>
    %jit3A = arith.constant 0.000000e+00 : f32
    %broadcast_in_dim3A = vector.shape_cast %eq3A_22 : vector<1000x1xi1> to vector<1000x1xi1>
    %broadcast_in_dim3A_23 = vector.broadcast %broadcast_in_dim3A : vector<1000x1xi1> to vector<1000x128xi1>
    %broadcast_in_dim3A_24 = vector.broadcast %jit3A : f32 to vector<1000x128xf32>
    %select_n3A = arith.select %broadcast_in_dim3A_23, %get3A_20, %broadcast_in_dim3A_24 : vector<1000x128xi1>, vector<1000x128xf32>
    %eq3A_25 = arith.constant 1 : i32
    %eq3A_26 = vector.broadcast %eq3A_25 : i32 to vector<1000x1xi32>
    %eq3A_27 = arith.cmpi eq, %get3A_17, %eq3A_26 : vector<1000x1xi32>
    %jit3A_28 = arith.constant 0.000000e+00 : f32
    %broadcast_in_dim3A_29 = vector.shape_cast %eq3A_27 : vector<1000x1xi1> to vector<1000x1xi1>
    %broadcast_in_dim3A_30 = vector.broadcast %broadcast_in_dim3A_29 : vector<1000x1xi1> to vector<1000x128xi1>
    %broadcast_in_dim3A_31 = vector.broadcast %jit3A_28 : f32 to vector<1000x128xf32>
    %select_n3A_32 = arith.select %broadcast_in_dim3A_30, %get3A_20, %broadcast_in_dim3A_31 : vector<1000x128xi1>, vector<1000x128xf32>
    %eq3A_33 = arith.constant 2 : i32
    %eq3A_34 = vector.broadcast %eq3A_33 : i32 to vector<1000x1xi32>
    %eq3A_35 = arith.cmpi eq, %get3A_17, %eq3A_34 : vector<1000x1xi32>
    %jit3A_36 = arith.constant 0.000000e+00 : f32
    %broadcast_in_dim3A_37 = vector.shape_cast %eq3A_35 : vector<1000x1xi1> to vector<1000x1xi1>
    %broadcast_in_dim3A_38 = vector.broadcast %broadcast_in_dim3A_37 : vector<1000x1xi1> to vector<1000x128xi1>
    %broadcast_in_dim3A_39 = vector.broadcast %jit3A_36 : f32 to vector<1000x128xf32>
    %select_n3A_40 = arith.select %broadcast_in_dim3A_38, %get3A_20, %broadcast_in_dim3A_39 : vector<1000x128xi1>, vector<1000x128xf32>
    %eq3A_41 = arith.constant 3 : i32
    %eq3A_42 = vector.broadcast %eq3A_41 : i32 to vector<1000x1xi32>
    %eq3A_43 = arith.cmpi eq, %get3A_17, %eq3A_42 : vector<1000x1xi32>
    %jit3A_44 = arith.constant 0.000000e+00 : f32
    %broadcast_in_dim3A_45 = vector.shape_cast %eq3A_43 : vector<1000x1xi1> to vector<1000x1xi1>
    %broadcast_in_dim3A_46 = vector.broadcast %broadcast_in_dim3A_45 : vector<1000x1xi1> to vector<1000x128xi1>
    %broadcast_in_dim3A_47 = vector.broadcast %jit3A_44 : f32 to vector<1000x128xf32>
    %select_n3A_48 = arith.select %broadcast_in_dim3A_46, %get3A_20, %broadcast_in_dim3A_47 : vector<1000x128xi1>, vector<1000x128xf32>
    %eq3A_49 = arith.constant 4 : i32
    %eq3A_50 = vector.broadcast %eq3A_49 : i32 to vector<1000x1xi32>
    %eq3A_51 = arith.cmpi eq, %get3A_17, %eq3A_50 : vector<1000x1xi32>
    %jit3A_52 = arith.constant 0.000000e+00 : f32
    %broadcast_in_dim3A_53 = vector.shape_cast %eq3A_51 : vector<1000x1xi1> to vector<1000x1xi1>
    %broadcast_in_dim3A_54 = vector.broadcast %broadcast_in_dim3A_53 : vector<1000x1xi1> to vector<1000x128xi1>
    %broadcast_in_dim3A_55 = vector.broadcast %jit3A_52 : f32 to vector<1000x128xf32>
    %select_n3A_56 = arith.select %broadcast_in_dim3A_54, %get3A_20, %broadcast_in_dim3A_55 : vector<1000x128xi1>, vector<1000x128xf32>
    %eq3A_57 = arith.constant 5 : i32
    %eq3A_58 = vector.broadcast %eq3A_57 : i32 to vector<1000x1xi32>
    %eq3A_59 = arith.cmpi eq, %get3A_17, %eq3A_58 : vector<1000x1xi32>
    %jit3A_60 = arith.constant 0.000000e+00 : f32
    %broadcast_in_dim3A_61 = vector.shape_cast %eq3A_59 : vector<1000x1xi1> to vector<1000x1xi1>
    %broadcast_in_dim3A_62 = vector.broadcast %broadcast_in_dim3A_61 : vector<1000x1xi1> to vector<1000x128xi1>
    %broadcast_in_dim3A_63 = vector.broadcast %jit3A_60 : f32 to vector<1000x128xf32>
    %select_n3A_64 = arith.select %broadcast_in_dim3A_62, %get3A_20, %broadcast_in_dim3A_63 : vector<1000x128xi1>, vector<1000x128xf32>
    %eq3A_65 = arith.constant 6 : i32
    %eq3A_66 = vector.broadcast %eq3A_65 : i32 to vector<1000x1xi32>
    %eq3A_67 = arith.cmpi eq, %get3A_17, %eq3A_66 : vector<1000x1xi32>
    %jit3A_68 = arith.constant 0.000000e+00 : f32
    %broadcast_in_dim3A_69 = vector.shape_cast %eq3A_67 : vector<1000x1xi1> to vector<1000x1xi1>
    %broadcast_in_dim3A_70 = vector.broadcast %broadcast_in_dim3A_69 : vector<1000x1xi1> to vector<1000x128xi1>
    %broadcast_in_dim3A_71 = vector.broadcast %jit3A_68 : f32 to vector<1000x128xf32>
    %select_n3A_72 = arith.select %broadcast_in_dim3A_70, %get3A_20, %broadcast_in_dim3A_71 : vector<1000x128xi1>, vector<1000x128xf32>
    %eq3A_73 = arith.constant 7 : i32
    %eq3A_74 = vector.broadcast %eq3A_73 : i32 to vector<1000x1xi32>
    %eq3A_75 = arith.cmpi eq, %get3A_17, %eq3A_74 : vector<1000x1xi32>
    %jit3A_76 = arith.constant 0.000000e+00 : f32
    %broadcast_in_dim3A_77 = vector.shape_cast %eq3A_75 : vector<1000x1xi1> to vector<1000x1xi1>
    %broadcast_in_dim3A_78 = vector.broadcast %broadcast_in_dim3A_77 : vector<1000x1xi1> to vector<1000x128xi1>
    %broadcast_in_dim3A_79 = vector.broadcast %jit3A_76 : f32 to vector<1000x128xf32>
    %select_n3A_80 = arith.select %broadcast_in_dim3A_78, %get3A_20, %broadcast_in_dim3A_79 : vector<1000x128xi1>, vector<1000x128xf32>
    %eq3A_81 = arith.constant 8 : i32
    %eq3A_82 = vector.broadcast %eq3A_81 : i32 to vector<1000x1xi32>
    %eq3A_83 = arith.cmpi eq, %get3A_17, %eq3A_82 : vector<1000x1xi32>
    %jit3A_84 = arith.constant 0.000000e+00 : f32
    %broadcast_in_dim3A_85 = vector.shape_cast %eq3A_83 : vector<1000x1xi1> to vector<1000x1xi1>
    %broadcast_in_dim3A_86 = vector.broadcast %broadcast_in_dim3A_85 : vector<1000x1xi1> to vector<1000x128xi1>
    %broadcast_in_dim3A_87 = vector.broadcast %jit3A_84 : f32 to vector<1000x128xf32>
    %select_n3A_88 = arith.select %broadcast_in_dim3A_86, %get3A_20, %broadcast_in_dim3A_87 : vector<1000x128xi1>, vector<1000x128xf32>
    %eq3A_89 = arith.constant 9 : i32
    %eq3A_90 = vector.broadcast %eq3A_89 : i32 to vector<1000x1xi32>
    %eq3A_91 = arith.cmpi eq, %get3A_17, %eq3A_90 : vector<1000x1xi32>
    %jit3A_92 = arith.constant 0.000000e+00 : f32
    %broadcast_in_dim3A_93 = vector.shape_cast %eq3A_91 : vector<1000x1xi1> to vector<1000x1xi1>
    %broadcast_in_dim3A_94 = vector.broadcast %broadcast_in_dim3A_93 : vector<1000x1xi1> to vector<1000x128xi1>
    %broadcast_in_dim3A_95 = vector.broadcast %jit3A_92 : f32 to vector<1000x128xf32>
    %select_n3A_96 = arith.select %broadcast_in_dim3A_94, %get3A_20, %broadcast_in_dim3A_95 : vector<1000x128xi1>, vector<1000x128xf32>
    %concatenate3A = tpu.concatenate %select_n3A, %select_n3A_32, %select_n3A_40, %select_n3A_48, %select_n3A_56, %select_n3A_64, %select_n3A_72, %select_n3A_80, %select_n3A_88, %select_n3A_96 in 1 : vector<1000x128xf32>, vector<1000x128xf32>, vector<1000x128xf32>, vector<1000x128xf32>, vector<1000x128xf32>, vector<1000x128xf32>, vector<1000x128xf32>, vector<1000x128xf32>, vector<1000x128xf32>, vector<1000x128xf32> -> vector<1000x1280xf32>
    %get3A_97 = arith.constant 0 : index
    %get3A_98 = arith.constant 0 : index
    %get3A_99 = vector.load %arg7[%get3A_97, %get3A_98] : memref<1280x128xf32, #tpu.memory_space<vmem>>, vector<1280x128xf32>
    %dot_general3A = arith.constant dense<0.000000e+00> : vector<1000x128xf32>
    %dot_general3A_100 = tpu.matmul %concatenate3A, %get3A_99, %dot_general3A {dimension_numbers = #tpu.dot_dimension_numbers<[1], [0], [0], [1], [0, 0, 1, 1], [], []>, transpose_lhs_hint = false} : vector<1000x1280xf32>, vector<1280x128xf32>, vector<1000x128xf32> -> vector<1000x128xf32>
    %iota3A = tpu.iota {dimensions = array<i32: 1>} : vector<1x10xi32>
    %eq3A_101 = vector.broadcast %get3A_17 : vector<1000x1xi32> to vector<1000x10xi32>
    %eq3A_102 = vector.broadcast %iota3A : vector<1x10xi32> to vector<1000x10xi32>
    %eq3A_103 = arith.cmpi eq, %eq3A_101, %eq3A_102 : vector<1000x10xi32>
    %convert_element_type3A = arith.extui %eq3A_103 : vector<1000x10xi1> to vector<1000x10xi32>
    %convert_element_type3A_104 = arith.sitofp %convert_element_type3A : vector<1000x10xi32> to vector<1000x10xf32>
    %get3A_105 = arith.constant 0 : index
    %get3A_106 = arith.constant 0 : index
    %get3A_107 = vector.load %arg8[%get3A_105, %get3A_106] : memref<10x384xf32, #tpu.memory_space<vmem>>, vector<10x384xf32>
    %dot_general3A_108 = arith.constant dense<0.000000e+00> : vector<1000x384xf32>
    %dot_general3A_109 = tpu.matmul %convert_element_type3A_104, %get3A_107, %dot_general3A_108 {dimension_numbers = #tpu.dot_dimension_numbers<[1], [0], [0], [1], [0, 0, 1, 1], [], []>, transpose_lhs_hint = false} : vector<1000x10xf32>, vector<10x384xf32>, vector<1000x384xf32> -> vector<1000x384xf32>
    %slice3A = vector.extract_strided_slice %dot_general3A_109 {offsets = [0, 0], sizes = [1000, 128], strides = [1, 1]} : vector<1000x384xf32> to vector<1000x128xf32>
    %slice3A_110 = vector.extract_strided_slice %dot_general3A_109 {offsets = [0, 128], sizes = [1000, 128], strides = [1, 1]} : vector<1000x384xf32> to vector<1000x128xf32>
    %slice3A_111 = vector.extract_strided_slice %dot_general3A_109 {offsets = [0, 256], sizes = [1000, 128], strides = [1, 1]} : vector<1000x384xf32> to vector<1000x128xf32>
    %mul3A_112 = arith.mulf %slice3A_110, %mul3A_14 : vector<1000x128xf32>
    %add3A_113 = arith.addf %slice3A, %mul3A_112 : vector<1000x128xf32>
    %mul3A_114 = arith.mulf %mul3A_14, %mul3A_14 : vector<1000x128xf32>
    %mul3A_115 = arith.mulf %slice3A_111, %mul3A_114 : vector<1000x128xf32>
    %add3A_116 = arith.addf %add3A_113, %mul3A_115 : vector<1000x128xf32>
    %mul3A_117 = arith.mulf %add3A_116, %mul3A_14 : vector<1000x128xf32>
    %get3A_118 = arith.constant 0 : index
    %get3A_119 = arith.constant 0 : index
    %get3A_120 = vector.load %arg9[%get3A_118, %get3A_119] : memref<128x128xf32, #tpu.memory_space<vmem>>, vector<128x128xf32>
    %dot_general3A_121 = arith.constant dense<0.000000e+00> : vector<1000x128xf32>
    %dot_general3A_122 = tpu.matmul %mul3A_117, %get3A_120, %dot_general3A_121 {dimension_numbers = #tpu.dot_dimension_numbers<[1], [0], [0], [1], [0, 0, 1, 1], [], []>, transpose_lhs_hint = false} : vector<1000x128xf32>, vector<128x128xf32>, vector<1000x128xf32> -> vector<1000x128xf32>
    %add3A_123 = arith.addf %dot_general3A_122, %dot_general3A_100 : vector<1000x128xf32>
    %swap3A = arith.constant 0 : index
    %swap3A_124 = arith.constant 0 : index
    %swap3A_125 = vector.load %arg12[%swap3A, %swap3A_124] : memref<1000x128xf32, #tpu.memory_space<vmem>>, vector<1000x128xf32>
    tpu.vector_store %arg12[%swap3A, %swap3A_124], %add3A_123 {strides = array<i32>} : memref<1000x128xf32, #tpu.memory_space<vmem>>, vector<1000x128xf32>,
    %get3A_126 = arith.constant 0 : index
    %get3A_127 = arith.constant 0 : index
    %get3A_128 = vector.load %arg10[%get3A_126, %get3A_127] : memref<128x1xf32, #tpu.memory_space<vmem>>, vector<128x1xf32>
    %dot_general3A_129 = arith.constant dense<0.000000e+00> : vector<1000x1xf32>
    %dot_general3A_130 = tpu.matmul %add3A_123, %get3A_128, %dot_general3A_129 {dimension_numbers = #tpu.dot_dimension_numbers<[1], [0], [0], [1], [0, 0, 1, 1], [], []>, transpose_lhs_hint = false} : vector<1000x128xf32>, vector<128x1xf32>, vector<1000x1xf32> -> vector<1000x1xf32>
    %swap3A_131 = arith.constant 0 : index
    %swap3A_132 = arith.constant 0 : index
    %swap3A_133 = vector.load %arg11[%swap3A_131, %swap3A_132] : memref<1000x1xf32, #tpu.memory_space<vmem>>, vector<1000x1xf32>
    tpu.vector_store %arg11[%swap3A_131, %swap3A_132], %dot_general3A_130 {strides = array<i32>} : memref<1000x1xf32, #tpu.memory_space<vmem>>, vector<1000x1xf32>,
    return
  }
  func.func @transform_0(%arg0: i32) -> (i32, i32) {
    %c0_i32 = arith.constant 0 : i32
    %c0_i32_0 = arith.constant 0 : i32
    return %arg0, %c0_i32 : i32, i32
  }
  func.func @transform_1(%arg0: i32) -> (i32, i32) {
    %c0_i32 = arith.constant 0 : i32
    %c0_i32_0 = arith.constant 0 : i32
    return %arg0, %c0_i32 : i32, i32
  }
  func.func @transform_2(%arg0: i32) -> (i32, i32) {
    %c0_i32 = arith.constant 0 : i32
    %c0_i32_0 = arith.constant 0 : i32
    return %arg0, %c0_i32 : i32, i32
  }
  func.func @transform_3(%arg0: i32) -> (i32, i32) {
    %c0_i32 = arith.constant 0 : i32
    %c0_i32_0 = arith.constant 0 : i32
    return %arg0, %c0_i32 : i32, i32
  }
  func.func @transform_4(%arg0: i32) -> (i32, i32) {
    %c0_i32 = arith.constant 0 : i32
    %c0_i32_0 = arith.constant 0 : i32
    return %arg0, %c0_i32 : i32, i32
  }
  func.func @transform_5(%arg0: i32) -> (i32, i32) {
    %c0_i32 = arith.constant 0 : i32
    %c0_i32_0 = arith.constant 0 : i32
    return %arg0, %c0_i32 : i32, i32
  }
  func.func @transform_6(%arg0: i32) -> (i32, i32) {
    %c0_i32 = arith.constant 0 : i32
    %c0_i32_0 = arith.constant 0 : i32
    %c0_i32_1 = arith.constant 0 : i32
    return %c0_i32, %c0_i32_0 : i32, i32
  }
  func.func @transform_7(%arg0: i32) -> (i32, i32) {
    %c0_i32 = arith.constant 0 : i32
    %c0_i32_0 = arith.constant 0 : i32
    %c0_i32_1 = arith.constant 0 : i32
    return %c0_i32, %c0_i32_0 : i32, i32
  }
  func.func @transform_8(%arg0: i32) -> (i32, i32) {
    %c0_i32 = arith.constant 0 : i32
    %c0_i32_0 = arith.constant 0 : i32
    %c0_i32_1 = arith.constant 0 : i32
    return %c0_i32, %c0_i32_0 : i32, i32
  }
  func.func @transform_9(%arg0: i32) -> (i32, i32) {
    %c0_i32 = arith.constant 0 : i32
    %c0_i32_0 = arith.constant 0 : i32
    %c0_i32_1 = arith.constant 0 : i32
    return %c0_i32, %c0_i32_0 : i32, i32
  }
  func.func @transform_10(%arg0: i32) -> (i32, i32) {
    %c0_i32 = arith.constant 0 : i32
    %c0_i32_0 = arith.constant 0 : i32
    return %arg0, %c0_i32 : i32, i32
  }
  func.func @transform_11(%arg0: i32) -> (i32, i32) {
    %c0_i32 = arith.constant 0 : i32
    %c0_i32_0 = arith.constant 0 : i32
    return %arg0, %c0_i32 : i32, i32
  }
}

</mosaic_0001>

<sc_bundles>
// kernel: kernel.10.cloned.1.call-start
scs
__scs_entry_jumppad:
0x0: {  	(pc) =	sbr.rel $0x88, $3  }
0x1: {  	(tag) =	ssettag $0x0;
	lr =	simm.s32 $0x1  }
0x2: {  	[smem:$0x3F92] =	sst lr;
	_ =	strace $0xD0000000  }
0x3: {  	_ = 	snop  }
0x4: {  	_ = 	snop  }
0x5: {  	_ = 	snop  }
0x6: {  	_ = 	snop  }
0x7: {  	_ = 	snop  }
__scs_overlays_trampoline_lowered:
0x8: {  	[smem:$0x3FA1] =	sst s0  }
0x9: {  	[smem:$0x3FA2] =	sst s1  }
0xa: {  	[smem:$0x3FA3] =	sst s2  }
0xb: {  	[smem:$0x3FA4] =	sst s3  }
0xc: {  	[smem:$0x3FA5] =	sst s4  }
0xd: {  	[smem:$0x3FA6] =	sst s5  }
0xe: {  	[smem:$0x3FA7] =	sst s6  }
0xf: {  	[smem:$0x3FA8] =	sst s7  }
0x10: {  	[smem:$0x3FA9] =	sst s8  }
0x11: {  	[smem:$0x3FAA] =	sst s9;
	s0 =	simm.s32 @!p0 $0x0  }
0x12: {  	s1 =	sld [smem:$0x3F90];
	s0 =	simm.s32 @p0 $0x1  }
0x13: {  	[smem:$0x3FAB] =	sst s0;
	s0 =	simm.s32 @!p1 $0x0  }
0x14: {  	s2 =	sld [smem:$0x3F8F];
	s0 =	simm.s32 @p1 $0x1  }
0x15: {  	[smem:$0x3FAC] =	sst s0;
	s0 =	simm.s32 @!p2 $0x0  }
0x16: {  	s3 =	sld [smem:$0x3FDB];
	s0 =	simm.s32 @p2 $0x1  }
0x17: {  	s4 =	simm.s32 $0x1BF5;
	[smem:$0x3FAE] =	sst s0  }
0x18: {  	s0 =	sld [smem:$0x3F91];
	_ =	swait.ge [sflag:s4], $0x0  }
0x19: {  	s7 =	sld [smem:$0x3F92]  }
0x1a: {  	s8 =	sadd.s32 $0xFFFFE003, lr  }
0x1b: {  	s9 =	sadd.s32 $0xFFFFFEF7, lr;
	s5 =	simm.s32 $0xFFFFFFFF;
	p2 =	slt.u32 s8, $0xFFFFF086  }
0x1c: {  	p1 =	slt.u32 s9, $0xF7A;
	s5 =	simm.s32 @!p2 $0x0  }
0x1d: {  	s5 =	simm.s32 @p1 $0x1;
	p0 =	seq.s32 s7, s2  }
0x1e: {  	s7 =	smul.u32 @!p0 $0xF7A, s2;
	p2 =	seq.s32 @!p0 s5, $0x0  }
0x1f: {  	s9 =	smul.u32 $0xF7A, s1;
	s8 =	simm.s32 @!p0 $0x1BF5;
	p2 =	por !p2, p0  }
0x20: {  	[sflag:s8] =	ssyncset.s32 @!p0 $0xFFFFF086;
	s6 =	sadd.s32 @!p0 s3, s7;
	s7 =	simm.s32 @!p0 $0x108  }
0x21: {  	s3 =	sadd.s32 s3, s9;
	s6 =	sadd.s32 @!p0 $0x88, s6;
	s7 =	simm.s32 @p2 $0x1082  }
0x22: {  	[simem:s7], [sflag:s8] =	dma.local @!p0 [hbm:s6], $0xF7A  }
0x23: {  	s9 =	sor.u32 $0xD0000000, s2;
	s6 =	simm.s32 $0x108;
	_ =	swait.ge @!p0 [sflag:s8], $0x0  }
0x24: {  	s3 =	sadd.s32 $0x88, s3;
	s6 =	simm.s32 @!p1 $0x1082;
	[sflag:s4] =	ssyncset.s32 $0xFFFFF086  }
0x25: {  	[simem:s6], [sflag:s4] =	dma.local [hbm:s3], $0xF7A  }
0x26: {  	[smem:$0x3F92] =	sst s1;
	(tag) =	ssettag s2;
	_ =	strace s9  }
0x27: {  	s1 =	sld [smem:$0x3FA2]  }
0x28: {  	s2 =	sld [smem:$0x3FA3]  }
0x29: {  	s4 =	sld [smem:$0x3FA5]  }
0x2a: {  	p0 =	seq.s32 s5, $0x0;
	s5 =	sld [smem:$0x3FA6]  }
0x2b: {  	s6 =	sld [smem:$0x3FA7]  }
0x2c: {  	s7 =	sld [smem:$0x3FA8]  }
0x2d: {  	s3 =	simm.s32 $0x108;
	s8 =	sld [smem:$0x3FA9]  }
0x2e: {  	s3 =	simm.s32 @!p0 $0x1082;
	s9 =	sld [smem:$0x3FAA]  }
0x2f: {  	lr =	sadd.s32 s0, s3;
	s0 =	sld [smem:$0x3FA1]  }
0x30: {  	s3 =	sld [smem:$0x3FA4]  }
0x31: {  	[smem:$0x3FAD] =	sst s10  }
0x32: {  	s10 =	sld [smem:$0x3FAB];
	_ =	sdelay $0x3  }
0x33: {  	p0 =	seq.s32 s10, $0x1;
	s10 =	sld [smem:$0x3FAD];
	_ =	sdelay $0x3  }
0x34: {  	[smem:$0x3FAD] =	sst s10  }
0x35: {  	s10 =	sld [smem:$0x3FAC];
	_ =	sdelay $0x3  }
0x36: {  	p1 =	seq.s32 s10, $0x1;
	s10 =	sld [smem:$0x3FAD];
	_ =	sdelay $0x3  }
0x37: {  	[smem:$0x3FAD] =	sst s10  }
0x38: {  	s10 =	sld [smem:$0x3FAE]  }
0x39: {  	_ = 	snop;
	(pc) =	sbr.ind lr, $3  }
0x3a: {  	_ = 	snop  }
0x3b: {  	_ = 	snop  }
0x3c: {  	p2 =	seq.s32 s10, $0x1;
	s10 =	sld [smem:$0x3FAD]  }
0x3d: {  	_ =	shalt  }
0x3e: {  	_ =	shalt  }
0x3f: {  	_ =	shalt  }
0x40: {  	_ =	shalt  }
0x41: {  	_ =	shalt  }
0x42: {  	_ =	shalt  }
0x43: {  	_ =	shalt  }
0x44: {  	_ =	shalt  }
0x45: {  	_ =	shalt  }
0x46: {  	_ =	shalt  }
0x47: {  	_ =	shalt  }
0x48: {  	_ =	shalt  }
0x49: {  	_ =	shalt  }
0x4a: {  	_ =	shalt  }
0x4b: {  	_ =	shalt  }
0x4c: {  	_ =	shalt  }
0x4d: {  	_ =	shalt  }
0x4e: {  	_ =	shalt  }
0x4f: {  	_ =	shalt  }
0x50: {  	_ =	shalt  }
0x51: {  	_ =	shalt  }
0x52: {  	_ =	shalt  }
0x53: {  	_ =	shalt  }
0x54: {  	_ =	shalt  }
0x55: {  	_ =	shalt  }
0x56: {  	_ =	shalt  }
0x57: {  	_ =	shalt  }
0x58: {  	_ =	shalt  }
0x59: {  	_ =	shalt  }
0x5a: {  	_ =	shalt  }
0x5b: {  	_ =	shalt  }
0x5c: {  	_ =	shalt  }
0x5d: {  	_ =	shalt  }
0x5e: {  	_ =	shalt  }
0x5f: {  	_ =	shalt  }
0x60: {  	_ =	shalt  }
0x61: {  	_ =	shalt  }
0x62: {  	_ =	shalt  }
0x63: {  	_ =	shalt  }
0x64: {  	_ =	shalt  }
0x65: {  	_ =	shalt  }
0x66: {  	_ =	shalt  }
0x67: {  	_ =	shalt  }
0x68: {  	_ =	shalt  }
0x69: {  	_ =	shalt  }
0x6a: {  	_ =	shalt  }
0x6b: {  	_ =	shalt  }
0x6c: {  	_ =	shalt  }
0x6d: {  	_ =	shalt  }
0x6e: {  	_ =	shalt  }
0x6f: {  	_ =	shalt  }
0x70: {  	_ =	shalt  }
0x71: {  	_ =	shalt  }
0x72: {  	_ =	shalt  }
0x73: {  	_ =	shalt  }
0x74: {  	_ =	shalt  }
0x75: {  	_ =	shalt  }
0x76: {  	_ =	shalt  }
0x77: {  	_ =	shalt  }
0x78: {  	_ =	shalt  }
0x79: {  	_ =	shalt  }
0x7a: {  	_ =	shalt  }
0x7b: {  	_ =	shalt  }
0x7c: {  	_ =	shalt  }
0x7d: {  	_ =	shalt  }
0x7e: {  	_ =	shalt  }
0x7f: {  	_ =	shalt  }
0x80: {  	_ =	shalt  }
0x81: {  	_ =	shalt  }
0x82: {  	_ =	shalt  }
0x83: {  	_ =	shalt  }
0x84: {  	_ =	shalt  }
0x85: {  	_ =	shalt  }
0x86: {  	_ =	shalt  }
0x87: {  	_ =	shalt  }
.Lfunc_end0:
.L_simem_size_0:
called_computation_lowered:
.L_overlay_start_0:
0x88: {  	s2 =	sld [smem:$0x3FD9]  }
0x89: {  	s3 =	sld [smem:$0x3FFE];
	_ =	sdelay $0x1  }
0x8a: {  	s1 =	srdreg.scid  }
0x8b: {  	s0 =	sand.u32 $0x1, s1  }
0x8c: {  	s14 =	sshll.u32 s0, $0xA;
	s2 =	sadd.s32 s3, s2  }
0x8d: {  	s2 =	sadd.s32 s2, s14  }
0x8e: {  	[smem:$0x3FB9] =	sst s2  }
0x8f: {  	_ = 	snop  }
0x90: {  	s2 =	sld [smem:$0x3FD0];
	_ =	sdelay $0x2  }
0x91: {  	s4 =	simm.s32 $0xB;
	s5 =	simm.s32 $0x10;
	s15 =	sld [smem:$0x3FC8]  }
0x92: {  	[smem:s5], [sflag:s4] =	dma.local [hbm:s2], $0x1  }
0x93: {  	_ =	swait.eq [sflag:s4], $0x1  }
0x94: {  	[sflag:s4] =	ssyncset.done $0x0  }
0x95: {  	[sflag:s4] =	ssyncadd.s32 $0xFFFFFFFF  }
0x96: {  	s16 =	sld [smem:$0x11];
	(tm) =	ssettm $0x1  }
0x97: {  	s17 =	sld [smem:$0x3FFB];
	_ =	sdelay $0x3  }
0x98: {  	_ =	strace s17  }
0x99: {  	s4 =	sld [smem:$0x3FFC];
	_ =	sdelay $0x3  }
0x9a: {  	_ =	strace s4  }
0x9b: {  	s4 =	sld [smem:$0x3FFD];
	_ =	sdelay $0x3  }
0x9c: {  	_ =	strace s4  }
0x9d: {  	_ =	strace $0x8FFFFFFF  }
0x9e: {  	s18 =	sld [smem:$0x3FDB];
	_ =	sdelay $0x1  }
0x9f: {  	s19 =	simm.s32 $_scs_section_size  }
0xa0: {  	s6 =	simm.s32 $_size__tile_overlayer_lowered;
	s7 =	simm.s32 $_tile_overlayer_lowered  }
0xa1: {  	s22 =	simm.s32 $0x1BFF;
	s21 =	sshll.u32 s7, $0x1;
	s4 =	sadd.s32 s19, s18  }
0xa2: {  	s8 =	simm.s32 $0x0;
	s20 =	sshll.u32 s6, $0x1;
	s6 =	sadd.s32 s21, s4  }
0xa3: {  	[timem:s8], [sflag:s22] =	dma.local [hbm:s6], s20  }
0xa4: {  	_ =	swait.ge [sflag:s22], s20  }
0xa5: {  	s5 =	ssub.s32 $0x0, s20;
	[sflag:s22] =	ssyncset.done $0x0  }
0xa6: {  	[sflag:s22] =	ssyncadd.s32 s5;
	_ =	sdelay $0x1  }
0xa7: {  	s23 =	simm.s32 $0x1B8B  }
0xa8: {  	_ =	swait.ge [sflag:s23], $0x1  }
0xa9: {  	[sflag:s23] =	ssyncset.done $0x0  }
0xaa: {  	s25 =	simm.s32 $0x1B8E;
	s24 =	sld [smem:$0x3FFE];
	[sflag:s23] =	ssyncadd.s32 $0xFFFFFFFF  }
0xab: {  	s26 =	simm.s32 $execute0_lowered;
	[smem:$0x3FD2] =	sst s25  }
0xac: {  	s6 =	sshll.u32 s26, $0x1;
	_ =	strace $0x80000046;
	[dreg:$0x1] =	wrdreg $0xFFFFFFFF  }
0xad: {  	s28 =	simm.s32 $_size_execute0_lowered;
	s4 =	sadd.s32 s4, s6;
	[dreg:$0x0] =	wrdreg $0x0  }
0xae: {  	s6 =	sshll.u32 s28, $0x1;
	[dreg:$0x2] =	wrdreg s4  }
0xaf: {  	[dreg:$0x3] =	wrdreg s6  }
0xb0: {  	[dreg:$0x4] =	wrdreg $0xC0  }
0xb1: {  	_ =	task [dreg:s8], $0x5FFFF  }
0xb2: {  	[dreg:$0x1] =	wrdreg $0xFFFFFFFF  }
0xb3: {  	[dreg:$0x0] =	wrdreg $0x60  }
0xb4: {  	[dreg:$0x2] =	wrdreg s15  }
0xb5: {  	[dreg:$0x3] =	wrdreg s16  }
0xb6: {  	[dreg:$0x4] =	wrdreg s24  }
0xb7: {  	[dreg:$0x5] =	wrdreg $0xA  }
0xb8: {  	_ =	task.clear_ibuf [dreg:s8], $0x6FFFF;
	_ =	strace $0x90000046  }
0xb9: {  	s29 =	simm.s32 $0xA;
	_ =	strace $0x80000048  }
0xba: {  	_ =	swait.ge [sflag:s29], $0x1  }
0xbb: {  	[sflag:s29] =	ssyncadd.s32 $0xFFFFFFFF  }
0xbc: {  	_ =	strace $0x90000048  }
0xbd: {  	_ =	sfence  }
0xbe: {  	s30 =	sld [smem:$0x0];
	_ =	sdelay $0x2  }
0xbf: {  	s31 =	sshll.u32 s1, $0xD;
	s1 =	sshrl.u32 s1, $0x2  }
0xc0: {  	s3 =	sand.u32 $0x4000, s31;
	s1 =	sadd.s32 s1, s30  }
0xc1: {  	s0 =	sor.u32 s3, s0;
	s1 =	sshll.u32 s1, $0x11  }
0xc2: {  	s0 =	sor.u32 s1, s0  }
0xc3: {  	s0 =	sadd.s32 $0x8F2B, s0  }
0xc4: {  	[sflag:s0] =	ssyncadd.remote.s32 $0x1  }
0xc5: {  	_ =	sfence.sel $0xFFFF  }
0xc6: {  	[dreg:$0x0] =	wrdreg $0xFFFFFFFF;
	(pc) =	sbr.abs _section_cstart, $3  }
0xc7: {  	[dreg:$0x1] =	wrdreg $0xFFFFFFFF  }
0xc8: {  	_ =	task.clear_ibuf [dreg:s8], $0x2FFFF;
	_ =	strace $0x9FFFFFFF  }
0xc9: {  	(tm) =	ssettm $0x7FFFFFFF  }
tec
execute0_lowered:
.L_overlay_start_1:
0x0: {  	(tag) =	ssettag $0x1  }
0x1: {  	s0 =	rddreg [dreg:$0x0]  }
0x2: {  	s4 =	rddreg [dreg:$0x1]  }
0x3: {  	s1 =	srdreg.scid;
	s5 =	rddreg [dreg:$0x2]  }
0x4: {  	s2 =	stileid.u32;
	s3 =	simm.s32 $0x0;
	s13 =	simm.s32 $0x2800  }
0x5: {  	s14 =	simm.s32 $0x80;
	s15 =	simm.s32 $0x3C00;
	s16 =	simm.s32 $0x100  }
0x6: {  	s17 =	simm.s32 $0x5000;
	s18 =	simm.s32 $0x1;
	s19 =	simm.s32 $0x6400  }
0x7: {  	s20 =	simm.s32 $0x2;
	s21 =	simm.s32 $0x3;
	s22 =	simm.s32 $0x4  }
0x8: {  	s23 =	simm.s32 $0x2780;
	s24 =	simm.s32 $0x0;
	s6 =	sand.u32 $0x1, s1  }
0x9: {  	s1 =	rddreg [dreg:$0x3];
	s12 =	smul.u32 $0xC800, s2;
	s7 =	sshll.u32 s6, $0x4  }
0xa: {  	s8 =	ssub.s32 $0x2, s6;
	s31 =	smul.u32 $0xC8000, s6;
	s7 =	sor.u32 s2, s7  }
0xb: {  	[smem:$0x7FF] =	sst s3;
	s10 =	sshrl.u32 s8, $0x1;
	s9 =	smul.u32 $0x500, s7  }
0xc: {  	s11 =	sadd.s32 $0x3E00, s5;
	s7 =	smul.u32 $0xC800, s7;
	s29 =	ssub.s32 s8, s10  }
0xd: {  	_ =	strace $0x80000047;
	s10 =	sadd.s32 s31, s11;
	s5 =	smax.u32 s29, $0x1  }
0xe: {  	s10 =	sadd.s32 s12, s10;
	s12 =	simm.s32 $0x28;
	s30 =	sadd.s32 s11, s7  }
0xf: {  	s4 =	sadd.s32 s4, s9;
	s11 =	simm.s32 $0x5;
	s6 =	sadd.s32 $0xBE00, s30  }
0x10: {  	s7 =	sadd.s32 $0xC080, s30;
	s8 =	sadd.s32 $0xC300, s30;
	s9 =	sadd.s32 $0xC580, s30  }
.LBB2_1:
0x11: {  	[tilespmem:s3], [sflag:$0x5] =	stream.linear.gather [hbm4b:s4+s3], $0x2800, $0x38;
	[tilespmem:$0x7800] =	vst v63  }
0x12: {  	_ =	swait.ge [sflag:s11], $0x2800  }
0x13: {  	[sflag:s11] =	ssyncset.done $0x0  }
0x14: {  	[sflag:s11] =	ssyncadd.s32 $0xFFFFD800  }
0x15: {  	[tilespmem:s13], [sflag:$0x1] =	stream.indirect.gather [hbm4b:s0+s12], $0x80, s3, s12, $0xb8;
	[tilespmem:$0x7800] =	vst v63  }
0x16: {  	_ = 	snop  }
0x17: {  	[tilespmem:s15], [sflag:$0x2] =	stream.indirect.gather [hbm4b:s0+s12], $0x80, s14, s12, $0xb8;
	[tilespmem:$0x7800] =	vst v63  }
0x18: {  	_ = 	snop  }
0x19: {  	[tilespmem:s17], [sflag:$0x3] =	stream.indirect.gather [hbm4b:s0+s12], $0x80, s16, s12, $0xb8;
	[tilespmem:$0x7800] =	vst v63  }
0x1a: {  	_ =	swait.ge [sflag:s18], $0x1400  }
0x1b: {  	[sflag:s18] =	ssyncset.done $0x0  }
0x1c: {  	s25 =	simm.s32 $0x180;
	[sflag:s18] =	ssyncadd.s32 $0xFFFFEC00  }
0x1d: {  	[tilespmem:s19], [sflag:$0x4] =	stream.indirect.gather [hbm4b:s0+s12], $0x80, s25, s12, $0xb8;
	[tilespmem:$0x7800] =	vst v63  }
0x1e: {  	s26 =	sadd.s32 $0x0, s10  }
0x1f: {  	[hbm4b:s26+s3] =	stream.linear.scatter [tilespmem:s13], [sflag:$0x5], $0x1400, $0x38;
	[tilespmem:$0x7800] =	vst v63  }
0x20: {  	_ =	swait.ge [sflag:s11], $0x1400  }
0x21: {  	[sflag:s11] =	ssyncset.done $0x0  }
0x22: {  	[sflag:s11] =	ssyncadd.s32 $0xFFFFEC00  }
0x23: {  	_ =	swait.ge [sflag:s20], $0x1400  }
0x24: {  	[sflag:s20] =	ssyncset.done $0x0  }
0x25: {  	s28 =	simm.s32 $0x200;
	[sflag:s20] =	ssyncadd.s32 $0xFFFFEC00  }
0x26: {  	[tilespmem:s13], [sflag:$0x1] =	stream.indirect.gather [hbm4b:s0+s12], $0x80, s28, s12, $0xb8;
	[tilespmem:$0x7800] =	vst v63  }
0x27: {  	s31 =	sadd.s32 $0x280, s26  }
0x28: {  	[hbm4b:s31+s3] =	stream.linear.scatter [tilespmem:s15], [sflag:$0x5], $0x1400, $0x38;
	[tilespmem:$0x7800] =	vst v63  }
0x29: {  	_ =	swait.ge [sflag:s11], $0x1400  }
0x2a: {  	[sflag:s11] =	ssyncset.done $0x0  }
0x2b: {  	[sflag:s11] =	ssyncadd.s32 $0xFFFFEC00  }
0x2c: {  	_ =	swait.ge [sflag:s21], $0x1400  }
0x2d: {  	[sflag:s21] =	ssyncset.done $0x0  }
0x2e: {  	s29 =	simm.s32 $0x280;
	[sflag:s21] =	ssyncadd.s32 $0xFFFFEC00  }
0x2f: {  	[tilespmem:s15], [sflag:$0x2] =	stream.indirect.gather [hbm4b:s0+s12], $0x80, s29, s12, $0xb8;
	[tilespmem:$0x7800] =	vst v63  }
0x30: {  	s30 =	sadd.s32 $0x500, s26  }
0x31: {  	[hbm4b:s30+s3] =	stream.linear.scatter [tilespmem:s17], [sflag:$0x5], $0x1400, $0x38;
	[tilespmem:$0x7800] =	vst v63  }
0x32: {  	_ =	swait.ge [sflag:s11], $0x1400  }
0x33: {  	[sflag:s11] =	ssyncset.done $0x0  }
0x34: {  	[sflag:s11] =	ssyncadd.s32 $0xFFFFEC00  }
0x35: {  	_ =	swait.ge [sflag:s22], $0x1400  }
0x36: {  	[sflag:s22] =	ssyncset.done $0x0  }
0x37: {  	s31 =	simm.s32 $0x300;
	[sflag:s22] =	ssyncadd.s32 $0xFFFFEC00  }
0x38: {  	[tilespmem:s17], [sflag:$0x3] =	stream.indirect.gather [hbm4b:s0+s12], $0x80, s31, s12, $0xb8;
	[tilespmem:$0x7800] =	vst v63  }
0x39: {  	s26 =	sadd.s32 $0x780, s26  }
0x3a: {  	[hbm4b:s26+s3] =	stream.linear.scatter [tilespmem:s19], [sflag:$0x5], $0x1400, $0x38;
	[tilespmem:$0x7800] =	vst v63  }
0x3b: {  	_ =	swait.ge [sflag:s11], $0x1400  }
0x3c: {  	s26 =	simm.s32 $0xA00;
	[sflag:s11] =	ssyncset.done $0x0  }
.LBB2_2:
0x3d: {  	p0 =	sne.s32 s26, $0xB400;
	[sflag:s11] =	ssyncadd.s32 $0xFFFFEC00;
	s25 =	sadd.s32 $0x200, s25  }
0x3e: {  	s28 =	smov.u32 s26;
	s26 =	sadd.s32 $0xA00, s26  }
0x3f: {  	_ =	swait.ge [sflag:s18], $0x1400  }
0x40: {  	[sflag:s18] =	ssyncset.done $0x0  }
0x41: {  	[sflag:s18] =	ssyncadd.s32 $0xFFFFEC00  }
0x42: {  	[tilespmem:s19], [sflag:$0x4] =	stream.indirect.gather [hbm4b:s0+s12], $0x80, s25, s12, $0xb8;
	[tilespmem:$0x7800] =	vst v63  }
0x43: {  	s28 =	sadd.s32 s28, s10  }
0x44: {  	[hbm4b:s28+s3] =	stream.linear.scatter [tilespmem:s13], [sflag:$0x5], $0x1400, $0x38;
	[tilespmem:$0x7800] =	vst v63  }
0x45: {  	_ =	swait.ge [sflag:s11], $0x1400  }
0x46: {  	[sflag:s11] =	ssyncset.done $0x0  }
0x47: {  	[sflag:s11] =	ssyncadd.s32 $0xFFFFEC00  }
0x48: {  	_ =	swait.ge [sflag:s20], $0x1400  }
0x49: {  	[sflag:s20] =	ssyncset.done $0x0  }
0x4a: {  	s29 =	sadd.s32 $0x80, s25;
	[sflag:s20] =	ssyncadd.s32 $0xFFFFEC00  }
0x4b: {  	[tilespmem:s13], [sflag:$0x1] =	stream.indirect.gather [hbm4b:s0+s12], $0x80, s29, s12, $0xb8;
	[tilespmem:$0x7800] =	vst v63  }
0x4c: {  	s29 =	sadd.s32 $0x280, s28  }
0x4d: {  	[hbm4b:s29+s3] =	stream.linear.scatter [tilespmem:s15], [sflag:$0x5], $0x1400, $0x38;
	[tilespmem:$0x7800] =	vst v63  }
0x4e: {  	_ =	swait.ge [sflag:s11], $0x1400  }
0x4f: {  	[sflag:s11] =	ssyncset.done $0x0  }
0x50: {  	[sflag:s11] =	ssyncadd.s32 $0xFFFFEC00  }
0x51: {  	_ =	swait.ge [sflag:s21], $0x1400  }
0x52: {  	[sflag:s21] =	ssyncset.done $0x0  }
0x53: {  	s29 =	sadd.s32 $0x100, s25;
	[sflag:s21] =	ssyncadd.s32 $0xFFFFEC00  }
0x54: {  	[tilespmem:s15], [sflag:$0x2] =	stream.indirect.gather [hbm4b:s0+s12], $0x80, s29, s12, $0xb8;
	[tilespmem:$0x7800] =	vst v63  }
0x55: {  	s29 =	sadd.s32 $0x500, s28  }
0x56: {  	[hbm4b:s29+s3] =	stream.linear.scatter [tilespmem:s17], [sflag:$0x5], $0x1400, $0x38;
	[tilespmem:$0x7800] =	vst v63  }
0x57: {  	_ =	swait.ge [sflag:s11], $0x1400  }
0x58: {  	[sflag:s11] =	ssyncset.done $0x0  }
0x59: {  	[sflag:s11] =	ssyncadd.s32 $0xFFFFEC00  }
0x5a: {  	_ =	swait.ge [sflag:s22], $0x1400  }
0x5b: {  	[sflag:s22] =	ssyncset.done $0x0  }
0x5c: {  	s29 =	sadd.s32 $0x180, s25;
	[sflag:s22] =	ssyncadd.s32 $0xFFFFEC00  }
0x5d: {  	[tilespmem:s17], [sflag:$0x3] =	stream.indirect.gather [hbm4b:s0+s12], $0x80, s29, s12, $0xb8;
	[tilespmem:$0x7800] =	vst v63  }
.Ltmp0:
0x5e: {  	_ = 	snop;
	(pc) =	sbr.rel @p0 .LBB2_2-.Ltmp0, $4  }
0x5f: {  	s28 =	sadd.s32 $0x780, s28  }
0x60: {  	[hbm4b:s28+s3] =	stream.linear.scatter [tilespmem:s19], [sflag:$0x5], $0x1400, $0x38;
	[tilespmem:$0x7800] =	vst v63  }
0x61: {  	_ =	swait.ge [sflag:s11], $0x1400  }
0x62: {  	[sflag:s11] =	ssyncset.done $0x0  }
0x63: {  	[sflag:s11] =	ssyncadd.s32 $0xFFFFEC00  }
0x64: {  	_ =	swait.ge [sflag:s18], $0x1400  }
0x65: {  	[sflag:s18] =	ssyncset.done $0x0  }
0x66: {  	[sflag:s18] =	ssyncadd.s32 $0xFFFFEC00  }
0x67: {  	[tilespmem:s19], [sflag:$0x4] =	stream.indirect.gather [hbm4b:s0+s12], $0x80, s23, s12, $0xb8;
	[tilespmem:$0x7800] =	vst v63  }
0x68: {  	_ = 	snop  }
0x69: {  	[hbm4b:s6+s3] =	stream.linear.scatter [tilespmem:s13], [sflag:$0x5], $0x1400, $0x38;
	[tilespmem:$0x7800] =	vst v63  }
0x6a: {  	_ =	swait.ge [sflag:s11], $0x1400  }
0x6b: {  	[sflag:s11] =	ssyncset.done $0x0  }
0x6c: {  	[sflag:s11] =	ssyncadd.s32 $0xFFFFEC00  }
0x6d: {  	_ =	swait.ge [sflag:s20], $0x1400  }
0x6e: {  	[sflag:s20] =	ssyncset.done $0x0  }
0x6f: {  	[sflag:s20] =	ssyncadd.s32 $0xFFFFEC00  }
0x70: {  	[hbm4b:s7+s3] =	stream.linear.scatter [tilespmem:s15], [sflag:$0x5], $0x1400, $0x38;
	[tilespmem:$0x7800] =	vst v63  }
0x71: {  	_ =	swait.ge [sflag:s11], $0x1400  }
0x72: {  	[sflag:s11] =	ssyncset.done $0x0  }
0x73: {  	[sflag:s11] =	ssyncadd.s32 $0xFFFFEC00  }
0x74: {  	_ =	swait.ge [sflag:s21], $0x1400  }
0x75: {  	[sflag:s21] =	ssyncset.done $0x0  }
0x76: {  	[sflag:s21] =	ssyncadd.s32 $0xFFFFEC00  }
0x77: {  	[hbm4b:s8+s3] =	stream.linear.scatter [tilespmem:s17], [sflag:$0x5], $0x1400, $0x38;
	[tilespmem:$0x7800] =	vst v63  }
0x78: {  	_ =	swait.ge [sflag:s11], $0x1400  }
0x79: {  	[sflag:s11] =	ssyncset.done $0x0  }
0x7a: {  	[sflag:s11] =	ssyncadd.s32 $0xFFFFEC00  }
0x7b: {  	s24 =	sadd.s32 $0x1, s24;
	_ =	swait.ge [sflag:s22], $0x1400  }
0x7c: {  	p0 =	sne.s32 s24, s5;
	[sflag:s22] =	ssyncset.done $0x0  }
.Ltmp1:
0x7d: {  	[sflag:s22] =	ssyncadd.s32 $0xFFFFEC00;
	(pc) =	sbr.rel @p0 .LBB2_1-.Ltmp1, $4  }
0x7e: {  	[hbm4b:s9+s3] =	stream.linear.scatter [tilespmem:s19], [sflag:$0x5], $0x1400, $0x38;
	[tilespmem:$0x7800] =	vst v63  }
0x7f: {  	_ =	swait.ge [sflag:s11], $0x1400  }
0x80: {  	[sflag:s11] =	ssyncset.done $0x0  }
0x81: {  	[sflag:s11] =	ssyncadd.s32 $0xFFFFEC00  }
0x82: {  	_ =	sfence.sel $0x180000  }
0x83: {  	[bflag:$0x0] =	sbarrier.arrive $0xFFFF  }
0x84: {  	p0 =	sne.s32 s2, $0x0;
	_ =	strace $0x90000047  }
0x85: {  	s0 =	sadd.s32 @!p0 $0x100000, s1;
	[bflag:$0x2] =	sbarrier.arrive $0xFFFF  }
0x86: {  	[sflag:s0] =	ssyncadd.tile.s32 @!p0 $0x1;
	_ =	shalt  }
.Lfunc_end2:
_tile_overlayer_lowered:
.L_overlay_start_2:
0x87: {  	(tag) =	ssettag $0x2  }
0x88: {  	s0 =	rddreg [dreg:$0x0];
	s2 =	stileid.u32  }
0x89: {  	s1 =	rddreg [dreg:$0x1];
	p0 =	sne.s32 s2, $0x0  }
0x8a: {  	s3 =	rddreg [dreg:$0x2];
	[bflag:$0x3] =	sbarrier.arrive $0xFFFF;
	s2 =	simm.s32 @!p0 $0x1C05  }
0x8b: {  	[timem:s3], [sflag:s2] =	dma.local @!p0 [hbm:s0], s1  }
0x8c: {  	s0 =	simm.s32 @!p0 $0x5  }
0x8d: {  	_ =	swait.ge @!p0 [sflag:s0], s1  }
0x8e: {  	s1 =	ssub.s32 @!p0 $0x0, s1;
	[sflag:s0] =	ssyncset.done @!p0 $0x0  }
0x8f: {  	[sflag:s0] =	ssyncadd.s32 @!p0 s1  }
0x90: {  	[bflag:$0x3] =	sbarrier.arrive $0xFFFF  }
0x91: {  	_ =	shalt  }

// kernel: kernel.13.cloned.1.call-start
scs
__scs_entry_jumppad:
0x0: {  	(pc) =	sbr.rel $0x88, $3  }
0x1: {  	(tag) =	ssettag $0x0;
	lr =	simm.s32 $0x1  }
0x2: {  	[smem:$0x3F92] =	sst lr;
	_ =	strace $0xD0000000  }
0x3: {  	_ = 	snop  }
0x4: {  	_ = 	snop  }
0x5: {  	_ = 	snop  }
0x6: {  	_ = 	snop  }
0x7: {  	_ = 	snop  }
__scs_overlays_trampoline_lowered:
0x8: {  	[smem:$0x3FA1] =	sst s0  }
0x9: {  	[smem:$0x3FA2] =	sst s1  }
0xa: {  	[smem:$0x3FA3] =	sst s2  }
0xb: {  	[smem:$0x3FA4] =	sst s3  }
0xc: {  	[smem:$0x3FA5] =	sst s4  }
0xd: {  	[smem:$0x3FA6] =	sst s5  }
0xe: {  	[smem:$0x3FA7] =	sst s6  }
0xf: {  	[smem:$0x3FA8] =	sst s7  }
0x10: {  	[smem:$0x3FA9] =	sst s8  }
0x11: {  	[smem:$0x3FAA] =	sst s9;
	s0 =	simm.s32 @!p0 $0x0  }
0x12: {  	s1 =	sld [smem:$0x3F90];
	s0 =	simm.s32 @p0 $0x1  }
0x13: {  	[smem:$0x3FAB] =	sst s0;
	s0 =	simm.s32 @!p1 $0x0  }
0x14: {  	s2 =	sld [smem:$0x3F8F];
	s0 =	simm.s32 @p1 $0x1  }
0x15: {  	[smem:$0x3FAC] =	sst s0;
	s0 =	simm.s32 @!p2 $0x0  }
0x16: {  	s3 =	sld [smem:$0x3FDB];
	s0 =	simm.s32 @p2 $0x1  }
0x17: {  	s4 =	simm.s32 $0x1BF5;
	[smem:$0x3FAE] =	sst s0  }
0x18: {  	s0 =	sld [smem:$0x3F91];
	_ =	swait.ge [sflag:s4], $0x0  }
0x19: {  	s7 =	sld [smem:$0x3F92]  }
0x1a: {  	s8 =	sadd.s32 $0xFFFFE003, lr  }
0x1b: {  	s9 =	sadd.s32 $0xFFFFFEF7, lr;
	s5 =	simm.s32 $0xFFFFFFFF;
	p2 =	slt.u32 s8, $0xFFFFF086  }
0x1c: {  	p1 =	slt.u32 s9, $0xF7A;
	s5 =	simm.s32 @!p2 $0x0  }
0x1d: {  	s5 =	simm.s32 @p1 $0x1;
	p0 =	seq.s32 s7, s2  }
0x1e: {  	s7 =	smul.u32 @!p0 $0xF7A, s2;
	p2 =	seq.s32 @!p0 s5, $0x0  }
0x1f: {  	s9 =	smul.u32 $0xF7A, s1;
	s8 =	simm.s32 @!p0 $0x1BF5;
	p2 =	por !p2, p0  }
0x20: {  	[sflag:s8] =	ssyncset.s32 @!p0 $0xFFFFF086;
	s6 =	sadd.s32 @!p0 s3, s7;
	s7 =	simm.s32 @!p0 $0x108  }
0x21: {  	s3 =	sadd.s32 s3, s9;
	s6 =	sadd.s32 @!p0 $0x88, s6;
	s7 =	simm.s32 @p2 $0x1082  }
0x22: {  	[simem:s7], [sflag:s8] =	dma.local @!p0 [hbm:s6], $0xF7A  }
0x23: {  	s9 =	sor.u32 $0xD0000000, s2;
	s6 =	simm.s32 $0x108;
	_ =	swait.ge @!p0 [sflag:s8], $0x0  }
0x24: {  	s3 =	sadd.s32 $0x88, s3;
	s6 =	simm.s32 @!p1 $0x1082;
	[sflag:s4] =	ssyncset.s32 $0xFFFFF086  }
0x25: {  	[simem:s6], [sflag:s4] =	dma.local [hbm:s3], $0xF7A  }
0x26: {  	[smem:$0x3F92] =	sst s1;
	(tag) =	ssettag s2;
	_ =	strace s9  }
0x27: {  	s1 =	sld [smem:$0x3FA2]  }
0x28: {  	s2 =	sld [smem:$0x3FA3]  }
0x29: {  	s4 =	sld [smem:$0x3FA5]  }
0x2a: {  	p0 =	seq.s32 s5, $0x0;
	s5 =	sld [smem:$0x3FA6]  }
0x2b: {  	s6 =	sld [smem:$0x3FA7]  }
0x2c: {  	s7 =	sld [smem:$0x3FA8]  }
0x2d: {  	s3 =	simm.s32 $0x108;
	s8 =	sld [smem:$0x3FA9]  }
0x2e: {  	s3 =	simm.s32 @!p0 $0x1082;
	s9 =	sld [smem:$0x3FAA]  }
0x2f: {  	lr =	sadd.s32 s0, s3;
	s0 =	sld [smem:$0x3FA1]  }
0x30: {  	s3 =	sld [smem:$0x3FA4]  }
0x31: {  	[smem:$0x3FAD] =	sst s10  }
0x32: {  	s10 =	sld [smem:$0x3FAB];
	_ =	sdelay $0x3  }
0x33: {  	p0 =	seq.s32 s10, $0x1;
	s10 =	sld [smem:$0x3FAD];
	_ =	sdelay $0x3  }
0x34: {  	[smem:$0x3FAD] =	sst s10  }
0x35: {  	s10 =	sld [smem:$0x3FAC];
	_ =	sdelay $0x3  }
0x36: {  	p1 =	seq.s32 s10, $0x1;
	s10 =	sld [smem:$0x3FAD];
	_ =	sdelay $0x3  }
0x37: {  	[smem:$0x3FAD] =	sst s10  }
0x38: {  	s10 =	sld [smem:$0x3FAE]  }
0x39: {  	_ = 	snop;
	(pc) =	sbr.ind lr, $3  }
0x3a: {  	_ = 	snop  }
0x3b: {  	_ = 	snop  }
0x3c: {  	p2 =	seq.s32 s10, $0x1;
	s10 =	sld [smem:$0x3FAD]  }
0x3d: {  	_ =	shalt  }
0x3e: {  	_ =	shalt  }
0x3f: {  	_ =	shalt  }
0x40: {  	_ =	shalt  }
0x41: {  	_ =	shalt  }
0x42: {  	_ =	shalt  }
0x43: {  	_ =	shalt  }
0x44: {  	_ =	shalt  }
0x45: {  	_ =	shalt  }
0x46: {  	_ =	shalt  }
0x47: {  	_ =	shalt  }
0x48: {  	_ =	shalt  }
0x49: {  	_ =	shalt  }
0x4a: {  	_ =	shalt  }
0x4b: {  	_ =	shalt  }
0x4c: {  	_ =	shalt  }
0x4d: {  	_ =	shalt  }
0x4e: {  	_ =	shalt  }
0x4f: {  	_ =	shalt  }
0x50: {  	_ =	shalt  }
0x51: {  	_ =	shalt  }
0x52: {  	_ =	shalt  }
0x53: {  	_ =	shalt  }
0x54: {  	_ =	shalt  }
0x55: {  	_ =	shalt  }
0x56: {  	_ =	shalt  }
0x57: {  	_ =	shalt  }
0x58: {  	_ =	shalt  }
0x59: {  	_ =	shalt  }
0x5a: {  	_ =	shalt  }
0x5b: {  	_ =	shalt  }
0x5c: {  	_ =	shalt  }
0x5d: {  	_ =	shalt  }
0x5e: {  	_ =	shalt  }
0x5f: {  	_ =	shalt  }
0x60: {  	_ =	shalt  }
0x61: {  	_ =	shalt  }
0x62: {  	_ =	shalt  }
0x63: {  	_ =	shalt  }
0x64: {  	_ =	shalt  }
0x65: {  	_ =	shalt  }
0x66: {  	_ =	shalt  }
0x67: {  	_ =	shalt  }
0x68: {  	_ =	shalt  }
0x69: {  	_ =	shalt  }
0x6a: {  	_ =	shalt  }
0x6b: {  	_ =	shalt  }
0x6c: {  	_ =	shalt  }
0x6d: {  	_ =	shalt  }
0x6e: {  	_ =	shalt  }
0x6f: {  	_ =	shalt  }
0x70: {  	_ =	shalt  }
0x71: {  	_ =	shalt  }
0x72: {  	_ =	shalt  }
0x73: {  	_ =	shalt  }
0x74: {  	_ =	shalt  }
0x75: {  	_ =	shalt  }
0x76: {  	_ =	shalt  }
0x77: {  	_ =	shalt  }
0x78: {  	_ =	shalt  }
0x79: {  	_ =	shalt  }
0x7a: {  	_ =	shalt  }
0x7b: {  	_ =	shalt  }
0x7c: {  	_ =	shalt  }
0x7d: {  	_ =	shalt  }
0x7e: {  	_ =	shalt  }
0x7f: {  	_ =	shalt  }
0x80: {  	_ =	shalt  }
0x81: {  	_ =	shalt  }
0x82: {  	_ =	shalt  }
0x83: {  	_ =	shalt  }
0x84: {  	_ =	shalt  }
0x85: {  	_ =	shalt  }
0x86: {  	_ =	shalt  }
0x87: {  	_ =	shalt  }
.Lfunc_end0:
.L_simem_size_0:
called_computation.1_lowered:
.L_overlay_start_0:
0x88: {  	s2 =	sld [smem:$0x3FD9]  }
0x89: {  	s3 =	sld [smem:$0x3FFE];
	_ =	sdelay $0x1  }
0x8a: {  	s1 =	srdreg.scid  }
0x8b: {  	s0 =	sand.u32 $0x1, s1  }
0x8c: {  	s17 =	sshll.u32 s0, $0xA;
	s2 =	sadd.s32 s3, s2  }
0x8d: {  	s2 =	sadd.s32 s2, s17  }
0x8e: {  	[smem:$0x3FB9] =	sst s2  }
0x8f: {  	_ = 	snop  }
0x90: {  	s18 =	sld [smem:$0x3FC8];
	(tm) =	ssettm $0x1  }
0x91: {  	s19 =	sld [smem:$0x3FFB];
	_ =	sdelay $0x3  }
0x92: {  	_ =	strace s19  }
0x93: {  	s2 =	sld [smem:$0x3FFC];
	_ =	sdelay $0x3  }
0x94: {  	_ =	strace s2  }
0x95: {  	s2 =	sld [smem:$0x3FFD];
	_ =	sdelay $0x3  }
0x96: {  	_ =	strace s2  }
0x97: {  	_ =	strace $0x8FFFFFFF  }
0x98: {  	s20 =	sld [smem:$0x3FDB];
	_ =	sdelay $0x1  }
0x99: {  	s4 =	simm.s32 $_scs_section_size  }
0x9a: {  	s5 =	simm.s32 $_size__tile_overlayer_lowered;
	s6 =	simm.s32 $_tile_overlayer_lowered  }
0x9b: {  	s7 =	simm.s32 $0x1BFF;
	s21 =	sshll.u32 s6, $0x1;
	s4 =	sadd.s32 s4, s20  }
0x9c: {  	s22 =	simm.s32 $0x0;
	s5 =	sshll.u32 s5, $0x1;
	s6 =	sadd.s32 s21, s4  }
0x9d: {  	[timem:s22], [sflag:s7] =	dma.local [hbm:s6], s5  }
0x9e: {  	_ =	swait.ge [sflag:s7], s5  }
0x9f: {  	s5 =	ssub.s32 $0x0, s5;
	[sflag:s7] =	ssyncset.done $0x0  }
0xa0: {  	[sflag:s7] =	ssyncadd.s32 s5;
	_ =	sdelay $0x1  }
0xa1: {  	s23 =	simm.s32 $0x1B8B  }
0xa2: {  	_ =	swait.ge [sflag:s23], $0x1  }
0xa3: {  	[sflag:s23] =	ssyncset.done $0x0  }
0xa4: {  	[sflag:s23] =	ssyncadd.s32 $0xFFFFFFFF  }
0xa5: {  	s5 =	sld [smem:$0x0]  }
0xa6: {  	s6 =	sand.u32 $0xFFFFFFFE, s1  }
0xa7: {  	p0 =	sne.s32 s1, s6  }
0xa8: {  	s6 =	sshll.u32 @p0 s6, $0xE  }
0xa9: {  	s6 =	sadd.s32 @p0 $0x11B8D, s6;
	s7 =	sshll.u32 @p0 s5, $0x11  }
0xaa: {  	s6 =	sor.u32 @p0 s7, s6  }
0xab: {  	[sflag:s6] =	ssyncadd.remote.s32 @p0 $0x1;
	_ =	sdelay $0x1  }
0xac: {  	s6 =	simm.s32 @p0 $0x1B8D  }
0xad: {  	_ =	swait.eq @p0 [sflag:s6], $0x1  }
0xae: {  	[sflag:s6] =	ssyncadd.s32 @p0 $0xFFFFFFFF  }
0xaf: {  	s7 =	sshll.u32 @!p0 s1, $0xE  }
0xb0: {  	s7 =	sor.u32 @!p0 $0x4000, s7;
	s6 =	simm.s32 @!p0 $0x1B8D  }
0xb1: {  	s5 =	sshll.u32 @!p0 s5, $0x11;
	s7 =	sadd.s32 @!p0 $0x11B8D, s7;
	_ =	swait.eq @!p0 [sflag:s6], $0x1  }
0xb2: {  	s5 =	sor.u32 @!p0 s5, s7;
	[sflag:s6] =	ssyncadd.s32 @!p0 $0xFFFFFFFF  }
0xb3: {  	s25 =	simm.s32 $0x1B8E;
	s24 =	sld [smem:$0x3FFE];
	[sflag:s5] =	ssyncadd.remote.s32 @!p0 $0x1  }
0xb4: {  	s26 =	simm.s32 $execute0_lowered;
	[smem:$0x3FD2] =	sst s25  }
0xb5: {  	s6 =	sshll.u32 s26, $0x1;
	_ =	strace $0x80000049;
	[dreg:$0x1] =	wrdreg $0xFFFFFFFF  }
0xb6: {  	s28 =	simm.s32 $_size_execute0_lowered;
	s4 =	sadd.s32 s4, s6;
	[dreg:$0x0] =	wrdreg $0x0  }
0xb7: {  	s6 =	sshll.u32 s28, $0x1;
	[dreg:$0x2] =	wrdreg s4  }
0xb8: {  	[dreg:$0x3] =	wrdreg s6  }
0xb9: {  	[dreg:$0x4] =	wrdreg $0xC0  }
0xba: {  	_ =	task [dreg:s22], $0x5FFFF  }
0xbb: {  	[dreg:$0x1] =	wrdreg $0xFFFFFFFF  }
0xbc: {  	[dreg:$0x0] =	wrdreg $0x60  }
0xbd: {  	[dreg:$0x2] =	wrdreg s18  }
0xbe: {  	[dreg:$0x3] =	wrdreg s24  }
0xbf: {  	[dreg:$0x4] =	wrdreg $0x9  }
0xc0: {  	_ =	task.clear_ibuf [dreg:s22], $0x5FFFF;
	_ =	strace $0x90000049  }
0xc1: {  	s29 =	simm.s32 $0x9;
	_ =	strace $0x8000004B  }
0xc2: {  	_ =	swait.ge [sflag:s29], $0x1  }
0xc3: {  	[sflag:s29] =	ssyncadd.s32 $0xFFFFFFFF  }
0xc4: {  	_ =	strace $0x9000004B  }
0xc5: {  	_ =	sfence  }
0xc6: {  	s30 =	sld [smem:$0x0];
	_ =	sdelay $0x2  }
0xc7: {  	s31 =	sshll.u32 s1, $0xD;
	s1 =	sshrl.u32 s1, $0x2  }
0xc8: {  	s4 =	sand.u32 $0x4000, s31;
	s1 =	sadd.s32 s1, s30  }
0xc9: {  	s0 =	sor.u32 s4, s0;
	s1 =	sshll.u32 s1, $0x11  }
0xca: {  	s0 =	sor.u32 s1, s0  }
0xcb: {  	s0 =	sadd.s32 $0x8F2B, s0  }
0xcc: {  	[sflag:s0] =	ssyncadd.remote.s32 $0x1  }
0xcd: {  	_ =	sfence.sel $0xFFFF  }
0xce: {  	[dreg:$0x0] =	wrdreg $0xFFFFFFFF;
	(pc) =	sbr.abs _section_cstart, $3  }
0xcf: {  	[dreg:$0x1] =	wrdreg $0xFFFFFFFF  }
0xd0: {  	_ =	task.clear_ibuf [dreg:s22], $0x2FFFF;
	_ =	strace $0x9FFFFFFF  }
0xd1: {  	(tm) =	ssettm $0x7FFFFFFF  }
tec
execute0_lowered:
.L_overlay_start_1:
0x0: {  	(tag) =	ssettag $0x1  }
0x1: {  	s2 =	rddreg [dreg:$0x0]  }
0x2: {  	s0 =	srdreg.scid;
	s4 =	rddreg [dreg:$0x1]  }
0x3: {  	s3 =	simm.s32 $0x0;
	s14 =	simm.s32 $0x1800;
	s15 =	simm.s32 $0x80  }
0x4: {  	s16 =	simm.s32 $0x2C00;
	s17 =	simm.s32 $0x100;
	s18 =	simm.s32 $0x4000  }
0x5: {  	s19 =	simm.s32 $0x1;
	s20 =	simm.s32 $0x5400;
	s21 =	simm.s32 $0x2  }
0x6: {  	s22 =	simm.s32 $0x3;
	s23 =	simm.s32 $0x4;
	s24 =	simm.s32 $0x1580  }
0x7: {  	s25 =	simm.s32 $0x1600;
	s26 =	simm.s32 $0x0;
	s6 =	sand.u32 $0x1, s0  }
0x8: {  	s0 =	stileid.u32;
	s1 =	sshll.u32 s6, $0x4;
	s12 =	smul.u32 $0x70800, s6  }
0x9: {  	[smem:$0x7FF] =	sst s3;
	s13 =	smul.u32 $0x7080, s0;
	s5 =	sor.u32 s0, s1  }
0xa: {  	s10 =	sadd.s32 $0x199E00, s4;
	s9 =	ssub.s32 $0x2, s6;
	s7 =	smul.u32 $0x300, s5  }
0xb: {  	s1 =	rddreg [dreg:$0x2];
	s31 =	sshrl.u32 s9, $0x1;
	s8 =	smul.u32 $0x38400, s5  }
0xc: {  	_ =	strace $0x8000004A;
	s9 =	ssub.s32 s9, s31;
	s11 =	smul.u32 $0x7080, s5  }
0xd: {  	s12 =	sadd.s32 s12, s10;
	s6 =	smax.u32 s9, $0x1;
	s8 =	sshrl.u32 s8, $0x3  }
0xe: {  	s7 =	sadd.s32 s7, s4;
	s11 =	sadd.s32 s10, s11;
	s8 =	sadd.s32 s10, s8  }
0xf: {  	s4 =	sadd.s32 $0x193E00, s7;
	s7 =	sadd.s32 $0x6400, s11;
	s9 =	sadd.s32 $0x6900, s11  }
0x10: {  	s10 =	sadd.s32 $0x6B80, s11;
	s5 =	sadd.s32 $0x6E00, s8;
	s8 =	sadd.s32 $0x6680, s11  }
0x11: {  	s11 =	sadd.s32 s13, s12;
	s12 =	simm.s32 $0x5;
	s13 =	simm.s32 $0x28  }
.LBB2_1:
0x12: {  	[tilespmem:s3], [sflag:$0x5] =	stream.linear.gather [hbm4b:s4+s3], $0x1680, $0x38;
	[tilespmem:$0x6800] =	vst v63  }
0x13: {  	_ =	swait.ge [sflag:s12], $0x1680  }
0x14: {  	[sflag:s12] =	ssyncset.done $0x0  }
0x15: {  	[sflag:s12] =	ssyncadd.s32 $0xFFFFE980  }
0x16: {  	[tilespmem:s14], [sflag:$0x1] =	stream.indirect.gather [hbm4b:s2+s13], $0x80, s3, s13, $0xb8;
	[tilespmem:$0x6800] =	vst v63  }
0x17: {  	_ = 	snop  }
0x18: {  	[tilespmem:s16], [sflag:$0x2] =	stream.indirect.gather [hbm4b:s2+s13], $0x80, s15, s13, $0xb8;
	[tilespmem:$0x6800] =	vst v63  }
0x19: {  	_ = 	snop  }
0x1a: {  	[tilespmem:s18], [sflag:$0x3] =	stream.indirect.gather [hbm4b:s2+s13], $0x80, s17, s13, $0xb8;
	[tilespmem:$0x6800] =	vst v63  }
0x1b: {  	_ =	swait.ge [sflag:s19], $0x1400  }
0x1c: {  	[sflag:s19] =	ssyncset.done $0x0  }
0x1d: {  	s28 =	simm.s32 $0x180;
	[sflag:s19] =	ssyncadd.s32 $0xFFFFEC00  }
0x1e: {  	[tilespmem:s20], [sflag:$0x4] =	stream.indirect.gather [hbm4b:s2+s13], $0x80, s28, s13, $0xb8;
	[tilespmem:$0x6800] =	vst v63  }
0x1f: {  	s29 =	sadd.s32 $0x0, s11  }
0x20: {  	[hbm4b:s29+s3] =	stream.linear.scatter [tilespmem:s14], [sflag:$0x5], $0x1400, $0x38;
	[tilespmem:$0x6800] =	vst v63  }
0x21: {  	_ =	swait.ge [sflag:s12], $0x1400  }
0x22: {  	[sflag:s12] =	ssyncset.done $0x0  }
0x23: {  	[sflag:s12] =	ssyncadd.s32 $0xFFFFEC00  }
0x24: {  	_ =	swait.ge [sflag:s21], $0x1400  }
0x25: {  	[sflag:s21] =	ssyncset.done $0x0  }
0x26: {  	s30 =	simm.s32 $0x200;
	[sflag:s21] =	ssyncadd.s32 $0xFFFFEC00  }
0x27: {  	[tilespmem:s14], [sflag:$0x1] =	stream.indirect.gather [hbm4b:s2+s13], $0x80, s30, s13, $0xb8;
	[tilespmem:$0x6800] =	vst v63  }
0x28: {  	s31 =	sadd.s32 $0x280, s29  }
0x29: {  	[hbm4b:s31+s3] =	stream.linear.scatter [tilespmem:s16], [sflag:$0x5], $0x1400, $0x38;
	[tilespmem:$0x6800] =	vst v63  }
0x2a: {  	_ =	swait.ge [sflag:s12], $0x1400  }
0x2b: {  	[sflag:s12] =	ssyncset.done $0x0  }
0x2c: {  	[sflag:s12] =	ssyncadd.s32 $0xFFFFEC00  }
0x2d: {  	_ =	swait.ge [sflag:s22], $0x1400  }
0x2e: {  	[sflag:s22] =	ssyncset.done $0x0  }
0x2f: {  	s31 =	simm.s32 $0x280;
	[sflag:s22] =	ssyncadd.s32 $0xFFFFEC00  }
0x30: {  	[tilespmem:s16], [sflag:$0x2] =	stream.indirect.gather [hbm4b:s2+s13], $0x80, s31, s13, $0xb8;
	[tilespmem:$0x6800] =	vst v63  }
0x31: {  	s31 =	sadd.s32 $0x500, s29  }
0x32: {  	[hbm4b:s31+s3] =	stream.linear.scatter [tilespmem:s18], [sflag:$0x5], $0x1400, $0x38;
	[tilespmem:$0x6800] =	vst v63  }
0x33: {  	_ =	swait.ge [sflag:s12], $0x1400  }
0x34: {  	[sflag:s12] =	ssyncset.done $0x0  }
0x35: {  	[sflag:s12] =	ssyncadd.s32 $0xFFFFEC00  }
0x36: {  	_ =	swait.ge [sflag:s23], $0x1400  }
0x37: {  	[sflag:s23] =	ssyncset.done $0x0  }
0x38: {  	s31 =	simm.s32 $0x300;
	[sflag:s23] =	ssyncadd.s32 $0xFFFFEC00  }
0x39: {  	[tilespmem:s18], [sflag:$0x3] =	stream.indirect.gather [hbm4b:s2+s13], $0x80, s31, s13, $0xb8;
	[tilespmem:$0x6800] =	vst v63  }
0x3a: {  	s29 =	sadd.s32 $0x780, s29  }
0x3b: {  	[hbm4b:s29+s3] =	stream.linear.scatter [tilespmem:s20], [sflag:$0x5], $0x1400, $0x38;
	[tilespmem:$0x6800] =	vst v63  }
0x3c: {  	_ =	swait.ge [sflag:s12], $0x1400  }
0x3d: {  	s29 =	simm.s32 $0xA00;
	[sflag:s12] =	ssyncset.done $0x0  }
.LBB2_2:
0x3e: {  	p0 =	sne.s32 s29, $0x5A00;
	[sflag:s12] =	ssyncadd.s32 $0xFFFFEC00;
	s28 =	sadd.s32 $0x200, s28  }
0x3f: {  	s30 =	smov.u32 s29;
	s29 =	sadd.s32 $0xA00, s29  }
0x40: {  	_ =	swait.ge [sflag:s19], $0x1400  }
0x41: {  	[sflag:s19] =	ssyncset.done $0x0  }
0x42: {  	[sflag:s19] =	ssyncadd.s32 $0xFFFFEC00  }
0x43: {  	[tilespmem:s20], [sflag:$0x4] =	stream.indirect.gather [hbm4b:s2+s13], $0x80, s28, s13, $0xb8;
	[tilespmem:$0x6800] =	vst v63  }
0x44: {  	s30 =	sadd.s32 s30, s11  }
0x45: {  	[hbm4b:s30+s3] =	stream.linear.scatter [tilespmem:s14], [sflag:$0x5], $0x1400, $0x38;
	[tilespmem:$0x6800] =	vst v63  }
0x46: {  	_ =	swait.ge [sflag:s12], $0x1400  }
0x47: {  	[sflag:s12] =	ssyncset.done $0x0  }
0x48: {  	[sflag:s12] =	ssyncadd.s32 $0xFFFFEC00  }
0x49: {  	_ =	swait.ge [sflag:s21], $0x1400  }
0x4a: {  	[sflag:s21] =	ssyncset.done $0x0  }
0x4b: {  	s31 =	sadd.s32 $0x80, s28;
	[sflag:s21] =	ssyncadd.s32 $0xFFFFEC00  }
0x4c: {  	[tilespmem:s14], [sflag:$0x1] =	stream.indirect.gather [hbm4b:s2+s13], $0x80, s31, s13, $0xb8;
	[tilespmem:$0x6800] =	vst v63  }
0x4d: {  	s31 =	sadd.s32 $0x280, s30  }
0x4e: {  	[hbm4b:s31+s3] =	stream.linear.scatter [tilespmem:s16], [sflag:$0x5], $0x1400, $0x38;
	[tilespmem:$0x6800] =	vst v63  }
0x4f: {  	_ =	swait.ge [sflag:s12], $0x1400  }
0x50: {  	[sflag:s12] =	ssyncset.done $0x0  }
0x51: {  	[sflag:s12] =	ssyncadd.s32 $0xFFFFEC00  }
0x52: {  	_ =	swait.ge [sflag:s22], $0x1400  }
0x53: {  	[sflag:s22] =	ssyncset.done $0x0  }
0x54: {  	s31 =	sadd.s32 $0x100, s28;
	[sflag:s22] =	ssyncadd.s32 $0xFFFFEC00  }
0x55: {  	[tilespmem:s16], [sflag:$0x2] =	stream.indirect.gather [hbm4b:s2+s13], $0x80, s31, s13, $0xb8;
	[tilespmem:$0x6800] =	vst v63  }
0x56: {  	s31 =	sadd.s32 $0x500, s30  }
0x57: {  	[hbm4b:s31+s3] =	stream.linear.scatter [tilespmem:s18], [sflag:$0x5], $0x1400, $0x38;
	[tilespmem:$0x6800] =	vst v63  }
0x58: {  	_ =	swait.ge [sflag:s12], $0x1400  }
0x59: {  	[sflag:s12] =	ssyncset.done $0x0  }
0x5a: {  	[sflag:s12] =	ssyncadd.s32 $0xFFFFEC00  }
0x5b: {  	_ =	swait.ge [sflag:s23], $0x1400  }
0x5c: {  	[sflag:s23] =	ssyncset.done $0x0  }
0x5d: {  	s31 =	sadd.s32 $0x180, s28;
	[sflag:s23] =	ssyncadd.s32 $0xFFFFEC00  }
0x5e: {  	[tilespmem:s18], [sflag:$0x3] =	stream.indirect.gather [hbm4b:s2+s13], $0x80, s31, s13, $0xb8;
	[tilespmem:$0x6800] =	vst v63  }
.Ltmp0:
0x5f: {  	_ = 	snop;
	(pc) =	sbr.rel @p0 .LBB2_2-.Ltmp0, $4  }
0x60: {  	s30 =	sadd.s32 $0x780, s30  }
0x61: {  	[hbm4b:s30+s3] =	stream.linear.scatter [tilespmem:s20], [sflag:$0x5], $0x1400, $0x38;
	[tilespmem:$0x6800] =	vst v63  }
0x62: {  	_ =	swait.ge [sflag:s12], $0x1400  }
0x63: {  	[sflag:s12] =	ssyncset.done $0x0  }
0x64: {  	[sflag:s12] =	ssyncadd.s32 $0xFFFFEC00  }
0x65: {  	_ =	swait.ge [sflag:s19], $0x1400  }
0x66: {  	[sflag:s19] =	ssyncset.done $0x0  }
0x67: {  	[sflag:s19] =	ssyncadd.s32 $0xFFFFEC00  }
0x68: {  	[tilespmem:s20], [sflag:$0x4] =	stream.indirect.gather [hbm4b:s2+s13], $0x80, s24, s13, $0xb8;
	[tilespmem:$0x6800] =	vst v63  }
0x69: {  	_ = 	snop  }
0x6a: {  	[hbm4b:s7+s3] =	stream.linear.scatter [tilespmem:s14], [sflag:$0x5], $0x1400, $0x38;
	[tilespmem:$0x6800] =	vst v63  }
0x6b: {  	_ =	swait.ge [sflag:s12], $0x1400  }
0x6c: {  	[sflag:s12] =	ssyncset.done $0x0  }
0x6d: {  	[sflag:s12] =	ssyncadd.s32 $0xFFFFEC00  }
0x6e: {  	_ =	swait.ge [sflag:s21], $0x1400  }
0x6f: {  	[sflag:s21] =	ssyncset.done $0x0  }
0x70: {  	[sflag:s21] =	ssyncadd.s32 $0xFFFFEC00  }
0x71: {  	[tilespmem:s14], [sflag:$0x1] =	stream.indirect.gather [hbm4b:s2+s13], $0x80, s25, s13, $0xb8;
	[tilespmem:$0x6800] =	vst v63  }
0x72: {  	_ = 	snop  }
0x73: {  	[hbm4b:s8+s3] =	stream.linear.scatter [tilespmem:s16], [sflag:$0x5], $0x1400, $0x38;
	[tilespmem:$0x6800] =	vst v63  }
0x74: {  	_ =	swait.ge [sflag:s12], $0x1400  }
0x75: {  	[sflag:s12] =	ssyncset.done $0x0  }
0x76: {  	[sflag:s12] =	ssyncadd.s32 $0xFFFFEC00  }
0x77: {  	_ =	swait.ge [sflag:s22], $0x1400  }
0x78: {  	[sflag:s22] =	ssyncset.done $0x0  }
0x79: {  	[sflag:s22] =	ssyncadd.s32 $0xFFFFEC00  }
0x7a: {  	[hbm4b:s9+s3] =	stream.linear.scatter [tilespmem:s18], [sflag:$0x5], $0x1400, $0x38;
	[tilespmem:$0x6800] =	vst v63  }
0x7b: {  	_ =	swait.ge [sflag:s12], $0x1400  }
0x7c: {  	[sflag:s12] =	ssyncset.done $0x0  }
0x7d: {  	[sflag:s12] =	ssyncadd.s32 $0xFFFFEC00  }
0x7e: {  	_ =	swait.ge [sflag:s23], $0x1400  }
0x7f: {  	[sflag:s23] =	ssyncset.done $0x0  }
0x80: {  	[sflag:s23] =	ssyncadd.s32 $0xFFFFEC00  }
0x81: {  	[hbm4b:s10+s3] =	stream.linear.scatter [tilespmem:s20], [sflag:$0x5], $0x1400, $0x38;
	[tilespmem:$0x6800] =	vst v63  }
0x82: {  	_ =	swait.ge [sflag:s12], $0x1400  }
0x83: {  	[sflag:s12] =	ssyncset.done $0x0  }
0x84: {  	[sflag:s12] =	ssyncadd.s32 $0xFFFFEC00  }
0x85: {  	s26 =	sadd.s32 $0x1, s26;
	_ =	swait.ge [sflag:s19], $0x1400  }
0x86: {  	p0 =	sne.s32 s26, s6;
	[sflag:s19] =	ssyncset.done $0x0  }
.Ltmp1:
0x87: {  	[sflag:s19] =	ssyncadd.s32 $0xFFFFEC00;
	(pc) =	sbr.rel @p0 .LBB2_1-.Ltmp1, $4  }
0x88: {  	[hbm4b:s5+s3] =	stream.linear.scatter [tilespmem:s14], [sflag:$0x5], $0x1400, $0x38;
	[tilespmem:$0x6800] =	vst v63  }
0x89: {  	_ =	swait.ge [sflag:s12], $0x1400  }
0x8a: {  	[sflag:s12] =	ssyncset.done $0x0  }
0x8b: {  	[sflag:s12] =	ssyncadd.s32 $0xFFFFEC00  }
0x8c: {  	_ =	sfence.sel $0x180000  }
0x8d: {  	[bflag:$0x0] =	sbarrier.arrive $0xFFFF  }
0x8e: {  	p0 =	sne.s32 s0, $0x0;
	_ =	strace $0x9000004A  }
0x8f: {  	s0 =	sadd.s32 @!p0 $0x100000, s1;
	[bflag:$0x2] =	sbarrier.arrive $0xFFFF  }
0x90: {  	[sflag:s0] =	ssyncadd.tile.s32 @!p0 $0x1;
	_ =	shalt  }
.Lfunc_end2:
_tile_overlayer_lowered:
.L_overlay_start_2:
0x91: {  	(tag) =	ssettag $0x2  }
0x92: {  	s0 =	rddreg [dreg:$0x0];
	s2 =	stileid.u32  }
0x93: {  	s1 =	rddreg [dreg:$0x1];
	p0 =	sne.s32 s2, $0x0  }
0x94: {  	s3 =	rddreg [dreg:$0x2];
	[bflag:$0x3] =	sbarrier.arrive $0xFFFF;
	s2 =	simm.s32 @!p0 $0x1C05  }
0x95: {  	[timem:s3], [sflag:s2] =	dma.local @!p0 [hbm:s0], s1  }
0x96: {  	s0 =	simm.s32 @!p0 $0x5  }
0x97: {  	_ =	swait.ge @!p0 [sflag:s0], s1  }
0x98: {  	s1 =	ssub.s32 @!p0 $0x0, s1;
	[sflag:s0] =	ssyncset.done @!p0 $0x0  }
0x99: {  	[sflag:s0] =	ssyncadd.s32 @!p0 s1  }
0x9a: {  	[bflag:$0x3] =	sbarrier.arrive $0xFFFF  }
0x9b: {  	_ =	shalt  }

// kernel: kernel.16.cloned.1.call-start
scs
__scs_entry_jumppad:
0x0: {  	(pc) =	sbr.rel $0x88, $3  }
0x1: {  	(tag) =	ssettag $0x0;
	lr =	simm.s32 $0x1  }
0x2: {  	[smem:$0x3F92] =	sst lr;
	_ =	strace $0xD0000000  }
0x3: {  	_ = 	snop  }
0x4: {  	_ = 	snop  }
0x5: {  	_ = 	snop  }
0x6: {  	_ = 	snop  }
0x7: {  	_ = 	snop  }
__scs_overlays_trampoline_lowered:
0x8: {  	[smem:$0x3FA1] =	sst s0  }
0x9: {  	[smem:$0x3FA2] =	sst s1  }
0xa: {  	[smem:$0x3FA3] =	sst s2  }
0xb: {  	[smem:$0x3FA4] =	sst s3  }
0xc: {  	[smem:$0x3FA5] =	sst s4  }
0xd: {  	[smem:$0x3FA6] =	sst s5  }
0xe: {  	[smem:$0x3FA7] =	sst s6  }
0xf: {  	[smem:$0x3FA8] =	sst s7  }
0x10: {  	[smem:$0x3FA9] =	sst s8  }
0x11: {  	[smem:$0x3FAA] =	sst s9;
	s0 =	simm.s32 @!p0 $0x0  }
0x12: {  	s1 =	sld [smem:$0x3F90];
	s0 =	simm.s32 @p0 $0x1  }
0x13: {  	[smem:$0x3FAB] =	sst s0;
	s0 =	simm.s32 @!p1 $0x0  }
0x14: {  	s2 =	sld [smem:$0x3F8F];
	s0 =	simm.s32 @p1 $0x1  }
0x15: {  	[smem:$0x3FAC] =	sst s0;
	s0 =	simm.s32 @!p2 $0x0  }
0x16: {  	s3 =	sld [smem:$0x3FDB];
	s0 =	simm.s32 @p2 $0x1  }
0x17: {  	s4 =	simm.s32 $0x1BF5;
	[smem:$0x3FAE] =	sst s0  }
0x18: {  	s0 =	sld [smem:$0x3F91];
	_ =	swait.ge [sflag:s4], $0x0  }
0x19: {  	s7 =	sld [smem:$0x3F92]  }
0x1a: {  	s8 =	sadd.s32 $0xFFFFE003, lr  }
0x1b: {  	s9 =	sadd.s32 $0xFFFFFEF7, lr;
	s5 =	simm.s32 $0xFFFFFFFF;
	p2 =	slt.u32 s8, $0xFFFFF086  }
0x1c: {  	p1 =	slt.u32 s9, $0xF7A;
	s5 =	simm.s32 @!p2 $0x0  }
0x1d: {  	s5 =	simm.s32 @p1 $0x1;
	p0 =	seq.s32 s7, s2  }
0x1e: {  	s7 =	smul.u32 @!p0 $0xF7A, s2;
	p2 =	seq.s32 @!p0 s5, $0x0  }
0x1f: {  	s9 =	smul.u32 $0xF7A, s1;
	s8 =	simm.s32 @!p0 $0x1BF5;
	p2 =	por !p2, p0  }
0x20: {  	[sflag:s8] =	ssyncset.s32 @!p0 $0xFFFFF086;
	s6 =	sadd.s32 @!p0 s3, s7;
	s7 =	simm.s32 @!p0 $0x108  }
0x21: {  	s3 =	sadd.s32 s3, s9;
	s6 =	sadd.s32 @!p0 $0x88, s6;
	s7 =	simm.s32 @p2 $0x1082  }
0x22: {  	[simem:s7], [sflag:s8] =	dma.local @!p0 [hbm:s6], $0xF7A  }
0x23: {  	s9 =	sor.u32 $0xD0000000, s2;
	s6 =	simm.s32 $0x108;
	_ =	swait.ge @!p0 [sflag:s8], $0x0  }
0x24: {  	s3 =	sadd.s32 $0x88, s3;
	s6 =	simm.s32 @!p1 $0x1082;
	[sflag:s4] =	ssyncset.s32 $0xFFFFF086  }
0x25: {  	[simem:s6], [sflag:s4] =	dma.local [hbm:s3], $0xF7A  }
0x26: {  	[smem:$0x3F92] =	sst s1;
	(tag) =	ssettag s2;
	_ =	strace s9  }
0x27: {  	s1 =	sld [smem:$0x3FA2]  }
0x28: {  	s2 =	sld [smem:$0x3FA3]  }
0x29: {  	s4 =	sld [smem:$0x3FA5]  }
0x2a: {  	p0 =	seq.s32 s5, $0x0;
	s5 =	sld [smem:$0x3FA6]  }
0x2b: {  	s6 =	sld [smem:$0x3FA7]  }
0x2c: {  	s7 =	sld [smem:$0x3FA8]  }
0x2d: {  	s3 =	simm.s32 $0x108;
	s8 =	sld [smem:$0x3FA9]  }
0x2e: {  	s3 =	simm.s32 @!p0 $0x1082;
	s9 =	sld [smem:$0x3FAA]  }
0x2f: {  	lr =	sadd.s32 s0, s3;
	s0 =	sld [smem:$0x3FA1]  }
0x30: {  	s3 =	sld [smem:$0x3FA4]  }
0x31: {  	[smem:$0x3FAD] =	sst s10  }
0x32: {  	s10 =	sld [smem:$0x3FAB];
	_ =	sdelay $0x3  }
0x33: {  	p0 =	seq.s32 s10, $0x1;
	s10 =	sld [smem:$0x3FAD];
	_ =	sdelay $0x3  }
0x34: {  	[smem:$0x3FAD] =	sst s10  }
0x35: {  	s10 =	sld [smem:$0x3FAC];
	_ =	sdelay $0x3  }
0x36: {  	p1 =	seq.s32 s10, $0x1;
	s10 =	sld [smem:$0x3FAD];
	_ =	sdelay $0x3  }
0x37: {  	[smem:$0x3FAD] =	sst s10  }
0x38: {  	s10 =	sld [smem:$0x3FAE]  }
0x39: {  	_ = 	snop;
	(pc) =	sbr.ind lr, $3  }
0x3a: {  	_ = 	snop  }
0x3b: {  	_ = 	snop  }
0x3c: {  	p2 =	seq.s32 s10, $0x1;
	s10 =	sld [smem:$0x3FAD]  }
0x3d: {  	_ =	shalt  }
0x3e: {  	_ =	shalt  }
0x3f: {  	_ =	shalt  }
0x40: {  	_ =	shalt  }
0x41: {  	_ =	shalt  }
0x42: {  	_ =	shalt  }
0x43: {  	_ =	shalt  }
0x44: {  	_ =	shalt  }
0x45: {  	_ =	shalt  }
0x46: {  	_ =	shalt  }
0x47: {  	_ =	shalt  }
0x48: {  	_ =	shalt  }
0x49: {  	_ =	shalt  }
0x4a: {  	_ =	shalt  }
0x4b: {  	_ =	shalt  }
0x4c: {  	_ =	shalt  }
0x4d: {  	_ =	shalt  }
0x4e: {  	_ =	shalt  }
0x4f: {  	_ =	shalt  }
0x50: {  	_ =	shalt  }
0x51: {  	_ =	shalt  }
0x52: {  	_ =	shalt  }
0x53: {  	_ =	shalt  }
0x54: {  	_ =	shalt  }
0x55: {  	_ =	shalt  }
0x56: {  	_ =	shalt  }
0x57: {  	_ =	shalt  }
0x58: {  	_ =	shalt  }
0x59: {  	_ =	shalt  }
0x5a: {  	_ =	shalt  }
0x5b: {  	_ =	shalt  }
0x5c: {  	_ =	shalt  }
0x5d: {  	_ =	shalt  }
0x5e: {  	_ =	shalt  }
0x5f: {  	_ =	shalt  }
0x60: {  	_ =	shalt  }
0x61: {  	_ =	shalt  }
0x62: {  	_ =	shalt  }
0x63: {  	_ =	shalt  }
0x64: {  	_ =	shalt  }
0x65: {  	_ =	shalt  }
0x66: {  	_ =	shalt  }
0x67: {  	_ =	shalt  }
0x68: {  	_ =	shalt  }
0x69: {  	_ =	shalt  }
0x6a: {  	_ =	shalt  }
0x6b: {  	_ =	shalt  }
0x6c: {  	_ =	shalt  }
0x6d: {  	_ =	shalt  }
0x6e: {  	_ =	shalt  }
0x6f: {  	_ =	shalt  }
0x70: {  	_ =	shalt  }
0x71: {  	_ =	shalt  }
0x72: {  	_ =	shalt  }
0x73: {  	_ =	shalt  }
0x74: {  	_ =	shalt  }
0x75: {  	_ =	shalt  }
0x76: {  	_ =	shalt  }
0x77: {  	_ =	shalt  }
0x78: {  	_ =	shalt  }
0x79: {  	_ =	shalt  }
0x7a: {  	_ =	shalt  }
0x7b: {  	_ =	shalt  }
0x7c: {  	_ =	shalt  }
0x7d: {  	_ =	shalt  }
0x7e: {  	_ =	shalt  }
0x7f: {  	_ =	shalt  }
0x80: {  	_ =	shalt  }
0x81: {  	_ =	shalt  }
0x82: {  	_ =	shalt  }
0x83: {  	_ =	shalt  }
0x84: {  	_ =	shalt  }
0x85: {  	_ =	shalt  }
0x86: {  	_ =	shalt  }
0x87: {  	_ =	shalt  }
.Lfunc_end0:
.L_simem_size_0:
called_computation.2_lowered:
.L_overlay_start_0:
0x88: {  	s2 =	sld [smem:$0x3FD9]  }
0x89: {  	s3 =	sld [smem:$0x3FFE];
	_ =	sdelay $0x1  }
0x8a: {  	s1 =	srdreg.scid  }
0x8b: {  	s0 =	sand.u32 $0x1, s1  }
0x8c: {  	s17 =	sshll.u32 s0, $0xA;
	s2 =	sadd.s32 s3, s2  }
0x8d: {  	s2 =	sadd.s32 s2, s17  }
0x8e: {  	[smem:$0x3FB9] =	sst s2  }
0x8f: {  	_ = 	snop  }
0x90: {  	(tm) =	ssettm $0x1  }
0x91: {  	s18 =	sld [smem:$0x3FFB];
	_ =	sdelay $0x3  }
0x92: {  	_ =	strace s18  }
0x93: {  	s2 =	sld [smem:$0x3FFC];
	_ =	sdelay $0x3  }
0x94: {  	_ =	strace s2  }
0x95: {  	s2 =	sld [smem:$0x3FFD];
	_ =	sdelay $0x3  }
0x96: {  	_ =	strace s2  }
0x97: {  	_ =	strace $0x8FFFFFFF  }
0x98: {  	s19 =	sld [smem:$0x3FDB];
	_ =	sdelay $0x1  }
0x99: {  	s20 =	simm.s32 $_scs_section_size  }
0x9a: {  	s4 =	simm.s32 $_size__tile_overlayer_lowered;
	s5 =	simm.s32 $_tile_overlayer_lowered  }
0x9b: {  	s6 =	simm.s32 $0x1BFF;
	s21 =	sshll.u32 s5, $0x1;
	s3 =	sadd.s32 s20, s19  }
0x9c: {  	s22 =	simm.s32 $0x0;
	s4 =	sshll.u32 s4, $0x1;
	s5 =	sadd.s32 s21, s3  }
0x9d: {  	[timem:s22], [sflag:s6] =	dma.local [hbm:s5], s4  }
0x9e: {  	_ =	swait.ge [sflag:s6], s4  }
0x9f: {  	s4 =	ssub.s32 $0x0, s4;
	[sflag:s6] =	ssyncset.done $0x0  }
0xa0: {  	[sflag:s6] =	ssyncadd.s32 s4;
	_ =	sdelay $0x1  }
0xa1: {  	s23 =	simm.s32 $0x1B8B  }
0xa2: {  	_ =	swait.ge [sflag:s23], $0x1  }
0xa3: {  	[sflag:s23] =	ssyncset.done $0x0  }
0xa4: {  	[sflag:s23] =	ssyncadd.s32 $0xFFFFFFFF  }
0xa5: {  	s4 =	sld [smem:$0x0]  }
0xa6: {  	s5 =	sand.u32 $0xFFFFFFFE, s1  }
0xa7: {  	p0 =	sne.s32 s1, s5  }
0xa8: {  	s5 =	sshll.u32 @p0 s5, $0xE  }
0xa9: {  	s5 =	sadd.s32 @p0 $0x11B8D, s5;
	s6 =	sshll.u32 @p0 s4, $0x11  }
0xaa: {  	s5 =	sor.u32 @p0 s6, s5  }
0xab: {  	[sflag:s5] =	ssyncadd.remote.s32 @p0 $0x1;
	_ =	sdelay $0x1  }
0xac: {  	s5 =	simm.s32 @p0 $0x1B8D  }
0xad: {  	_ =	swait.eq @p0 [sflag:s5], $0x1  }
0xae: {  	[sflag:s5] =	ssyncadd.s32 @p0 $0xFFFFFFFF  }
0xaf: {  	s6 =	sshll.u32 @!p0 s1, $0xE  }
0xb0: {  	s6 =	sor.u32 @!p0 $0x4000, s6;
	s5 =	simm.s32 @!p0 $0x1B8D  }
0xb1: {  	s4 =	sshll.u32 @!p0 s4, $0x11;
	s6 =	sadd.s32 @!p0 $0x11B8D, s6;
	_ =	swait.eq @!p0 [sflag:s5], $0x1  }
0xb2: {  	s4 =	sor.u32 @!p0 s4, s6;
	[sflag:s5] =	ssyncadd.s32 @!p0 $0xFFFFFFFF  }
0xb3: {  	s25 =	simm.s32 $0x1B8E;
	s24 =	sld [smem:$0x3FFE];
	[sflag:s4] =	ssyncadd.remote.s32 @!p0 $0x1  }
0xb4: {  	s26 =	simm.s32 $execute0_lowered;
	[smem:$0x3FD2] =	sst s25  }
0xb5: {  	s5 =	sshll.u32 s26, $0x1;
	_ =	strace $0x8000004C;
	[dreg:$0x1] =	wrdreg $0xFFFFFFFF  }
0xb6: {  	s28 =	simm.s32 $_size_execute0_lowered;
	s3 =	sadd.s32 s3, s5;
	[dreg:$0x0] =	wrdreg $0x0  }
0xb7: {  	s5 =	sshll.u32 s28, $0x1;
	[dreg:$0x2] =	wrdreg s3  }
0xb8: {  	[dreg:$0x3] =	wrdreg s5  }
0xb9: {  	[dreg:$0x4] =	wrdreg $0xC0  }
0xba: {  	_ =	task [dreg:s22], $0x5FFFF  }
0xbb: {  	[dreg:$0x1] =	wrdreg $0xFFFFFFFF  }
0xbc: {  	[dreg:$0x0] =	wrdreg $0x60  }
0xbd: {  	[dreg:$0x2] =	wrdreg s24  }
0xbe: {  	[dreg:$0x3] =	wrdreg $0x0  }
0xbf: {  	[dreg:$0x4] =	wrdreg $0xA  }
0xc0: {  	_ =	task.clear_ibuf [dreg:s22], $0x5FFFF;
	_ =	strace $0x9000004C  }
0xc1: {  	s29 =	simm.s32 $0xA;
	_ =	strace $0x8000004E  }
0xc2: {  	_ =	swait.ge [sflag:s29], $0x1  }
0xc3: {  	[sflag:s29] =	ssyncadd.s32 $0xFFFFFFFF  }
0xc4: {  	_ =	strace $0x9000004E  }
0xc5: {  	_ =	sfence  }
0xc6: {  	s30 =	sld [smem:$0x0];
	_ =	sdelay $0x2  }
0xc7: {  	s31 =	sshll.u32 s1, $0xD;
	s1 =	sshrl.u32 s1, $0x2  }
0xc8: {  	s4 =	sand.u32 $0x4000, s31;
	s1 =	sadd.s32 s1, s30  }
0xc9: {  	s0 =	sor.u32 s4, s0;
	s1 =	sshll.u32 s1, $0x11  }
0xca: {  	s0 =	sor.u32 s1, s0  }
0xcb: {  	s0 =	sadd.s32 $0x8F2B, s0  }
0xcc: {  	[sflag:s0] =	ssyncadd.remote.s32 $0x1  }
0xcd: {  	_ =	sfence.sel $0xFFFF  }
0xce: {  	[dreg:$0x0] =	wrdreg $0xFFFFFFFF;
	(pc) =	sbr.abs _section_cstart, $3  }
0xcf: {  	[dreg:$0x1] =	wrdreg $0xFFFFFFFF  }
0xd0: {  	_ =	task.clear_ibuf [dreg:s22], $0x2FFFF;
	_ =	strace $0x9FFFFFFF  }
0xd1: {  	(tm) =	ssettm $0x7FFFFFFF  }
tec
execute0_lowered:
.L_overlay_start_1:
0x0: {  	(tag) =	ssettag $0x1  }
0x1: {  	s0 =	srdreg.scid  }
0x2: {  	s24 =	stileid.u32;
	s5 =	rddreg [dreg:$0x0]  }
0x3: {  	s2 =	rddreg [dreg:$0x1];
	s3 =	simm.s32 $0x0;
	s18 =	simm.s32 $0x1  }
0x4: {  	s19 =	simm.s32 $0x1A400;
	s20 =	simm.s32 $0x28;
	s21 =	simm.s32 $0x2  }
0x5: {  	s22 =	simm.s32 $0x4;
	s23 =	simm.s32 $0x0;
	s9 =	smul.u32 $0x14000, s24  }
0x6: {  	s8 =	sand.u32 $0x1, s0;
	[smem:$0x7FF] =	sst s3;
	s11 =	smul.u32 $0x50000, s24  }
0x7: {  	s12 =	sadd.s32 $0x284E00, s5;
	s30 =	sshll.u32 s24, $0x6;
	s17 =	smul.u32 $0xC800, s24  }
0x8: {  	s1 =	sshll.u32 s8, $0x4;
	s7 =	smul.u32 $0x140000, s8;
	_ =	strace $0x8000004D  }
0x9: {  	s26 =	ssub.s32 $0x2, s8;
	s31 =	smul.u32 $0xC8000, s8;
	s6 =	sor.u32 s24, s1  }
0xa: {  	s28 =	sshrl.u32 s26, $0x1;
	s29 =	sshrl.u32 s11, $0x2;
	s4 =	smul.u32 $0x500, s6  }
0xb: {  	s25 =	sadd.s32 s9, s7;
	s14 =	smul.u32 $0xC800, s6;
	s15 =	ssub.s32 s26, s28  }
0xc: {  	s16 =	sadd.s32 s29, s2;
	s7 =	sshrl.u32 s25, $0x3;
	s11 =	smax.u32 s15, $0x1  }
0xd: {  	s15 =	simm.s32 $0x16800;
	s10 =	sadd.s32 s4, s5;
	s4 =	sadd.s32 $0x3E00, s5  }
0xe: {  	s13 =	sadd.s32 s7, s5;
	s5 =	sor.u32 $0x1C05, s30;
	s7 =	sadd.s32 s12, s14  }
0xf: {  	s12 =	sadd.s32 s31, s12;
	s14 =	simm.s32 $0x5;
	s6 =	sadd.s32 $0x27AE00, s10  }
0x10: {  	s8 =	sadd.s32 $0x280, s7;
	s9 =	sadd.s32 $0x500, s7;
	s10 =	sadd.s32 $0x6600, s13  }
0x11: {  	s12 =	sadd.s32 s17, s12;
	s13 =	sshrl.u32 s16, $0x3;
	s17 =	simm.s32 $0x19000  }
.LBB2_1:
0x12: {  	[spmem:s13], [sflag:s5] =	dma.local [hbm:s4], $0x2800  }
0x13: {  	_ =	swait.ge [sflag:s14], $0x2800  }
0x14: {  	[sflag:s14] =	ssyncset.done $0x0  }
0x15: {  	s24 =	simm.s32 $0x14000;
	[sflag:s14] =	ssyncadd.s32 $0xFFFFD800  }
0x16: {  	[tilespmem:s24], [sflag:$0x5] =	stream.linear.gather [hbm4b:s6+s3], $0x2800, $0x38;
	[tilespmem:$0x1B800] =	vst v63  }
0x17: {  	_ =	swait.ge [sflag:s14], $0x2800  }
0x18: {  	[sflag:s14] =	ssyncset.done $0x0  }
0x19: {  	[sflag:s14] =	ssyncadd.s32 $0xFFFFD800  }
0x1a: {  	[bflag:$0x0] =	sbarrier.arrive $0xFFFF  }
0x1b: {  	[tilespmem:s15], [sflag:$0x1] =	stream.linear.gather [hbm4b:s7+s3], $0x1400, $0x38;
	[tilespmem:$0x1B800] =	vst v63  }
0x1c: {  	s0 =	simm.s32 $0x17C00  }
0x1d: {  	[tilespmem:s0], [sflag:$0x2] =	stream.linear.gather [hbm4b:s8+s3], $0x1400, $0x38;
	[tilespmem:$0x1B800] =	vst v63  }
0x1e: {  	_ = 	snop  }
0x1f: {  	[tilespmem:s17], [sflag:$0x3] =	stream.linear.gather [hbm4b:s9+s3], $0x1400, $0x38;
	[tilespmem:$0x1B800] =	vst v63  }
0x20: {  	_ =	swait.ge [sflag:s18], $0x1400  }
0x21: {  	s25 =	sadd.s32 $0x0, s12;
	[sflag:s18] =	ssyncset.done $0x0  }
0x22: {  	s25 =	sadd.s32 $0x780, s25;
	[sflag:s18] =	ssyncadd.s32 $0xFFFFEC00  }
0x23: {  	[tilespmem:s19], [sflag:$0x4] =	stream.linear.gather [hbm4b:s25+s3], $0x1400, $0x38;
	[tilespmem:$0x1B800] =	vst v63  }
0x24: {  	_ = 	snop  }
0x25: {  	[spmem:s2] =	stream.indirect.scatter.add.f32 [tilespmem:s15], [sflag:$0x5], $0x80, s24, s20, $0xb8;
	[tilespmem:$0x1B800] =	vst v63  }
0x26: {  	_ =	swait.ge [sflag:s14], $0x1400  }
0x27: {  	[sflag:s14] =	ssyncset.done $0x0  }
0x28: {  	[sflag:s14] =	ssyncadd.s32 $0xFFFFEC00  }
0x29: {  	p0 =	por $0x0, $0x0;
	_ =	swait.ge [sflag:s21], $0x1400  }
0x2a: {  	s26 =	simm.s32 @p0 $0x28;
	s28 =	simm.s32 @p0 $0x17C00;
	[sflag:s21] =	ssyncset.done $0x0  }
0x2b: {  	s29 =	simm.s32 @p0 $0x5;
	s25 =	simm.s32 @p0 $0x14080;
	[sflag:s21] =	ssyncadd.s32 $0xFFFFEC00  }
0x2c: {  	[spmem:s2] =	stream.indirect.scatter.add.f32 @p0 [tilespmem:s28], [sflag:$0x5], $0x80, s25, s26, $0xb8;
	[tilespmem:$0x1B800] =	vst v63  }
0x2d: {  	_ =	swait.ge @p0 [sflag:s29], $0x1400  }
0x2e: {  	[sflag:s29] =	ssyncset.done @p0 $0x0  }
0x2f: {  	s25 =	simm.s32 @p0 $0x3;
	[sflag:s29] =	ssyncadd.s32 @p0 $0xFFFFEC00  }
0x30: {  	_ =	swait.ge @p0 [sflag:s25], $0x1400  }
0x31: {  	s30 =	simm.s32 @!p0 $0x16800;
	s26 =	sadd.s32 @!p0 $0x0, s12;
	[sflag:s25] =	ssyncset.done @p0 $0x0  }
0x32: {  	s28 =	sadd.s32 @!p0 $0xA00, s26;
	s29 =	simm.s32 @!p0 $0x0;
	[sflag:s25] =	ssyncadd.s32 @p0 $0xFFFFEC00  }
0x33: {  	[tilespmem:s30], [sflag:$0x1] =	stream.linear.gather @!p0 [hbm4b:s28+s29], $0x1400, $0x38;
	[tilespmem:$0x1B800] =	vst v63  }
0x34: {  	s25 =	simm.s32 @!p0 $0x17C00;
	s28 =	simm.s32 @!p0 $0x14080;
	s30 =	simm.s32 @!p0 $0x28  }
0x35: {  	[spmem:s2] =	stream.indirect.scatter.add.f32 @!p0 [tilespmem:s25], [sflag:$0x5], $0x80, s28, s30, $0xb8;
	[tilespmem:$0x1B800] =	vst v63  }
0x36: {  	s28 =	simm.s32 @!p0 $0x5  }
0x37: {  	_ =	swait.ge @!p0 [sflag:s28], $0x1400  }
0x38: {  	[sflag:s28] =	ssyncset.done @!p0 $0x0  }
0x39: {  	[sflag:s28] =	ssyncadd.s32 @!p0 $0xFFFFEC00;
	s28 =	simm.s32 @!p0 $0x3  }
0x3a: {  	_ =	swait.ge @!p0 [sflag:s28], $0x1400  }
0x3b: {  	[sflag:s28] =	ssyncset.done @!p0 $0x0  }
0x3c: {  	[sflag:s28] =	ssyncadd.s32 @!p0 $0xFFFFEC00;
	s28 =	sadd.s32 @!p0 $0xC80, s26  }
0x3d: {  	[tilespmem:s25], [sflag:$0x2] =	stream.linear.gather @!p0 [hbm4b:s28+s29], $0x1400, $0x38;
	[tilespmem:$0x1B800] =	vst v63  }
0x3e: {  	s30 =	simm.s32 $0x14100  }
0x3f: {  	[spmem:s2] =	stream.indirect.scatter.add.f32 [tilespmem:s17], [sflag:$0x5], $0x80, s30, s20, $0xb8;
	[tilespmem:$0x1B800] =	vst v63  }
0x40: {  	_ =	swait.ge [sflag:s14], $0x1400  }
0x41: {  	[sflag:s14] =	ssyncset.done $0x0  }
0x42: {  	[sflag:s14] =	ssyncadd.s32 $0xFFFFEC00  }
0x43: {  	_ =	swait.ge [sflag:s22], $0x1400  }
0x44: {  	[sflag:s22] =	ssyncset.done $0x0  }
0x45: {  	s25 =	sadd.s32 @!p0 $0xF00, s26;
	s26 =	simm.s32 @!p0 $0x19000;
	[sflag:s22] =	ssyncadd.s32 $0xFFFFEC00  }
0x46: {  	[tilespmem:s26], [sflag:$0x3] =	stream.linear.gather @!p0 [hbm4b:s25+s29], $0x1400, $0x38;
	[tilespmem:$0x1B800] =	vst v63  }
0x47: {  	s31 =	simm.s32 $0x14180  }
0x48: {  	[spmem:s2] =	stream.indirect.scatter.add.f32 [tilespmem:s19], [sflag:$0x5], $0x80, s31, s20, $0xb8;
	[tilespmem:$0x1B800] =	vst v63  }
0x49: {  	s25 =	simm.s32 $0xA00;
	_ =	swait.ge [sflag:s14], $0x1400  }
.LBB2_2:
0x4a: {  	[sflag:s14] =	ssyncset.done $0x0  }
0x4b: {  	s24 =	sadd.s32 $0x200, s24;
	s26 =	smov.u32 s25;
	s25 =	sadd.s32 $0xA00, s25  }
0x4c: {  	p0 =	sne.s32 s25, $0xC800;
	[sflag:s14] =	ssyncadd.s32 $0xFFFFEC00  }
0x4d: {  	_ =	swait.ge [sflag:s18], $0x1400  }
0x4e: {  	s28 =	sadd.s32 s26, s12;
	[sflag:s18] =	ssyncset.done $0x0  }
0x4f: {  	s28 =	sadd.s32 $0x780, s28;
	[sflag:s18] =	ssyncadd.s32 $0xFFFFEC00  }
0x50: {  	[tilespmem:s19], [sflag:$0x4] =	stream.linear.gather [hbm4b:s28+s3], $0x1400, $0x38;
	[tilespmem:$0x1B800] =	vst v63  }
0x51: {  	_ = 	snop  }
0x52: {  	[spmem:s2] =	stream.indirect.scatter.add.f32 [tilespmem:s15], [sflag:$0x5], $0x80, s24, s20, $0xb8;
	[tilespmem:$0x1B800] =	vst v63  }
0x53: {  	_ =	swait.ge [sflag:s14], $0x1400  }
0x54: {  	[sflag:s14] =	ssyncset.done $0x0  }
0x55: {  	[sflag:s14] =	ssyncadd.s32 $0xFFFFEC00  }
0x56: {  	_ =	swait.ge [sflag:s21], $0x1400  }
0x57: {  	p1 =	seq.s32 s26, $0xBE00;
	[sflag:s21] =	ssyncset.done $0x0  }
0x58: {  	s29 =	simm.s32 @p1 $0x28;
	s28 =	sadd.s32 @p1 $0x80, s24;
	[sflag:s21] =	ssyncadd.s32 $0xFFFFEC00  }
0x59: {  	s30 =	simm.s32 @p1 $0x17C00;
	s31 =	simm.s32 @p1 $0x5;
	s26 =	sadd.s32 @!p1 s26, s12  }
0x5a: {  	[spmem:s2] =	stream.indirect.scatter.add.f32 @p1 [tilespmem:s30], [sflag:$0x5], $0x80, s28, s29, $0xb8;
	[tilespmem:$0x1B800] =	vst v63  }
0x5b: {  	s28 =	sadd.s32 @!p1 $0xA00, s26;
	s29 =	sadd.s32 @!p1 $0xC80, s26;
	_ =	swait.ge @p1 [sflag:s31], $0x1400  }
0x5c: {  	s30 =	simm.s32 @p1 $0x3;
	s26 =	sadd.s32 @!p1 $0xF00, s26;
	[sflag:s31] =	ssyncset.done @p1 $0x0  }
0x5d: {  	[sflag:s31] =	ssyncadd.s32 @p1 $0xFFFFEC00  }
0x5e: {  	s31 =	simm.s32 @!p1 $0x17C00;
	_ =	swait.ge @p1 [sflag:s30], $0x1400  }
0x5f: {  	s1 =	simm.s32 @!p1 $0x0;
	s0 =	simm.s32 @!p1 $0x16800;
	[sflag:s30] =	ssyncset.done @p1 $0x0  }
0x60: {  	s16 =	simm.s32 @!p1 $0x28;
	[sflag:s30] =	ssyncadd.s32 @p1 $0xFFFFEC00;
	s30 =	sadd.s32 @!p1 $0x80, s24  }
0x61: {  	[tilespmem:s0], [sflag:$0x1] =	stream.linear.gather @!p1 [hbm4b:s28+s1], $0x1400, $0x38;
	[tilespmem:$0x1B800] =	vst v63  }
0x62: {  	s0 =	simm.s32 @!p1 $0x5  }
0x63: {  	[spmem:s2] =	stream.indirect.scatter.add.f32 @!p1 [tilespmem:s31], [sflag:$0x5], $0x80, s30, s16, $0xb8;
	[tilespmem:$0x1B800] =	vst v63  }
0x64: {  	_ =	swait.ge @!p1 [sflag:s0], $0x1400  }
0x65: {  	s16 =	simm.s32 @!p1 $0x3;
	[sflag:s0] =	ssyncset.done @!p1 $0x0  }
0x66: {  	[sflag:s0] =	ssyncadd.s32 @!p1 $0xFFFFEC00  }
0x67: {  	_ =	swait.ge @!p1 [sflag:s16], $0x1400  }
0x68: {  	[sflag:s16] =	ssyncset.done @!p1 $0x0  }
0x69: {  	s0 =	sadd.s32 $0x100, s24;
	[sflag:s16] =	ssyncadd.s32 @!p1 $0xFFFFEC00  }
0x6a: {  	[tilespmem:s31], [sflag:$0x2] =	stream.linear.gather @!p1 [hbm4b:s29+s1], $0x1400, $0x38;
	[tilespmem:$0x1B800] =	vst v63  }
0x6b: {  	_ = 	snop  }
0x6c: {  	[spmem:s2] =	stream.indirect.scatter.add.f32 [tilespmem:s17], [sflag:$0x5], $0x80, s0, s20, $0xb8;
	[tilespmem:$0x1B800] =	vst v63  }
0x6d: {  	_ =	swait.ge [sflag:s14], $0x1400  }
0x6e: {  	[sflag:s14] =	ssyncset.done $0x0  }
0x6f: {  	[sflag:s14] =	ssyncadd.s32 $0xFFFFEC00  }
0x70: {  	_ =	swait.ge [sflag:s22], $0x1400  }
0x71: {  	s0 =	simm.s32 @!p1 $0x19000;
	[sflag:s22] =	ssyncset.done $0x0  }
.Ltmp0:
0x72: {  	s16 =	sadd.s32 $0x180, s24;
	[sflag:s22] =	ssyncadd.s32 $0xFFFFEC00;
	(pc) =	sbr.rel @p0 .LBB2_2-.Ltmp0, $4  }
0x73: {  	[tilespmem:s0], [sflag:$0x3] =	stream.linear.gather @!p1 [hbm4b:s26+s1], $0x1400, $0x38;
	[tilespmem:$0x1B800] =	vst v63  }
0x74: {  	_ = 	snop  }
0x75: {  	[spmem:s2] =	stream.indirect.scatter.add.f32 [tilespmem:s19], [sflag:$0x5], $0x80, s16, s20, $0xb8;
	[tilespmem:$0x1B800] =	vst v63  }
0x76: {  	_ =	swait.ge [sflag:s14], $0x1400  }
0x77: {  	[sflag:s14] =	ssyncset.done $0x0;
	s23 =	sadd.s32 $0x1, s23  }
0x78: {  	[sflag:s14] =	ssyncadd.s32 $0xFFFFEC00;
	p0 =	sne.s32 s23, s11  }
.Ltmp1:
0x79: {  	[bflag:$0x0] =	sbarrier.arrive $0xFFFF;
	(pc) =	sbr.rel @p0 .LBB2_1-.Ltmp1, $4  }
0x7a: {  	[hbm:s10], [sflag:s5] =	dma.local [spmem:s13], $0x2800  }
0x7b: {  	_ =	swait.ge [sflag:s14], $0x2800  }
0x7c: {  	[sflag:s14] =	ssyncset.done $0x0  }
0x7d: {  	[sflag:s14] =	ssyncadd.s32 $0xFFFFD800  }
0x7e: {  	_ =	sfence.sel $0x180000  }
0x7f: {  	[bflag:$0x0] =	sbarrier.arrive $0xFFFF  }
0x80: {  	_ =	strace $0x9000004D  }
0x81: {  	s0 =	stileid.u32;
	[bflag:$0x2] =	sbarrier.arrive $0xFFFF  }
0x82: {  	p0 =	sne.s32 s0, $0x0;
	s0 =	rddreg [dreg:$0x2]  }
0x83: {  	s0 =	sadd.s32 @!p0 $0x100000, s0  }
0x84: {  	[sflag:s0] =	ssyncadd.tile.s32 @!p0 $0x1;
	_ =	shalt  }
.Lfunc_end2:
_tile_overlayer_lowered:
.L_overlay_start_2:
0x85: {  	(tag) =	ssettag $0x2  }
0x86: {  	s0 =	rddreg [dreg:$0x0];
	s2 =	stileid.u32  }
0x87: {  	s1 =	rddreg [dreg:$0x1];
	p0 =	sne.s32 s2, $0x0  }
0x88: {  	s3 =	rddreg [dreg:$0x2];
	[bflag:$0x3] =	sbarrier.arrive $0xFFFF;
	s2 =	simm.s32 @!p0 $0x1C05  }
0x89: {  	[timem:s3], [sflag:s2] =	dma.local @!p0 [hbm:s0], s1  }
0x8a: {  	s0 =	simm.s32 @!p0 $0x5  }
0x8b: {  	_ =	swait.ge @!p0 [sflag:s0], s1  }
0x8c: {  	s1 =	ssub.s32 @!p0 $0x0, s1;
	[sflag:s0] =	ssyncset.done @!p0 $0x0  }
0x8d: {  	[sflag:s0] =	ssyncadd.s32 @!p0 s1  }
0x8e: {  	[bflag:$0x3] =	sbarrier.arrive $0xFFFF  }
0x8f: {  	_ =	shalt  }

// kernel: kernel.19.cloned.1.call-start
scs
__scs_entry_jumppad:
0x0: {  	(pc) =	sbr.rel $0x88, $3  }
0x1: {  	(tag) =	ssettag $0x0;
	lr =	simm.s32 $0x1  }
0x2: {  	[smem:$0x3F92] =	sst lr;
	_ =	strace $0xD0000000  }
0x3: {  	_ = 	snop  }
0x4: {  	_ = 	snop  }
0x5: {  	_ = 	snop  }
0x6: {  	_ = 	snop  }
0x7: {  	_ = 	snop  }
__scs_overlays_trampoline_lowered:
0x8: {  	[smem:$0x3FA1] =	sst s0  }
0x9: {  	[smem:$0x3FA2] =	sst s1  }
0xa: {  	[smem:$0x3FA3] =	sst s2  }
0xb: {  	[smem:$0x3FA4] =	sst s3  }
0xc: {  	[smem:$0x3FA5] =	sst s4  }
0xd: {  	[smem:$0x3FA6] =	sst s5  }
0xe: {  	[smem:$0x3FA7] =	sst s6  }
0xf: {  	[smem:$0x3FA8] =	sst s7  }
0x10: {  	[smem:$0x3FA9] =	sst s8  }
0x11: {  	[smem:$0x3FAA] =	sst s9;
	s0 =	simm.s32 @!p0 $0x0  }
0x12: {  	s1 =	sld [smem:$0x3F90];
	s0 =	simm.s32 @p0 $0x1  }
0x13: {  	[smem:$0x3FAB] =	sst s0;
	s0 =	simm.s32 @!p1 $0x0  }
0x14: {  	s2 =	sld [smem:$0x3F8F];
	s0 =	simm.s32 @p1 $0x1  }
0x15: {  	[smem:$0x3FAC] =	sst s0;
	s0 =	simm.s32 @!p2 $0x0  }
0x16: {  	s3 =	sld [smem:$0x3FDB];
	s0 =	simm.s32 @p2 $0x1  }
0x17: {  	s4 =	simm.s32 $0x1BF5;
	[smem:$0x3FAE] =	sst s0  }
0x18: {  	s0 =	sld [smem:$0x3F91];
	_ =	swait.ge [sflag:s4], $0x0  }
0x19: {  	s7 =	sld [smem:$0x3F92]  }
0x1a: {  	s8 =	sadd.s32 $0xFFFFE003, lr  }
0x1b: {  	s9 =	sadd.s32 $0xFFFFFEF7, lr;
	s5 =	simm.s32 $0xFFFFFFFF;
	p2 =	slt.u32 s8, $0xFFFFF086  }
0x1c: {  	p1 =	slt.u32 s9, $0xF7A;
	s5 =	simm.s32 @!p2 $0x0  }
0x1d: {  	s5 =	simm.s32 @p1 $0x1;
	p0 =	seq.s32 s7, s2  }
0x1e: {  	s7 =	smul.u32 @!p0 $0xF7A, s2;
	p2 =	seq.s32 @!p0 s5, $0x0  }
0x1f: {  	s9 =	smul.u32 $0xF7A, s1;
	s8 =	simm.s32 @!p0 $0x1BF5;
	p2 =	por !p2, p0  }
0x20: {  	[sflag:s8] =	ssyncset.s32 @!p0 $0xFFFFF086;
	s6 =	sadd.s32 @!p0 s3, s7;
	s7 =	simm.s32 @!p0 $0x108  }
0x21: {  	s3 =	sadd.s32 s3, s9;
	s6 =	sadd.s32 @!p0 $0x88, s6;
	s7 =	simm.s32 @p2 $0x1082  }
0x22: {  	[simem:s7], [sflag:s8] =	dma.local @!p0 [hbm:s6], $0xF7A  }
0x23: {  	s9 =	sor.u32 $0xD0000000, s2;
	s6 =	simm.s32 $0x108;
	_ =	swait.ge @!p0 [sflag:s8], $0x0  }
0x24: {  	s3 =	sadd.s32 $0x88, s3;
	s6 =	simm.s32 @!p1 $0x1082;
	[sflag:s4] =	ssyncset.s32 $0xFFFFF086  }
0x25: {  	[simem:s6], [sflag:s4] =	dma.local [hbm:s3], $0xF7A  }
0x26: {  	[smem:$0x3F92] =	sst s1;
	(tag) =	ssettag s2;
	_ =	strace s9  }
0x27: {  	s1 =	sld [smem:$0x3FA2]  }
0x28: {  	s2 =	sld [smem:$0x3FA3]  }
0x29: {  	s4 =	sld [smem:$0x3FA5]  }
0x2a: {  	p0 =	seq.s32 s5, $0x0;
	s5 =	sld [smem:$0x3FA6]  }
0x2b: {  	s6 =	sld [smem:$0x3FA7]  }
0x2c: {  	s7 =	sld [smem:$0x3FA8]  }
0x2d: {  	s3 =	simm.s32 $0x108;
	s8 =	sld [smem:$0x3FA9]  }
0x2e: {  	s3 =	simm.s32 @!p0 $0x1082;
	s9 =	sld [smem:$0x3FAA]  }
0x2f: {  	lr =	sadd.s32 s0, s3;
	s0 =	sld [smem:$0x3FA1]  }
0x30: {  	s3 =	sld [smem:$0x3FA4]  }
0x31: {  	[smem:$0x3FAD] =	sst s10  }
0x32: {  	s10 =	sld [smem:$0x3FAB];
	_ =	sdelay $0x3  }
0x33: {  	p0 =	seq.s32 s10, $0x1;
	s10 =	sld [smem:$0x3FAD];
	_ =	sdelay $0x3  }
0x34: {  	[smem:$0x3FAD] =	sst s10  }
0x35: {  	s10 =	sld [smem:$0x3FAC];
	_ =	sdelay $0x3  }
0x36: {  	p1 =	seq.s32 s10, $0x1;
	s10 =	sld [smem:$0x3FAD];
	_ =	sdelay $0x3  }
0x37: {  	[smem:$0x3FAD] =	sst s10  }
0x38: {  	s10 =	sld [smem:$0x3FAE]  }
0x39: {  	_ = 	snop;
	(pc) =	sbr.ind lr, $3  }
0x3a: {  	_ = 	snop  }
0x3b: {  	_ = 	snop  }
0x3c: {  	p2 =	seq.s32 s10, $0x1;
	s10 =	sld [smem:$0x3FAD]  }
0x3d: {  	_ =	shalt  }
0x3e: {  	_ =	shalt  }
0x3f: {  	_ =	shalt  }
0x40: {  	_ =	shalt  }
0x41: {  	_ =	shalt  }
0x42: {  	_ =	shalt  }
0x43: {  	_ =	shalt  }
0x44: {  	_ =	shalt  }
0x45: {  	_ =	shalt  }
0x46: {  	_ =	shalt  }
0x47: {  	_ =	shalt  }
0x48: {  	_ =	shalt  }
0x49: {  	_ =	shalt  }
0x4a: {  	_ =	shalt  }
0x4b: {  	_ =	shalt  }
0x4c: {  	_ =	shalt  }
0x4d: {  	_ =	shalt  }
0x4e: {  	_ =	shalt  }
0x4f: {  	_ =	shalt  }
0x50: {  	_ =	shalt  }
0x51: {  	_ =	shalt  }
0x52: {  	_ =	shalt  }
0x53: {  	_ =	shalt  }
0x54: {  	_ =	shalt  }
0x55: {  	_ =	shalt  }
0x56: {  	_ =	shalt  }
0x57: {  	_ =	shalt  }
0x58: {  	_ =	shalt  }
0x59: {  	_ =	shalt  }
0x5a: {  	_ =	shalt  }
0x5b: {  	_ =	shalt  }
0x5c: {  	_ =	shalt  }
0x5d: {  	_ =	shalt  }
0x5e: {  	_ =	shalt  }
0x5f: {  	_ =	shalt  }
0x60: {  	_ =	shalt  }
0x61: {  	_ =	shalt  }
0x62: {  	_ =	shalt  }
0x63: {  	_ =	shalt  }
0x64: {  	_ =	shalt  }
0x65: {  	_ =	shalt  }
0x66: {  	_ =	shalt  }
0x67: {  	_ =	shalt  }
0x68: {  	_ =	shalt  }
0x69: {  	_ =	shalt  }
0x6a: {  	_ =	shalt  }
0x6b: {  	_ =	shalt  }
0x6c: {  	_ =	shalt  }
0x6d: {  	_ =	shalt  }
0x6e: {  	_ =	shalt  }
0x6f: {  	_ =	shalt  }
0x70: {  	_ =	shalt  }
0x71: {  	_ =	shalt  }
0x72: {  	_ =	shalt  }
0x73: {  	_ =	shalt  }
0x74: {  	_ =	shalt  }
0x75: {  	_ =	shalt  }
0x76: {  	_ =	shalt  }
0x77: {  	_ =	shalt  }
0x78: {  	_ =	shalt  }
0x79: {  	_ =	shalt  }
0x7a: {  	_ =	shalt  }
0x7b: {  	_ =	shalt  }
0x7c: {  	_ =	shalt  }
0x7d: {  	_ =	shalt  }
0x7e: {  	_ =	shalt  }
0x7f: {  	_ =	shalt  }
0x80: {  	_ =	shalt  }
0x81: {  	_ =	shalt  }
0x82: {  	_ =	shalt  }
0x83: {  	_ =	shalt  }
0x84: {  	_ =	shalt  }
0x85: {  	_ =	shalt  }
0x86: {  	_ =	shalt  }
0x87: {  	_ =	shalt  }
.Lfunc_end0:
.L_simem_size_0:
called_computation.3_lowered:
.L_overlay_start_0:
0x88: {  	s2 =	sld [smem:$0x3FD9]  }
0x89: {  	s3 =	sld [smem:$0x3FFE];
	_ =	sdelay $0x1  }
0x8a: {  	s1 =	srdreg.scid  }
0x8b: {  	s0 =	sand.u32 $0x1, s1  }
0x8c: {  	s15 =	sshll.u32 s0, $0xA;
	s2 =	sadd.s32 s3, s2  }
0x8d: {  	s2 =	sadd.s32 s2, s15  }
0x8e: {  	[smem:$0x3FB9] =	sst s2  }
0x8f: {  	_ = 	snop  }
0x90: {  	s2 =	sld [smem:$0x3FD0];
	_ =	sdelay $0x2  }
0x91: {  	s16 =	simm.s32 $0xB;
	s4 =	simm.s32 $0x10  }
0x92: {  	[smem:s4], [sflag:s16] =	dma.local [hbm:s2], $0x1  }
0x93: {  	_ =	swait.eq [sflag:s16], $0x1  }
0x94: {  	[sflag:s16] =	ssyncset.done $0x0  }
0x95: {  	[sflag:s16] =	ssyncadd.s32 $0xFFFFFFFF  }
0x96: {  	s17 =	sld [smem:$0x11];
	(tm) =	ssettm $0x1  }
0x97: {  	s18 =	sld [smem:$0x3FFB];
	_ =	sdelay $0x3  }
0x98: {  	_ =	strace s18  }
0x99: {  	s2 =	sld [smem:$0x3FFC];
	_ =	sdelay $0x3  }
0x9a: {  	_ =	strace s2  }
0x9b: {  	s2 =	sld [smem:$0x3FFD];
	_ =	sdelay $0x3  }
0x9c: {  	_ =	strace s2  }
0x9d: {  	_ =	strace $0x8FFFFFFF  }
0x9e: {  	s19 =	sld [smem:$0x3FDB];
	_ =	sdelay $0x1  }
0x9f: {  	s20 =	simm.s32 $_scs_section_size  }
0xa0: {  	s5 =	simm.s32 $_size__tile_overlayer_lowered;
	s6 =	simm.s32 $_tile_overlayer_lowered  }
0xa1: {  	s7 =	simm.s32 $0x1BFF;
	s21 =	sshll.u32 s6, $0x1;
	s4 =	sadd.s32 s20, s19  }
0xa2: {  	s22 =	simm.s32 $0x0;
	s5 =	sshll.u32 s5, $0x1;
	s6 =	sadd.s32 s21, s4  }
0xa3: {  	[timem:s22], [sflag:s7] =	dma.local [hbm:s6], s5  }
0xa4: {  	_ =	swait.ge [sflag:s7], s5  }
0xa5: {  	s5 =	ssub.s32 $0x0, s5;
	[sflag:s7] =	ssyncset.done $0x0  }
0xa6: {  	[sflag:s7] =	ssyncadd.s32 s5;
	_ =	sdelay $0x1  }
0xa7: {  	s23 =	simm.s32 $0x1B8B  }
0xa8: {  	_ =	swait.ge [sflag:s23], $0x1  }
0xa9: {  	[sflag:s23] =	ssyncset.done $0x0  }
0xaa: {  	[sflag:s23] =	ssyncadd.s32 $0xFFFFFFFF  }
0xab: {  	s5 =	sld [smem:$0x0]  }
0xac: {  	s6 =	sand.u32 $0xFFFFFFFE, s1  }
0xad: {  	p0 =	sne.s32 s1, s6  }
0xae: {  	s6 =	sshll.u32 @p0 s6, $0xE  }
0xaf: {  	s6 =	sadd.s32 @p0 $0x11B8D, s6;
	s7 =	sshll.u32 @p0 s5, $0x11  }
0xb0: {  	s6 =	sor.u32 @p0 s7, s6  }
0xb1: {  	[sflag:s6] =	ssyncadd.remote.s32 @p0 $0x1;
	_ =	sdelay $0x1  }
0xb2: {  	s6 =	simm.s32 @p0 $0x1B8D  }
0xb3: {  	_ =	swait.eq @p0 [sflag:s6], $0x1  }
0xb4: {  	[sflag:s6] =	ssyncadd.s32 @p0 $0xFFFFFFFF  }
0xb5: {  	s7 =	sshll.u32 @!p0 s1, $0xE  }
0xb6: {  	s7 =	sor.u32 @!p0 $0x4000, s7;
	s6 =	simm.s32 @!p0 $0x1B8D  }
0xb7: {  	s5 =	sshll.u32 @!p0 s5, $0x11;
	s7 =	sadd.s32 @!p0 $0x11B8D, s7;
	_ =	swait.eq @!p0 [sflag:s6], $0x1  }
0xb8: {  	s5 =	sor.u32 @!p0 s5, s7;
	[sflag:s6] =	ssyncadd.s32 @!p0 $0xFFFFFFFF  }
0xb9: {  	s25 =	simm.s32 $0x1B8E;
	s24 =	sld [smem:$0x3FFE];
	[sflag:s5] =	ssyncadd.remote.s32 @!p0 $0x1  }
0xba: {  	s26 =	simm.s32 $execute0_lowered;
	[smem:$0x3FD2] =	sst s25  }
0xbb: {  	s6 =	sshll.u32 s26, $0x1;
	_ =	strace $0x8000004F;
	[dreg:$0x1] =	wrdreg $0xFFFFFFFF  }
0xbc: {  	s28 =	simm.s32 $_size_execute0_lowered;
	s4 =	sadd.s32 s4, s6;
	[dreg:$0x0] =	wrdreg $0x0  }
0xbd: {  	s6 =	sshll.u32 s28, $0x1;
	[dreg:$0x2] =	wrdreg s4  }
0xbe: {  	[dreg:$0x3] =	wrdreg s6  }
0xbf: {  	[dreg:$0x4] =	wrdreg $0xC0  }
0xc0: {  	_ =	task [dreg:s22], $0x5FFFF  }
0xc1: {  	[dreg:$0x1] =	wrdreg $0xFFFFFFFF  }
0xc2: {  	[dreg:$0x0] =	wrdreg $0x60  }
0xc3: {  	[dreg:$0x2] =	wrdreg s24  }
0xc4: {  	[dreg:$0x3] =	wrdreg s17  }
0xc5: {  	[dreg:$0x4] =	wrdreg $0x0  }
0xc6: {  	[dreg:$0x5] =	wrdreg $0x9  }
0xc7: {  	_ =	task.clear_ibuf [dreg:s22], $0x6FFFF;
	_ =	strace $0x9000004F  }
0xc8: {  	s29 =	simm.s32 $0x9;
	_ =	strace $0x80000051  }
0xc9: {  	_ =	swait.ge [sflag:s29], $0x1  }
0xca: {  	[sflag:s29] =	ssyncadd.s32 $0xFFFFFFFF  }
0xcb: {  	_ =	strace $0x90000051  }
0xcc: {  	_ =	sfence  }
0xcd: {  	s30 =	sld [smem:$0x0];
	_ =	sdelay $0x2  }
0xce: {  	s31 =	sshll.u32 s1, $0xD;
	s1 =	sshrl.u32 s1, $0x2  }
0xcf: {  	s4 =	sand.u32 $0x4000, s31;
	s1 =	sadd.s32 s1, s30  }
0xd0: {  	s0 =	sor.u32 s4, s0;
	s1 =	sshll.u32 s1, $0x11  }
0xd1: {  	s0 =	sor.u32 s1, s0  }
0xd2: {  	s0 =	sadd.s32 $0x8F2B, s0  }
0xd3: {  	[sflag:s0] =	ssyncadd.remote.s32 $0x1  }
0xd4: {  	_ =	sfence.sel $0xFFFF  }
0xd5: {  	[dreg:$0x0] =	wrdreg $0xFFFFFFFF;
	(pc) =	sbr.abs _section_cstart, $3  }
0xd6: {  	[dreg:$0x1] =	wrdreg $0xFFFFFFFF  }
0xd7: {  	_ =	task.clear_ibuf [dreg:s22], $0x2FFFF;
	_ =	strace $0x9FFFFFFF  }
0xd8: {  	(tm) =	ssettm $0x7FFFFFFF  }
0xd9: {  	_ =	shalt  }
tec
execute0_lowered:
.L_overlay_start_1:
0x0: {  	(tag) =	ssettag $0x1  }
0x1: {  	s5 =	rddreg [dreg:$0x0]  }
0x2: {  	s6 =	rddreg [dreg:$0x1];
	s0 =	srdreg.scid  }
0x3: {  	s2 =	rddreg [dreg:$0x2];
	s24 =	stileid.u32  }
0x4: {  	s3 =	simm.s32 $0x0;
	s17 =	simm.s32 $0x16C00;
	s19 =	simm.s32 $0x1  }
0x5: {  	s20 =	simm.s32 $0x19400;
	s21 =	simm.s32 $0x28;
	s8 =	smul.u32 $0x14000, s24  }
0x6: {  	s22 =	simm.s32 $0x2;
	s23 =	simm.s32 $0x3;
	s12 =	smul.u32 $0x50000, s24  }
0x7: {  	s7 =	sand.u32 $0x1, s0;
	[smem:$0x7FF] =	sst s3;
	s16 =	smul.u32 $0x7080, s24  }
0x8: {  	s9 =	sadd.s32 $0x56600, s5;
	s30 =	sshll.u32 s24, $0x6;
	s4 =	smul.u32 $0x140000, s7  }
0x9: {  	_ =	strace $0x80000050;
	s10 =	sshll.u32 s7, $0x4;
	s11 =	ssub.s32 $0x2, s7  }
0xa: {  	s15 =	smul.u32 $0x70800, s7;
	s10 =	sor.u32 s24, s10;
	s25 =	sshrl.u32 s11, $0x1  }
0xb: {  	s28 =	sshrl.u32 s12, $0x2;
	s24 =	simm.s32 $0x15600;
	s26 =	smul.u32 $0x300, s10  }
0xc: {  	s8 =	sadd.s32 s8, s4;
	s4 =	sadd.s32 $0x3E00, s5;
	s29 =	smul.u32 $0x38400, s10  }
0xd: {  	s11 =	ssub.s32 s11, s25;
	s14 =	sadd.s32 s28, s2;
	s10 =	smul.u32 $0x7080, s10  }
0xe: {  	s15 =	sadd.s32 s15, s9;
	s25 =	simm.s32 $0x0;
	s8 =	sshrl.u32 s8, $0x3  }
0xf: {  	s31 =	sadd.s32 s16, s15;
	s11 =	smax.u32 s11, $0x1;
	s16 =	simm.s32 $0x15800  }
0x10: {  	s13 =	sadd.s32 s8, s5;
	s5 =	sor.u32 $0x1C05, s30;
	s12 =	sshrl.u32 s29, $0x3  }
0x11: {  	s6 =	sadd.s32 s6, s26;
	s7 =	sadd.s32 s9, s10;
	s12 =	sadd.s32 s9, s12  }
0x12: {  	s10 =	sadd.s32 $0x137600, s13;
	s13 =	sshrl.u32 s14, $0x3;
	s14 =	simm.s32 $0x5  }
0x13: {  	s8 =	sadd.s32 $0x280, s12;
	s9 =	sadd.s32 $0x500, s12;
	s12 =	sadd.s32 $0x780, s31  }
.LBB2_1:
0x14: {  	[spmem:s13], [sflag:s5] =	dma.local [hbm:s4], $0x2800  }
0x15: {  	_ =	swait.ge [sflag:s14], $0x2800  }
0x16: {  	[sflag:s14] =	ssyncset.done $0x0  }
0x17: {  	s0 =	simm.s32 $0x14000;
	[sflag:s14] =	ssyncadd.s32 $0xFFFFD800  }
0x18: {  	[tilespmem:s0], [sflag:$0x5] =	stream.linear.gather [hbm4b:s6+s3], $0x1680, $0x38;
	[tilespmem:$0x1A800] =	vst v63  }
0x19: {  	_ =	swait.ge [sflag:s14], $0x1680  }
0x1a: {  	[sflag:s14] =	ssyncset.done $0x0  }
0x1b: {  	[sflag:s14] =	ssyncadd.s32 $0xFFFFE980  }
0x1c: {  	[bflag:$0x0] =	sbarrier.arrive $0xFFFF  }
0x1d: {  	[tilespmem:s16], [sflag:$0x1] =	stream.linear.gather [hbm4b:s7+s3], $0x1400, $0x38;
	[tilespmem:$0x1A800] =	vst v63  }
0x1e: {  	_ = 	snop  }
0x1f: {  	[tilespmem:s17], [sflag:$0x2] =	stream.linear.gather [hbm4b:s8+s3], $0x1400, $0x38;
	[tilespmem:$0x1A800] =	vst v63  }
0x20: {  	s26 =	simm.s32 $0x18000  }
0x21: {  	[tilespmem:s26], [sflag:$0x3] =	stream.linear.gather [hbm4b:s9+s3], $0x1400, $0x38;
	[tilespmem:$0x1A800] =	vst v63  }
0x22: {  	_ =	swait.ge [sflag:s19], $0x1400  }
0x23: {  	[sflag:s19] =	ssyncset.done $0x0  }
0x24: {  	[sflag:s19] =	ssyncadd.s32 $0xFFFFEC00  }
0x25: {  	[tilespmem:s20], [sflag:$0x4] =	stream.linear.gather [hbm4b:s12+s3], $0x1400, $0x38;
	[tilespmem:$0x1A800] =	vst v63  }
0x26: {  	s26 =	simm.s32 $0x14000  }
0x27: {  	[spmem:s2] =	stream.indirect.scatter.add.f32 [tilespmem:s16], [sflag:$0x5], $0x80, s26, s21, $0xb8;
	[tilespmem:$0x1A800] =	vst v63  }
0x28: {  	_ =	swait.ge [sflag:s14], $0x1400  }
0x29: {  	[sflag:s14] =	ssyncset.done $0x0  }
0x2a: {  	[sflag:s14] =	ssyncadd.s32 $0xFFFFEC00  }
0x2b: {  	_ =	swait.ge [sflag:s22], $0x1400  }
0x2c: {  	[sflag:s22] =	ssyncset.done $0x0  }
0x2d: {  	s29 =	sadd.s32 $0x280, s12;
	[sflag:s22] =	ssyncadd.s32 $0xFFFFEC00  }
0x2e: {  	[tilespmem:s16], [sflag:$0x1] =	stream.linear.gather [hbm4b:s29+s3], $0x1400, $0x38;
	[tilespmem:$0x1A800] =	vst v63  }
0x2f: {  	s30 =	simm.s32 $0x14080  }
0x30: {  	[spmem:s2] =	stream.indirect.scatter.add.f32 [tilespmem:s17], [sflag:$0x5], $0x80, s30, s21, $0xb8;
	[tilespmem:$0x1A800] =	vst v63  }
0x31: {  	_ =	swait.ge [sflag:s14], $0x1400  }
0x32: {  	[sflag:s14] =	ssyncset.done $0x0  }
0x33: {  	[sflag:s14] =	ssyncadd.s32 $0xFFFFEC00  }
0x34: {  	p0 =	por $0x0, $0x0;
	_ =	swait.ge [sflag:s23], $0x1400  }
0x35: {  	s28 =	simm.s32 @p0 $0x14100;
	[sflag:s23] =	ssyncset.done $0x0  }
0x36: {  	s26 =	simm.s32 @p0 $0x28;
	s29 =	simm.s32 @p0 $0x18000;
	[sflag:s23] =	ssyncadd.s32 $0xFFFFEC00  }
0x37: {  	[spmem:s2] =	stream.indirect.scatter.add.f32 @p0 [tilespmem:s29], [sflag:$0x5], $0x80, s28, s26, $0xb8;
	[tilespmem:$0x1A800] =	vst v63  }
0x38: {  	s26 =	simm.s32 @p0 $0x5  }
0x39: {  	_ =	swait.ge @p0 [sflag:s26], $0x1400  }
0x3a: {  	[sflag:s26] =	ssyncset.done @p0 $0x0  }
0x3b: {  	s28 =	simm.s32 @p0 $0x4;
	[sflag:s26] =	ssyncadd.s32 @p0 $0xFFFFEC00  }
0x3c: {  	_ =	swait.ge @p0 [sflag:s28], $0x1400  }
0x3d: {  	s30 =	simm.s32 @!p0 $0x0;
	[sflag:s28] =	ssyncset.done @p0 $0x0  }
0x3e: {  	s29 =	sadd.s32 @!p0 $0x500, s12;
	s26 =	simm.s32 @!p0 $0x16C00;
	[sflag:s28] =	ssyncadd.s32 @p0 $0xFFFFEC00  }
0x3f: {  	[tilespmem:s26], [sflag:$0x2] =	stream.linear.gather @!p0 [hbm4b:s29+s30], $0x1400, $0x38;
	[tilespmem:$0x1A800] =	vst v63  }
0x40: {  	s28 =	simm.s32 @!p0 $0x28;
	s26 =	simm.s32 @!p0 $0x14100;
	s29 =	simm.s32 @!p0 $0x18000  }
0x41: {  	[spmem:s2] =	stream.indirect.scatter.add.f32 @!p0 [tilespmem:s29], [sflag:$0x5], $0x80, s26, s28, $0xb8;
	[tilespmem:$0x1A800] =	vst v63  }
0x42: {  	s26 =	simm.s32 @!p0 $0x5  }
0x43: {  	_ =	swait.ge @!p0 [sflag:s26], $0x1400  }
0x44: {  	[sflag:s26] =	ssyncset.done @!p0 $0x0  }
0x45: {  	[sflag:s26] =	ssyncadd.s32 @!p0 $0xFFFFEC00;
	s26 =	simm.s32 @!p0 $0x4  }
0x46: {  	_ =	swait.ge @!p0 [sflag:s26], $0x1400  }
0x47: {  	[sflag:s26] =	ssyncset.done @!p0 $0x0  }
0x48: {  	[sflag:s26] =	ssyncadd.s32 @!p0 $0xFFFFEC00;
	s26 =	sadd.s32 @!p0 $0x780, s12  }
0x49: {  	[tilespmem:s29], [sflag:$0x3] =	stream.linear.gather @!p0 [hbm4b:s26+s30], $0x1400, $0x38;
	[tilespmem:$0x1A800] =	vst v63  }
0x4a: {  	s31 =	simm.s32 $0x14180  }
0x4b: {  	[spmem:s2] =	stream.indirect.scatter.add.f32 [tilespmem:s20], [sflag:$0x5], $0x80, s31, s21, $0xb8;
	[tilespmem:$0x1A800] =	vst v63  }
0x4c: {  	s28 =	smov.u32 s12;
	s26 =	simm.s32 $0x800;
	_ =	swait.ge [sflag:s14], $0x1400  }
.LBB2_2:
0x4d: {  	[sflag:s14] =	ssyncset.done $0x0  }
0x4e: {  	s28 =	sadd.s32 $0xA00, s28;
	s30 =	smov.u32 s26;
	s26 =	sadd.s32 $0x800, s26  }
0x4f: {  	p0 =	sne.s32 s26, $0x5800;
	[sflag:s14] =	ssyncadd.s32 $0xFFFFEC00  }
0x50: {  	_ =	swait.ge [sflag:s19], $0x1400  }
0x51: {  	[sflag:s19] =	ssyncset.done $0x0  }
0x52: {  	s29 =	sshra.s32 s30, $0x2;
	[sflag:s19] =	ssyncadd.s32 $0xFFFFEC00  }
0x53: {  	[tilespmem:s20], [sflag:$0x4] =	stream.linear.gather [hbm4b:s28+s3], $0x1400, $0x38;
	[tilespmem:$0x1A800] =	vst v63  }
0x54: {  	s31 =	sadd.s32 $0x14000, s29  }
0x55: {  	[spmem:s2] =	stream.indirect.scatter.add.f32 [tilespmem:s16], [sflag:$0x5], $0x80, s31, s21, $0xb8;
	[tilespmem:$0x1A800] =	vst v63  }
0x56: {  	_ =	swait.ge [sflag:s14], $0x1400  }
0x57: {  	[sflag:s14] =	ssyncset.done $0x0  }
0x58: {  	[sflag:s14] =	ssyncadd.s32 $0xFFFFEC00  }
0x59: {  	_ =	swait.ge [sflag:s22], $0x1400  }
0x5a: {  	[sflag:s22] =	ssyncset.done $0x0  }
0x5b: {  	s31 =	sadd.s32 $0x280, s28;
	[sflag:s22] =	ssyncadd.s32 $0xFFFFEC00  }
0x5c: {  	[tilespmem:s16], [sflag:$0x1] =	stream.linear.gather [hbm4b:s31+s3], $0x1400, $0x38;
	[tilespmem:$0x1A800] =	vst v63  }
0x5d: {  	s31 =	sadd.s32 $0x14080, s29  }
0x5e: {  	[spmem:s2] =	stream.indirect.scatter.add.f32 [tilespmem:s17], [sflag:$0x5], $0x80, s31, s21, $0xb8;
	[tilespmem:$0x1A800] =	vst v63  }
0x5f: {  	_ =	swait.ge [sflag:s14], $0x1400  }
0x60: {  	[sflag:s14] =	ssyncset.done $0x0  }
0x61: {  	[sflag:s14] =	ssyncadd.s32 $0xFFFFEC00  }
0x62: {  	p1 =	seq.s32 s30, $0x5000;
	_ =	swait.ge [sflag:s23], $0x1400  }
0x63: {  	s0 =	simm.s32 @p1 $0x28;
	s31 =	sshra.s32 @p1 s30, $0x2;
	[sflag:s23] =	ssyncset.done $0x0  }
0x64: {  	s1 =	simm.s32 @p1 $0x18000;
	s31 =	sadd.s32 @p1 $0x14100, s31;
	[sflag:s23] =	ssyncadd.s32 $0xFFFFEC00  }
0x65: {  	[spmem:s2] =	stream.indirect.scatter.add.f32 @p1 [tilespmem:s1], [sflag:$0x5], $0x80, s31, s0, $0xb8;
	[tilespmem:$0x1A800] =	vst v63  }
0x66: {  	s0 =	simm.s32 @p1 $0x5;
	s1 =	sshra.s32 @!p1 s30, $0x2  }
0x67: {  	s1 =	sadd.s32 @!p1 $0x14100, s1;
	_ =	swait.ge @p1 [sflag:s0], $0x1400  }
0x68: {  	s30 =	simm.s32 @p1 $0x4;
	[sflag:s0] =	ssyncset.done @p1 $0x0  }
0x69: {  	[sflag:s0] =	ssyncadd.s32 @p1 $0xFFFFEC00  }
0x6a: {  	s0 =	simm.s32 @!p1 $0x16C00;
	_ =	swait.ge @p1 [sflag:s30], $0x1400  }
0x6b: {  	s15 =	simm.s32 @!p1 $0x0;
	s31 =	sadd.s32 @!p1 $0x500, s28;
	[sflag:s30] =	ssyncset.done @p1 $0x0  }
0x6c: {  	s18 =	simm.s32 @!p1 $0x18000;
	[sflag:s30] =	ssyncadd.s32 @p1 $0xFFFFEC00;
	s30 =	simm.s32 @!p1 $0x28  }
0x6d: {  	[tilespmem:s0], [sflag:$0x2] =	stream.linear.gather @!p1 [hbm4b:s31+s15], $0x1400, $0x38;
	[tilespmem:$0x1A800] =	vst v63  }
0x6e: {  	s0 =	simm.s32 @!p1 $0x5  }
0x6f: {  	[spmem:s2] =	stream.indirect.scatter.add.f32 @!p1 [tilespmem:s18], [sflag:$0x5], $0x80, s1, s30, $0xb8;
	[tilespmem:$0x1A800] =	vst v63  }
0x70: {  	_ =	swait.ge @!p1 [sflag:s0], $0x1400  }
0x71: {  	s1 =	simm.s32 @!p1 $0x4;
	[sflag:s0] =	ssyncset.done @!p1 $0x0  }
0x72: {  	[sflag:s0] =	ssyncadd.s32 @!p1 $0xFFFFEC00  }
0x73: {  	_ =	swait.ge @!p1 [sflag:s1], $0x1400  }
0x74: {  	s0 =	sadd.s32 @!p1 $0x780, s28;
	[sflag:s1] =	ssyncset.done @!p1 $0x0  }
.Ltmp0:
0x75: {  	[sflag:s1] =	ssyncadd.s32 @!p1 $0xFFFFEC00;
	s1 =	sadd.s32 $0x14180, s29;
	(pc) =	sbr.rel @p0 .LBB2_2-.Ltmp0, $4  }
0x76: {  	[tilespmem:s18], [sflag:$0x3] =	stream.linear.gather @!p1 [hbm4b:s0+s15], $0x1400, $0x38;
	[tilespmem:$0x1A800] =	vst v63  }
0x77: {  	_ = 	snop  }
0x78: {  	[spmem:s2] =	stream.indirect.scatter.add.f32 [tilespmem:s20], [sflag:$0x5], $0x80, s1, s21, $0xb8;
	[tilespmem:$0x1A800] =	vst v63  }
0x79: {  	_ =	swait.ge [sflag:s14], $0x1400  }
0x7a: {  	[sflag:s14] =	ssyncset.done $0x0  }
0x7b: {  	[sflag:s14] =	ssyncadd.s32 $0xFFFFEC00  }
0x7c: {  	_ =	swait.ge [sflag:s19], $0x1400  }
0x7d: {  	[sflag:s19] =	ssyncset.done $0x0  }
0x7e: {  	[sflag:s19] =	ssyncadd.s32 $0xFFFFEC00  }
0x7f: {  	[spmem:s2] =	stream.indirect.scatter.add.f32 [tilespmem:s16], [sflag:$0x5], $0x80, s24, s21, $0xb8;
	[tilespmem:$0x1A800] =	vst v63  }
0x80: {  	_ =	swait.ge [sflag:s14], $0x1400  }
0x81: {  	s25 =	sadd.s32 $0x1, s25;
	[sflag:s14] =	ssyncset.done $0x0  }
0x82: {  	p0 =	sne.s32 s25, s11;
	[sflag:s14] =	ssyncadd.s32 $0xFFFFEC00  }
.Ltmp1:
0x83: {  	[bflag:$0x0] =	sbarrier.arrive $0xFFFF;
	(pc) =	sbr.rel @p0 .LBB2_1-.Ltmp1, $4  }
0x84: {  	[hbm:s10], [sflag:s5] =	dma.local [spmem:s13], $0x2800  }
0x85: {  	_ =	swait.ge [sflag:s14], $0x2800  }
0x86: {  	[sflag:s14] =	ssyncset.done $0x0  }
0x87: {  	[sflag:s14] =	ssyncadd.s32 $0xFFFFD800  }
0x88: {  	_ =	sfence.sel $0x180000  }
0x89: {  	[bflag:$0x0] =	sbarrier.arrive $0xFFFF  }
0x8a: {  	_ =	strace $0x90000050  }
0x8b: {  	s0 =	stileid.u32;
	[bflag:$0x2] =	sbarrier.arrive $0xFFFF  }
0x8c: {  	p0 =	sne.s32 s0, $0x0;
	s0 =	rddreg [dreg:$0x3]  }
0x8d: {  	s0 =	sadd.s32 @!p0 $0x100000, s0  }
0x8e: {  	[sflag:s0] =	ssyncadd.tile.s32 @!p0 $0x1;
	_ =	shalt  }
.Lfunc_end2:
_tile_overlayer_lowered:
.L_overlay_start_2:
0x8f: {  	(tag) =	ssettag $0x2  }
0x90: {  	s0 =	rddreg [dreg:$0x0];
	s2 =	stileid.u32  }
0x91: {  	s1 =	rddreg [dreg:$0x1];
	p0 =	sne.s32 s2, $0x0  }
0x92: {  	s3 =	rddreg [dreg:$0x2];
	[bflag:$0x3] =	sbarrier.arrive $0xFFFF;
	s2 =	simm.s32 @!p0 $0x1C05  }
0x93: {  	[timem:s3], [sflag:s2] =	dma.local @!p0 [hbm:s0], s1  }
0x94: {  	s0 =	simm.s32 @!p0 $0x5  }
0x95: {  	_ =	swait.ge @!p0 [sflag:s0], s1  }
0x96: {  	s1 =	ssub.s32 @!p0 $0x0, s1;
	[sflag:s0] =	ssyncset.done @!p0 $0x0  }
0x97: {  	[sflag:s0] =	ssyncadd.s32 @!p0 s1  }
0x98: {  	[bflag:$0x3] =	sbarrier.arrive $0xFFFF  }
0x99: {  	_ =	shalt  }

</sc_bundles>
